<compile_context>
chip_gen: v7x
topology: tpu7x:2x2x1
jax: 0.10.2.dev20260603
libtpu: 0.0.44.dev20260713+nightly
codegen_flags: <defaults>
</compile_context>

<pallas_src>
import functools

import jax
import jax.numpy as jnp
from jax import lax
from jax.experimental import pallas as pl
from jax.experimental.pallas import tpu as pltpu
from jax.experimental.pallas import tpu_sc as plsc

_N = 10000
_E = 320000
_H = 128
_C = 40

_NC = 2
_NS = 16
_NW = _NC * _NS
_B = 80
_BE = 80
_RPS = _N // _NS

_NCH_E = _E // _NW // _BE
_NCH_C = _E // _NS // _B
_RING = 5


def _mesh():
    return plsc.VectorSubcoreMesh(core_axis_name="c", subcore_axis_name="s")


def _sc_agg_col(fw):

    @functools.partial(
        pl.kernel,
        mesh=_mesh(),
        compiler_params=pltpu.CompilerParams(use_tc_tiling_on_sc=False),
        out_type=jax.ShapeDtypeStruct((_NC, _N, fw), jnp.float32),
        scratch_types=[
            pltpu.VMEM((_NCH_C, _B), jnp.int32),
            pltpu.VMEM((_NCH_C, _B), jnp.int32),
            [pltpu.VMEM((_B, fw), jnp.float32) for _ in range(_RING)],
            [pltpu.SemaphoreType.DMA for _ in range(_RING)],
            pltpu.VMEM_SHARED((_N, fw), jnp.float32),
        ],
    )
    def k(y_hbm, edges_hbm, zeros_hbm, out_hbm,
          src_v, dst_v, bufs, sems, acc):
        c = lax.axis_index("c")
        s = lax.axis_index("s")
        coff = c * _N

        pltpu.sync_copy(edges_hbm.at[s], src_v)
        pltpu.sync_copy(zeros_hbm, acc.at[pl.ds(s * _RPS, _RPS)])

        def unpack(r, carry):
            for l in range(_B // 16):
                sl = pl.ds(l * 16, 16)
                p = src_v[r, sl]
                dst_v[r, sl] = lax.shift_right_logical(p, 16)
                src_v[r, sl] = (p & 0xFFFF) + coff
            return carry

        lax.fori_loop(0, _NCH_C, unpack, 0, unroll=False)
        plsc.subcore_barrier()

        for b in range(_RING):
            pltpu.async_copy(y_hbm.at[src_v.at[b]], bufs[b], sems[b])

        def body(g, carry):
            j0 = g * _RING
            for b in range(_RING):
                j = j0 + b
                pltpu.make_async_copy(y_hbm.at[src_v.at[j]], bufs[b],
                                      sems[b]).wait()
                pltpu.sync_copy(bufs[b], acc.at[dst_v.at[j]], add=True)
                pltpu.async_copy(y_hbm.at[src_v.at[j + _RING]], bufs[b],
                                 sems[b])
            return carry

        lax.fori_loop(0, _NCH_C // _RING - 1, body, 0, unroll=False)
        for b in range(_RING):
            j = _NCH_C - _RING + b
            pltpu.make_async_copy(y_hbm.at[src_v.at[j]], bufs[b],
                                  sems[b]).wait()
            pltpu.sync_copy(bufs[b], acc.at[dst_v.at[j]], add=True)

        plsc.subcore_barrier()
        pltpu.sync_copy(acc.at[pl.ds(s * _RPS, _RPS)],
                        out_hbm.at[c].at[pl.ds(s * _RPS, _RPS)])

    return k


def _sc_agg_edge(fw, nbuf):

    @functools.partial(
        pl.kernel,
        mesh=_mesh(),
        compiler_params=pltpu.CompilerParams(use_tc_tiling_on_sc=False),
        out_type=jax.ShapeDtypeStruct((_NC, _N, fw), jnp.float32),
        scratch_types=[
            pltpu.VMEM((_NCH_E, _BE), jnp.int32),
            pltpu.VMEM((_NCH_E, _BE), jnp.int32),
            [pltpu.VMEM((_BE, fw), jnp.float32) for _ in range(nbuf)],
            [pltpu.SemaphoreType.DMA for _ in range(nbuf)],
            pltpu.VMEM_SHARED((_N, fw), jnp.float32),
        ],
    )
    def k(y_hbm, edges_hbm, zeros_hbm, out_hbm,
          src_v, dst_v, bufs, sems, acc):
        c = lax.axis_index("c")
        s = lax.axis_index("s")
        wid = s * _NC + c

        pltpu.sync_copy(edges_hbm.at[wid], src_v)
        pltpu.sync_copy(zeros_hbm, acc.at[pl.ds(s * _RPS, _RPS)])

        def unpack(r, carry):
            for l in range(_BE // 16):
                sl = pl.ds(l * 16, 16)
                p = src_v[r, sl]
                dst_v[r, sl] = lax.shift_right_logical(p, 16)
                src_v[r, sl] = p & 0xFFFF
            return carry

        lax.fori_loop(0, _NCH_E, unpack, 0, unroll=False)
        plsc.subcore_barrier()

        if nbuf == 2:
            b0, b1 = bufs
            s0, s1 = sems
            pltpu.async_copy(y_hbm.at[src_v.at[0]], b0, s0)

            def body(jj, carry):
                j0 = jj * 2
                pltpu.async_copy(y_hbm.at[src_v.at[j0 + 1]], b1, s1)
                pltpu.make_async_copy(y_hbm.at[src_v.at[j0]], b0, s0).wait()
                pltpu.sync_copy(b0, acc.at[dst_v.at[j0]], add=True)
                pltpu.async_copy(y_hbm.at[src_v.at[j0 + 2]], b0, s0)
                pltpu.make_async_copy(y_hbm.at[src_v.at[j0 + 1]], b1,
                                      s1).wait()
                pltpu.sync_copy(b1, acc.at[dst_v.at[j0 + 1]], add=True)
                return carry

            lax.fori_loop(0, _NCH_E // 2, body, 0, unroll=False)
            pltpu.make_async_copy(y_hbm.at[src_v.at[_NCH_E - 1]], b0,
                                  s0).wait()
            pltpu.sync_copy(b0, acc.at[dst_v.at[_NCH_E - 1]], add=True)
        else:
            for b in range(nbuf):
                pltpu.async_copy(y_hbm.at[src_v.at[b]], bufs[b], sems[b])

            def body(g, carry):
                j0 = g * nbuf
                for b in range(nbuf):
                    j = j0 + b
                    pltpu.make_async_copy(y_hbm.at[src_v.at[j]], bufs[b],
                                          sems[b]).wait()
                    pltpu.sync_copy(bufs[b], acc.at[dst_v.at[j]], add=True)
                    pltpu.async_copy(y_hbm.at[src_v.at[j + nbuf]], bufs[b],
                                     sems[b])
                return carry

            lax.fori_loop(0, _NCH_E // nbuf - 1, body, 0, unroll=False)
            for b in range(nbuf):
                j = _NCH_E - nbuf + b
                pltpu.make_async_copy(y_hbm.at[src_v.at[j]], bufs[b],
                                      sems[b]).wait()
                pltpu.sync_copy(bufs[b], acc.at[dst_v.at[j]], add=True)

        plsc.subcore_barrier()
        pltpu.sync_copy(acc.at[pl.ds(s * _RPS, _RPS)],
                        out_hbm.at[c].at[pl.ds(s * _RPS, _RPS)])

    return k


def _dense_in(x, wl, bl, wr):

    def body(x_ref, wl_ref, bl_ref, wr_ref, y_ref, z_ref):
        xv = x_ref[...]
        dn = (((1,), (1,)), ((), ()))
        m = lax.dot_general(xv, wl_ref[...], dn,
                            preferred_element_type=jnp.float32)
        y_ref[:_N, :] = m[:, :80]
        y_ref[_N:, :48] = m[:, 80:]
        col = lax.broadcasted_iota(jnp.int32, (_N, 32), 1)
        y_ref[_N:, 48:] = jnp.where(col == 0, 1.0, 0.0)
        z_ref[...] = lax.dot_general(xv, wr_ref[...], dn,
                                     preferred_element_type=jnp.float32) \
            + bl_ref[...][None, :]

    return pl.pallas_call(
        body,
        out_shape=[jax.ShapeDtypeStruct((2 * _N, 80), jnp.float32),
                   jax.ShapeDtypeStruct((_N, _H), jnp.float32)],
    )(x, wl, bl, wr)


def _dense_mid(p, z_prev, wl, bl, wr):

    def body(p_ref, zp_ref, wl_ref, bl_ref, wr_ref, y_ref, z_ref, r_ref):
        cnt = p_ref[1, :, 48:49]
        rcnt = 1.0 / jnp.maximum(cnt, 1.0)
        svec = jnp.concatenate([p_ref[0], p_ref[1, :, :48]], axis=1)
        h = jnp.maximum(svec * rcnt + zp_ref[...], 0.0)
        dn = (((1,), (1,)), ((), ()))
        m = lax.dot_general(h, wl_ref[...], dn,
                            preferred_element_type=jnp.float32)
        y_ref[:_N, :] = m[:, :64]
        y_ref[_N:, :] = m[:, 64:]
        z_ref[...] = lax.dot_general(h, wr_ref[...], dn,
                                     preferred_element_type=jnp.float32) \
            + bl_ref[...][None, :]
        r_ref[...] = rcnt

    return pl.pallas_call(
        body,
        out_shape=[jax.ShapeDtypeStruct((2 * _N, 64), jnp.float32),
                   jax.ShapeDtypeStruct((_N, _H), jnp.float32),
                   jax.ShapeDtypeStruct((_N, 1), jnp.float32)],
    )(p, z_prev, wl, bl, wr)


def _dense_out(p, rcnt, z_prev, wl, bl, wr):

    def body(p_ref, r_ref, zp_ref, wl_ref, bl_ref, wr_ref, y_ref, z_ref):
        svec = jnp.concatenate([p_ref[0], p_ref[1]], axis=1)
        h = jnp.maximum(svec * r_ref[...] + zp_ref[...], 0.0)
        dn = (((1,), (1,)), ((), ()))
        y_ref[:, :_C] = lax.dot_general(h, wl_ref[...], dn,
                                        preferred_element_type=jnp.float32)
        y_ref[:, _C:] = jnp.zeros((_N, 48 - _C), jnp.float32)
        z_ref[...] = lax.dot_general(h, wr_ref[...], dn,
                                     preferred_element_type=jnp.float32) \
            + bl_ref[...][None, :]

    return pl.pallas_call(
        body,
        out_shape=[jax.ShapeDtypeStruct((_N, 48), jnp.float32),
                   jax.ShapeDtypeStruct((_N, _C), jnp.float32)],
    )(p, rcnt, z_prev, wl, bl, wr)


def _final(p, rcnt, z_prev):

    def body(p_ref, r_ref, zp_ref, o_ref):
        svec = p_ref[0] + p_ref[1]
        o_ref[...] = svec[:, :_C] * r_ref[...] + zp_ref[...]

    return pl.pallas_call(
        body,
        out_shape=jax.ShapeDtypeStruct((_N, _C), jnp.float32),
    )(p, rcnt, z_prev)


def kernel(x, edge_index, Wl1, bl1, Wr1, Wl2, bl2, Wr2, Wl3, bl3, Wr3):
    packed = edge_index[0] | (edge_index[1] << 16)
    pk_col = packed.reshape(_NS, _NCH_C, _B)
    pk_edge = packed.reshape(_NW, _NCH_E, _BE)
    z80 = jnp.zeros((_RPS, 80), jnp.float32)
    z64 = jnp.zeros((_RPS, 64), jnp.float32)
    z48 = jnp.zeros((_RPS, 48), jnp.float32)

    y1, zr1 = _dense_in(x, Wl1, bl1, Wr1)
    p1 = _sc_agg_col(80)(y1, pk_col, z80)
    y2, zr2, rcnt = _dense_mid(p1, zr1, Wl2, bl2, Wr2)
    p2 = _sc_agg_col(64)(y2, pk_col, z64)
    y3, zr3 = _dense_out(p2, rcnt, zr2, Wl3, bl3, Wr3)
    p3 = _sc_agg_edge(48, _RING)(y3, pk_edge, z48)
    return _final(p3, rcnt, zr3)

# --- scband reference (transcript-rebuilt; emitter-appended) ---
"""Pipeline reference for scband-gnnmodel-61967788147057 (READ-ONLY COPY).

The authoritative reference and input builder live on the scoring server;
editing this copy changes nothing except your own understanding.
"""

import jax, jax.numpy as jnp
import numpy as np

N = 10000
E = 320000
D = 128
H = 128
C = 40


def setup_inputs(seed: int = 0) -> dict:
    key = jax.random.key(seed)
    ks = jax.random.split(key, 16)
    x = jax.random.normal(ks[0], (N, D), dtype=jnp.float32)
    edge_index = jax.random.randint(ks[1], (2, E), 0, N, dtype=jnp.int32)
    s = 0.05
    Wl1 = jax.random.normal(ks[2], (H, D), dtype=jnp.float32) * s
    bl1 = jax.random.normal(ks[3], (H,), dtype=jnp.float32) * s
    Wr1 = jax.random.normal(ks[4], (H, D), dtype=jnp.float32) * s
    Wl2 = jax.random.normal(ks[5], (H, H), dtype=jnp.float32) * s
    bl2 = jax.random.normal(ks[6], (H,), dtype=jnp.float32) * s
    Wr2 = jax.random.normal(ks[7], (H, H), dtype=jnp.float32) * s
    Wl3 = jax.random.normal(ks[8], (C, H), dtype=jnp.float32) * s
    bl3 = jax.random.normal(ks[9], (C,), dtype=jnp.float32) * s
    Wr3 = jax.random.normal(ks[10], (C, H), dtype=jnp.float32) * s
    return {"x": x, "edge_index": edge_index,
            "Wl1": Wl1, "bl1": bl1, "Wr1": Wr1,
            "Wl2": Wl2, "bl2": bl2, "Wr2": Wr2,
            "Wl3": Wl3, "bl3": bl3, "Wr3": Wr3}


def _sage_conv(x, src, dst, Wl, bl, Wr):
    # PyG SAGEConv (aggr='mean', root_weight=True, bias on lin_l):
    # out = lin_l(mean_{j in N(i)} x_j) + lin_r(x_i)
    msg = x[src]  # gather over source nodes
    agg = jax.ops.segment_sum(msg, dst, num_segments=N)
    cnt = jax.ops.segment_sum(jnp.ones((dst.shape[0],), dtype=x.dtype), dst, num_segments=N)
    agg = agg / jnp.clip(cnt, 1.0)[:, None]
    return agg @ Wl.T + bl + x @ Wr.T


def reference(x, edge_index, Wl1, bl1, Wr1, Wl2, bl2, Wr2, Wl3, bl3, Wr3):
    src = edge_index[0]
    dst = edge_index[1]
    h = _sage_conv(x, src, dst, Wl1, bl1, Wr1)
    h = jax.nn.relu(h)  # dropout=0.0, batchnorm=False
    h = _sage_conv(h, src, dst, Wl2, bl2, Wr2)
    h = jax.nn.relu(h)
    out = _sage_conv(h, src, dst, Wl3, bl3, Wr3)
    return out

if __name__ == "__main__":
    import jax
    _d = setup_inputs()
    print(jax.jit(kernel)(*tuple(_d.values())))

</pallas_src>

<mosaic_0001>
#map = affine_map<(d0, d1) -> (0, 0)>
#map1 = affine_map<(d0, d1) -> (0, 0, 0)>
module attributes {stable_mosaic.version = 14 : i64} {
  func.func @k(%arg0: i32, %arg1: i32, %arg2: memref<10000x48xf32, #tpu.memory_space<hbm>>, %arg3: memref<32x125x80xi32, #tpu.memory_space<hbm>>, %arg4: memref<625x48xf32, #tpu.memory_space<hbm>>, %arg5: memref<2x10000x48xf32, #tpu.memory_space<hbm>>, %arg6: memref<125x80xi32, #tpu.memory_space<vmem>>, %arg7: memref<125x80xi32, #tpu.memory_space<vmem>>, %arg8: memref<80x48xf32, #tpu.memory_space<vmem>>, %arg9: memref<80x48xf32, #tpu.memory_space<vmem>>, %arg10: memref<80x48xf32, #tpu.memory_space<vmem>>, %arg11: memref<80x48xf32, #tpu.memory_space<vmem>>, %arg12: memref<80x48xf32, #tpu.memory_space<vmem>>, %arg13: memref<!tpu.dma_semaphore, #tpu.memory_space<semaphore_mem>>, %arg14: memref<!tpu.dma_semaphore, #tpu.memory_space<semaphore_mem>>, %arg15: memref<!tpu.dma_semaphore, #tpu.memory_space<semaphore_mem>>, %arg16: memref<!tpu.dma_semaphore, #tpu.memory_space<semaphore_mem>>, %arg17: memref<!tpu.dma_semaphore, #tpu.memory_space<semaphore_mem>>, %arg18: memref<10000x48xf32, #tpu.memory_space<vmem_shared>>) attributes {dimension_semantics = [#tpu.dimension_semantics<core_parallel>, #tpu.dimension_semantics<subcore_parallel>], iteration_bounds = array<i64: 2, 16>, scalar_prefetch = 0 : i64, scratch_operands = 13 : i64, tpu.core_type = #tpu.core_type<sc_vector_subcore>, window_params = [{transform_indices = #map}, {transform_indices = #map1}, {transform_indices = #map}, {transform_indices = #map1}]} {
    %mul3A = arith.constant 2 : i32
    %mul3A_0 = arith.muli %arg1, %mul3A : i32
    %add3A = arith.addi %mul3A_0, %arg0 : i32
    "tpu.region"() ({
      %run_scoped3A_91 = tpu.sem_alloc : memref<!tpu.dma_semaphore, #tpu.memory_space<semaphore_mem>>
      %dma_start3A_92 = arith.constant 0 : i32
      %dma_start3A_93 = arith.constant 0 : i32
      %dma_start3A_94 = tpu.memref_slice %arg3[%add3A, %dma_start3A_92, %dma_start3A_93] : memref<32x125x80xi32, #tpu.memory_space<hbm>> -> memref<1x125x80xi32, #tpu.memory_space<hbm>>
      %dma_start3A_95 = tpu.memref_squeeze %dma_start3A_94 : memref<1x125x80xi32, #tpu.memory_space<hbm>> -> memref<125x80xi32, #tpu.memory_space<hbm>>
      %dma_start3A_96 = arith.constant 0 : i32
      %dma_start3A_97 = arith.constant 0 : i32
      %dma_start3A_98 = tpu.memref_slice %arg3[%add3A, %dma_start3A_96, %dma_start3A_97] : memref<32x125x80xi32, #tpu.memory_space<hbm>> -> memref<1x125x80xi32, #tpu.memory_space<hbm>>
      %dma_start3A_99 = tpu.memref_squeeze %dma_start3A_98 : memref<1x125x80xi32, #tpu.memory_space<hbm>> -> memref<125x80xi32, #tpu.memory_space<hbm>>
      tpu.enqueue_dma source(%dma_start3A_99 : memref<125x80xi32, #tpu.memory_space<hbm>>) target(%arg6 : memref<125x80xi32, #tpu.memory_space<vmem>>) target_semaphore(%run_scoped3A_91 : memref<!tpu.dma_semaphore, #tpu.memory_space<semaphore_mem>>)
      %dma_wait3A_100 = arith.constant 0 : i32
      %dma_wait3A_101 = arith.constant 0 : i32
      %dma_wait3A_102 = tpu.memref_slice %arg3[%add3A, %dma_wait3A_100, %dma_wait3A_101] : memref<32x125x80xi32, #tpu.memory_space<hbm>> -> memref<1x125x80xi32, #tpu.memory_space<hbm>>
      %dma_wait3A_103 = tpu.memref_squeeze %dma_wait3A_102 : memref<1x125x80xi32, #tpu.memory_space<hbm>> -> memref<125x80xi32, #tpu.memory_space<hbm>>
      %dma_wait3A_104 = arith.constant 0 : i32
      %dma_wait3A_105 = arith.constant 0 : i32
      %dma_wait3A_106 = tpu.memref_slice %arg3[%add3A, %dma_wait3A_104, %dma_wait3A_105] : memref<32x125x80xi32, #tpu.memory_space<hbm>> -> memref<1x125x80xi32, #tpu.memory_space<hbm>>
      %dma_wait3A_107 = tpu.memref_squeeze %dma_wait3A_106 : memref<1x125x80xi32, #tpu.memory_space<hbm>> -> memref<125x80xi32, #tpu.memory_space<hbm>>
      tpu.wait_dma2 semaphore(%run_scoped3A_91 : memref<!tpu.dma_semaphore, #tpu.memory_space<semaphore_mem>>) src(%dma_wait3A_107 : memref<125x80xi32, #tpu.memory_space<hbm>>) dst(%arg6 : memref<125x80xi32, #tpu.memory_space<vmem>>)
      tpu.yield
    }) : () -> ()
    %mul3A_1 = arith.constant 625 : i32
    %mul3A_2 = arith.muli %arg1, %mul3A_1 : i32
    "tpu.region"() ({
      %run_scoped3A_91 = tpu.sem_alloc : memref<!tpu.dma_semaphore, #tpu.memory_space<semaphore_mem>>
      %dma_start3A_92 = arith.constant 0 : i32
      %dma_start3A_93 = tpu.memref_slice %arg18[%mul3A_2, %dma_start3A_92] : memref<10000x48xf32, #tpu.memory_space<vmem_shared>> -> memref<625x48xf32, #tpu.memory_space<vmem_shared>>
      tpu.enqueue_dma source(%arg4 : memref<625x48xf32, #tpu.memory_space<hbm>>) target(%dma_start3A_93 : memref<625x48xf32, #tpu.memory_space<vmem_shared>>) target_semaphore(%run_scoped3A_91 : memref<!tpu.dma_semaphore, #tpu.memory_space<semaphore_mem>>)
      %dma_wait3A_94 = arith.constant 0 : i32
      %dma_wait3A_95 = tpu.memref_slice %arg18[%mul3A_2, %dma_wait3A_94] : memref<10000x48xf32, #tpu.memory_space<vmem_shared>> -> memref<625x48xf32, #tpu.memory_space<vmem_shared>>
      tpu.wait_dma2 semaphore(%run_scoped3A_91 : memref<!tpu.dma_semaphore, #tpu.memory_space<semaphore_mem>>) src(%arg4 : memref<625x48xf32, #tpu.memory_space<hbm>>) dst(%dma_wait3A_95 : memref<625x48xf32, #tpu.memory_space<vmem_shared>>)
      tpu.yield
    }) : () -> ()
    %scan3A = arith.constant 0 : i32
    %scan3A_3 = arith.constant 0 : i32
    %scan3A_4 = arith.constant 125 : i32
    %scan3A_5 = arith.addi %scan3A_3, %scan3A_4 : i32
    %scan3A_6 = arith.constant 1 : i32
    scf.for %scan3A_91 = %scan3A_3 to %scan3A_5 step %scan3A_6  : i32 {
      %get3A = arith.index_cast %scan3A_91 : i32 to index
      %get3A_92 = arith.constant 0 : index
      %get3A_93 = tpu.vector_load %arg6[%get3A, %get3A_92] {strides = array<i32>} : memref<125x80xi32, #tpu.memory_space<vmem>>, vector<1x16xi32>,
      %get3A_94 = vector.shape_cast %get3A_93 : vector<1x16xi32> to vector<16xi32>
      %shift_right_logical3A = arith.constant 16 : i32
      %shift_right_logical3A_95 = vector.broadcast %shift_right_logical3A : i32 to vector<16xi32>
      %shift_right_logical3A_96 = arith.shrui %get3A_94, %shift_right_logical3A_95 : vector<16xi32>
      %swap3A = arith.index_cast %scan3A_91 : i32 to index
      %swap3A_97 = arith.constant 0 : index
      %swap3A_98 = tpu.vector_load %arg7[%swap3A, %swap3A_97] {strides = array<i32>} : memref<125x80xi32, #tpu.memory_space<vmem>>, vector<1x16xi32>,
      %swap3A_99 = vector.shape_cast %swap3A_98 : vector<1x16xi32> to vector<16xi32>
      %swap3A_100 = vector.shape_cast %shift_right_logical3A_96 : vector<16xi32> to vector<1x16xi32>
      tpu.vector_store %arg7[%swap3A, %swap3A_97], %swap3A_100 {strides = array<i32>} : memref<125x80xi32, #tpu.memory_space<vmem>>, vector<1x16xi32>,
      %and3A = arith.constant 65535 : i32
      %and3A_101 = vector.broadcast %and3A : i32 to vector<16xi32>
      %and3A_102 = arith.andi %get3A_94, %and3A_101 : vector<16xi32>
      %swap3A_103 = arith.index_cast %scan3A_91 : i32 to index
      %swap3A_104 = arith.constant 0 : index
      %swap3A_105 = tpu.vector_load %arg6[%swap3A_103, %swap3A_104] {strides = array<i32>} : memref<125x80xi32, #tpu.memory_space<vmem>>, vector<1x16xi32>,
      %swap3A_106 = vector.shape_cast %swap3A_105 : vector<1x16xi32> to vector<16xi32>
      %swap3A_107 = vector.shape_cast %and3A_102 : vector<16xi32> to vector<1x16xi32>
      tpu.vector_store %arg6[%swap3A_103, %swap3A_104], %swap3A_107 {strides = array<i32>} : memref<125x80xi32, #tpu.memory_space<vmem>>, vector<1x16xi32>,
      %get3A_108 = arith.index_cast %scan3A_91 : i32 to index
      %get3A_109 = arith.constant 16 : index
      %get3A_110 = tpu.vector_load %arg6[%get3A_108, %get3A_109] {strides = array<i32>} : memref<125x80xi32, #tpu.memory_space<vmem>>, vector<1x16xi32>,
      %get3A_111 = vector.shape_cast %get3A_110 : vector<1x16xi32> to vector<16xi32>
      %shift_right_logical3A_112 = arith.constant 16 : i32
      %shift_right_logical3A_113 = vector.broadcast %shift_right_logical3A_112 : i32 to vector<16xi32>
      %shift_right_logical3A_114 = arith.shrui %get3A_111, %shift_right_logical3A_113 : vector<16xi32>
      %swap3A_115 = arith.index_cast %scan3A_91 : i32 to index
      %swap3A_116 = arith.constant 16 : index
      %swap3A_117 = tpu.vector_load %arg7[%swap3A_115, %swap3A_116] {strides = array<i32>} : memref<125x80xi32, #tpu.memory_space<vmem>>, vector<1x16xi32>,
      %swap3A_118 = vector.shape_cast %swap3A_117 : vector<1x16xi32> to vector<16xi32>
      %swap3A_119 = vector.shape_cast %shift_right_logical3A_114 : vector<16xi32> to vector<1x16xi32>
      tpu.vector_store %arg7[%swap3A_115, %swap3A_116], %swap3A_119 {strides = array<i32>} : memref<125x80xi32, #tpu.memory_space<vmem>>, vector<1x16xi32>,
      %and3A_120 = arith.constant 65535 : i32
      %and3A_121 = vector.broadcast %and3A_120 : i32 to vector<16xi32>
      %and3A_122 = arith.andi %get3A_111, %and3A_121 : vector<16xi32>
      %swap3A_123 = arith.index_cast %scan3A_91 : i32 to index
      %swap3A_124 = arith.constant 16 : index
      %swap3A_125 = tpu.vector_load %arg6[%swap3A_123, %swap3A_124] {strides = array<i32>} : memref<125x80xi32, #tpu.memory_space<vmem>>, vector<1x16xi32>,
      %swap3A_126 = vector.shape_cast %swap3A_125 : vector<1x16xi32> to vector<16xi32>
      %swap3A_127 = vector.shape_cast %and3A_122 : vector<16xi32> to vector<1x16xi32>
      tpu.vector_store %arg6[%swap3A_123, %swap3A_124], %swap3A_127 {strides = array<i32>} : memref<125x80xi32, #tpu.memory_space<vmem>>, vector<1x16xi32>,
      %get3A_128 = arith.index_cast %scan3A_91 : i32 to index
      %get3A_129 = arith.constant 32 : index
      %get3A_130 = tpu.vector_load %arg6[%get3A_128, %get3A_129] {strides = array<i32>} : memref<125x80xi32, #tpu.memory_space<vmem>>, vector<1x16xi32>,
      %get3A_131 = vector.shape_cast %get3A_130 : vector<1x16xi32> to vector<16xi32>
      %shift_right_logical3A_132 = arith.constant 16 : i32
      %shift_right_logical3A_133 = vector.broadcast %shift_right_logical3A_132 : i32 to vector<16xi32>
      %shift_right_logical3A_134 = arith.shrui %get3A_131, %shift_right_logical3A_133 : vector<16xi32>
      %swap3A_135 = arith.index_cast %scan3A_91 : i32 to index
      %swap3A_136 = arith.constant 32 : index
      %swap3A_137 = tpu.vector_load %arg7[%swap3A_135, %swap3A_136] {strides = array<i32>} : memref<125x80xi32, #tpu.memory_space<vmem>>, vector<1x16xi32>,
      %swap3A_138 = vector.shape_cast %swap3A_137 : vector<1x16xi32> to vector<16xi32>
      %swap3A_139 = vector.shape_cast %shift_right_logical3A_134 : vector<16xi32> to vector<1x16xi32>
      tpu.vector_store %arg7[%swap3A_135, %swap3A_136], %swap3A_139 {strides = array<i32>} : memref<125x80xi32, #tpu.memory_space<vmem>>, vector<1x16xi32>,
      %and3A_140 = arith.constant 65535 : i32
      %and3A_141 = vector.broadcast %and3A_140 : i32 to vector<16xi32>
      %and3A_142 = arith.andi %get3A_131, %and3A_141 : vector<16xi32>
      %swap3A_143 = arith.index_cast %scan3A_91 : i32 to index
      %swap3A_144 = arith.constant 32 : index
      %swap3A_145 = tpu.vector_load %arg6[%swap3A_143, %swap3A_144] {strides = array<i32>} : memref<125x80xi32, #tpu.memory_space<vmem>>, vector<1x16xi32>,
      %swap3A_146 = vector.shape_cast %swap3A_145 : vector<1x16xi32> to vector<16xi32>
      %swap3A_147 = vector.shape_cast %and3A_142 : vector<16xi32> to vector<1x16xi32>
      tpu.vector_store %arg6[%swap3A_143, %swap3A_144], %swap3A_147 {strides = array<i32>} : memref<125x80xi32, #tpu.memory_space<vmem>>, vector<1x16xi32>,
      %get3A_148 = arith.index_cast %scan3A_91 : i32 to index
      %get3A_149 = arith.constant 48 : index
      %get3A_150 = tpu.vector_load %arg6[%get3A_148, %get3A_149] {strides = array<i32>} : memref<125x80xi32, #tpu.memory_space<vmem>>, vector<1x16xi32>,
      %get3A_151 = vector.shape_cast %get3A_150 : vector<1x16xi32> to vector<16xi32>
      %shift_right_logical3A_152 = arith.constant 16 : i32
      %shift_right_logical3A_153 = vector.broadcast %shift_right_logical3A_152 : i32 to vector<16xi32>
      %shift_right_logical3A_154 = arith.shrui %get3A_151, %shift_right_logical3A_153 : vector<16xi32>
      %swap3A_155 = arith.index_cast %scan3A_91 : i32 to index
      %swap3A_156 = arith.constant 48 : index
      %swap3A_157 = tpu.vector_load %arg7[%swap3A_155, %swap3A_156] {strides = array<i32>} : memref<125x80xi32, #tpu.memory_space<vmem>>, vector<1x16xi32>,
      %swap3A_158 = vector.shape_cast %swap3A_157 : vector<1x16xi32> to vector<16xi32>
      %swap3A_159 = vector.shape_cast %shift_right_logical3A_154 : vector<16xi32> to vector<1x16xi32>
      tpu.vector_store %arg7[%swap3A_155, %swap3A_156], %swap3A_159 {strides = array<i32>} : memref<125x80xi32, #tpu.memory_space<vmem>>, vector<1x16xi32>,
      %and3A_160 = arith.constant 65535 : i32
      %and3A_161 = vector.broadcast %and3A_160 : i32 to vector<16xi32>
      %and3A_162 = arith.andi %get3A_151, %and3A_161 : vector<16xi32>
      %swap3A_163 = arith.index_cast %scan3A_91 : i32 to index
      %swap3A_164 = arith.constant 48 : index
      %swap3A_165 = tpu.vector_load %arg6[%swap3A_163, %swap3A_164] {strides = array<i32>} : memref<125x80xi32, #tpu.memory_space<vmem>>, vector<1x16xi32>,
      %swap3A_166 = vector.shape_cast %swap3A_165 : vector<1x16xi32> to vector<16xi32>
      %swap3A_167 = vector.shape_cast %and3A_162 : vector<16xi32> to vector<1x16xi32>
      tpu.vector_store %arg6[%swap3A_163, %swap3A_164], %swap3A_167 {strides = array<i32>} : memref<125x80xi32, #tpu.memory_space<vmem>>, vector<1x16xi32>,
      %get3A_168 = arith.index_cast %scan3A_91 : i32 to index
      %get3A_169 = arith.constant 64 : index
      %get3A_170 = tpu.vector_load %arg6[%get3A_168, %get3A_169] {strides = array<i32>} : memref<125x80xi32, #tpu.memory_space<vmem>>, vector<1x16xi32>,
      %get3A_171 = vector.shape_cast %get3A_170 : vector<1x16xi32> to vector<16xi32>
      %shift_right_logical3A_172 = arith.constant 16 : i32
      %shift_right_logical3A_173 = vector.broadcast %shift_right_logical3A_172 : i32 to vector<16xi32>
      %shift_right_logical3A_174 = arith.shrui %get3A_171, %shift_right_logical3A_173 : vector<16xi32>
      %swap3A_175 = arith.index_cast %scan3A_91 : i32 to index
      %swap3A_176 = arith.constant 64 : index
      %swap3A_177 = tpu.vector_load %arg7[%swap3A_175, %swap3A_176] {strides = array<i32>} : memref<125x80xi32, #tpu.memory_space<vmem>>, vector<1x16xi32>,
      %swap3A_178 = vector.shape_cast %swap3A_177 : vector<1x16xi32> to vector<16xi32>
      %swap3A_179 = vector.shape_cast %shift_right_logical3A_174 : vector<16xi32> to vector<1x16xi32>
      tpu.vector_store %arg7[%swap3A_175, %swap3A_176], %swap3A_179 {strides = array<i32>} : memref<125x80xi32, #tpu.memory_space<vmem>>, vector<1x16xi32>,
      %and3A_180 = arith.constant 65535 : i32
      %and3A_181 = vector.broadcast %and3A_180 : i32 to vector<16xi32>
      %and3A_182 = arith.andi %get3A_171, %and3A_181 : vector<16xi32>
      %swap3A_183 = arith.index_cast %scan3A_91 : i32 to index
      %swap3A_184 = arith.constant 64 : index
      %swap3A_185 = tpu.vector_load %arg6[%swap3A_183, %swap3A_184] {strides = array<i32>} : memref<125x80xi32, #tpu.memory_space<vmem>>, vector<1x16xi32>,
      %swap3A_186 = vector.shape_cast %swap3A_185 : vector<1x16xi32> to vector<16xi32>
      %swap3A_187 = vector.shape_cast %and3A_182 : vector<16xi32> to vector<1x16xi32>
      tpu.vector_store %arg6[%swap3A_183, %swap3A_184], %swap3A_187 {strides = array<i32>} : memref<125x80xi32, #tpu.memory_space<vmem>>, vector<1x16xi32>,
    }
    %scan3A_7 = arith.constant 125 : i32
    %barrier3A = arith.constant 0 : index
    tpu.barrier barrier_id(%barrier3A)
    %dma_start3A = arith.constant 0 : i32
    %dma_start3A_8 = arith.constant 0 : i32
    %dma_start3A_9 = tpu.memref_slice %arg6[%dma_start3A, %dma_start3A_8] : memref<125x80xi32, #tpu.memory_space<vmem>> -> memref<1x80xi32, #tpu.memory_space<vmem>>
    %dma_start3A_10 = tpu.memref_squeeze %dma_start3A_9 : memref<1x80xi32, #tpu.memory_space<vmem>> -> memref<80xi32, #tpu.memory_space<vmem>>
    %dma_start3A_11 = arith.constant 0 : i32
    %dma_start3A_12 = arith.constant 0 : i32
    %dma_start3A_13 = tpu.memref_slice %arg2[%dma_start3A_11, %dma_start3A_12] : memref<10000x48xf32, #tpu.memory_space<hbm>> -> memref<10000x48xf32, #tpu.memory_space<hbm>>
    tpu.enqueue_indirect_dma source(%dma_start3A_13 : memref<10000x48xf32, #tpu.memory_space<hbm>>) target(%arg8 : memref<80x48xf32, #tpu.memory_space<vmem>>) offsets(%dma_start3A_10 : memref<80xi32, #tpu.memory_space<vmem>>) semaphore(%arg13 : memref<!tpu.dma_semaphore, #tpu.memory_space<semaphore_mem>>)
    %dma_start3A_14 = arith.constant 1 : i32
    %dma_start3A_15 = arith.constant 0 : i32
    %dma_start3A_16 = tpu.memref_slice %arg6[%dma_start3A_14, %dma_start3A_15] : memref<125x80xi32, #tpu.memory_space<vmem>> -> memref<1x80xi32, #tpu.memory_space<vmem>>
    %dma_start3A_17 = tpu.memref_squeeze %dma_start3A_16 : memref<1x80xi32, #tpu.memory_space<vmem>> -> memref<80xi32, #tpu.memory_space<vmem>>
    %dma_start3A_18 = arith.constant 0 : i32
    %dma_start3A_19 = arith.constant 0 : i32
    %dma_start3A_20 = tpu.memref_slice %arg2[%dma_start3A_18, %dma_start3A_19] : memref<10000x48xf32, #tpu.memory_space<hbm>> -> memref<10000x48xf32, #tpu.memory_space<hbm>>
    tpu.enqueue_indirect_dma source(%dma_start3A_20 : memref<10000x48xf32, #tpu.memory_space<hbm>>) target(%arg9 : memref<80x48xf32, #tpu.memory_space<vmem>>) offsets(%dma_start3A_17 : memref<80xi32, #tpu.memory_space<vmem>>) semaphore(%arg14 : memref<!tpu.dma_semaphore, #tpu.memory_space<semaphore_mem>>)
    %dma_start3A_21 = arith.constant 2 : i32
    %dma_start3A_22 = arith.constant 0 : i32
    %dma_start3A_23 = tpu.memref_slice %arg6[%dma_start3A_21, %dma_start3A_22] : memref<125x80xi32, #tpu.memory_space<vmem>> -> memref<1x80xi32, #tpu.memory_space<vmem>>
    %dma_start3A_24 = tpu.memref_squeeze %dma_start3A_23 : memref<1x80xi32, #tpu.memory_space<vmem>> -> memref<80xi32, #tpu.memory_space<vmem>>
    %dma_start3A_25 = arith.constant 0 : i32
    %dma_start3A_26 = arith.constant 0 : i32
    %dma_start3A_27 = tpu.memref_slice %arg2[%dma_start3A_25, %dma_start3A_26] : memref<10000x48xf32, #tpu.memory_space<hbm>> -> memref<10000x48xf32, #tpu.memory_space<hbm>>
    tpu.enqueue_indirect_dma source(%dma_start3A_27 : memref<10000x48xf32, #tpu.memory_space<hbm>>) target(%arg10 : memref<80x48xf32, #tpu.memory_space<vmem>>) offsets(%dma_start3A_24 : memref<80xi32, #tpu.memory_space<vmem>>) semaphore(%arg15 : memref<!tpu.dma_semaphore, #tpu.memory_space<semaphore_mem>>)
    %dma_start3A_28 = arith.constant 3 : i32
    %dma_start3A_29 = arith.constant 0 : i32
    %dma_start3A_30 = tpu.memref_slice %arg6[%dma_start3A_28, %dma_start3A_29] : memref<125x80xi32, #tpu.memory_space<vmem>> -> memref<1x80xi32, #tpu.memory_space<vmem>>
    %dma_start3A_31 = tpu.memref_squeeze %dma_start3A_30 : memref<1x80xi32, #tpu.memory_space<vmem>> -> memref<80xi32, #tpu.memory_space<vmem>>
    %dma_start3A_32 = arith.constant 0 : i32
    %dma_start3A_33 = arith.constant 0 : i32
    %dma_start3A_34 = tpu.memref_slice %arg2[%dma_start3A_32, %dma_start3A_33] : memref<10000x48xf32, #tpu.memory_space<hbm>> -> memref<10000x48xf32, #tpu.memory_space<hbm>>
    tpu.enqueue_indirect_dma source(%dma_start3A_34 : memref<10000x48xf32, #tpu.memory_space<hbm>>) target(%arg11 : memref<80x48xf32, #tpu.memory_space<vmem>>) offsets(%dma_start3A_31 : memref<80xi32, #tpu.memory_space<vmem>>) semaphore(%arg16 : memref<!tpu.dma_semaphore, #tpu.memory_space<semaphore_mem>>)
    %dma_start3A_35 = arith.constant 4 : i32
    %dma_start3A_36 = arith.constant 0 : i32
    %dma_start3A_37 = tpu.memref_slice %arg6[%dma_start3A_35, %dma_start3A_36] : memref<125x80xi32, #tpu.memory_space<vmem>> -> memref<1x80xi32, #tpu.memory_space<vmem>>
    %dma_start3A_38 = tpu.memref_squeeze %dma_start3A_37 : memref<1x80xi32, #tpu.memory_space<vmem>> -> memref<80xi32, #tpu.memory_space<vmem>>
    %dma_start3A_39 = arith.constant 0 : i32
    %dma_start3A_40 = arith.constant 0 : i32
    %dma_start3A_41 = tpu.memref_slice %arg2[%dma_start3A_39, %dma_start3A_40] : memref<10000x48xf32, #tpu.memory_space<hbm>> -> memref<10000x48xf32, #tpu.memory_space<hbm>>
    tpu.enqueue_indirect_dma source(%dma_start3A_41 : memref<10000x48xf32, #tpu.memory_space<hbm>>) target(%arg12 : memref<80x48xf32, #tpu.memory_space<vmem>>) offsets(%dma_start3A_38 : memref<80xi32, #tpu.memory_space<vmem>>) semaphore(%arg17 : memref<!tpu.dma_semaphore, #tpu.memory_space<semaphore_mem>>)
    %scan3A_42 = arith.constant 0 : i32
    %scan3A_43 = arith.constant 0 : i32
    %scan3A_44 = arith.constant 24 : i32
    %scan3A_45 = arith.addi %scan3A_43, %scan3A_44 : i32
    %scan3A_46 = arith.constant 1 : i32
    scf.for %scan3A_91 = %scan3A_43 to %scan3A_45 step %scan3A_46  : i32 {
      %mul3A_92 = arith.constant 5 : i32
      %mul3A_93 = arith.muli %scan3A_91, %mul3A_92 : i32
      %add3A_94 = arith.constant 0 : i32
      %add3A_95 = arith.addi %mul3A_93, %add3A_94 : i32
      %dma_wait3A_96 = arith.constant 0 : i32
      %dma_wait3A_97 = tpu.memref_slice %arg6[%add3A_95, %dma_wait3A_96] : memref<125x80xi32, #tpu.memory_space<vmem>> -> memref<1x80xi32, #tpu.memory_space<vmem>>
      %dma_wait3A_98 = tpu.memref_squeeze %dma_wait3A_97 : memref<1x80xi32, #tpu.memory_space<vmem>> -> memref<80xi32, #tpu.memory_space<vmem>>
      %dma_wait3A_99 = arith.constant 0 : i32
      %dma_wait3A_100 = arith.constant 0 : i32
      %dma_wait3A_101 = tpu.memref_slice %arg2[%dma_wait3A_99, %dma_wait3A_100] : memref<10000x48xf32, #tpu.memory_space<hbm>> -> memref<10000x48xf32, #tpu.memory_space<hbm>>
      tpu.wait_indirect_dma semaphore(%arg13 : memref<!tpu.dma_semaphore, #tpu.memory_space<semaphore_mem>>) src(%dma_wait3A_101 : memref<10000x48xf32, #tpu.memory_space<hbm>>) dst(%arg8 : memref<80x48xf32, #tpu.memory_space<vmem>>)
      "tpu.region"() ({
        %run_scoped3A_174 = tpu.sem_alloc : memref<!tpu.dma_semaphore, #tpu.memory_space<semaphore_mem>>
        %dma_start3A_175 = arith.constant 0 : i32
        %dma_start3A_176 = tpu.memref_slice %arg7[%add3A_95, %dma_start3A_175] : memref<125x80xi32, #tpu.memory_space<vmem>> -> memref<1x80xi32, #tpu.memory_space<vmem>>
        %dma_start3A_177 = tpu.memref_squeeze %dma_start3A_176 : memref<1x80xi32, #tpu.memory_space<vmem>> -> memref<80xi32, #tpu.memory_space<vmem>>
        %dma_start3A_178 = arith.constant 0 : i32
        %dma_start3A_179 = arith.constant 0 : i32
        %dma_start3A_180 = tpu.memref_slice %arg18[%dma_start3A_178, %dma_start3A_179] : memref<10000x48xf32, #tpu.memory_space<vmem_shared>> -> memref<10000x48xf32, #tpu.memory_space<vmem_shared>>
        tpu.enqueue_indirect_dma source(%arg8 : memref<80x48xf32, #tpu.memory_space<vmem>>) target(%dma_start3A_180 : memref<10000x48xf32, #tpu.memory_space<vmem_shared>>) offsets(%dma_start3A_177 : memref<80xi32, #tpu.memory_space<vmem>>) semaphore(%run_scoped3A_174 : memref<!tpu.dma_semaphore, #tpu.memory_space<semaphore_mem>>) {add = true}
        %dma_wait3A_181 = arith.constant 0 : i32
        %dma_wait3A_182 = tpu.memref_slice %arg7[%add3A_95, %dma_wait3A_181] : memref<125x80xi32, #tpu.memory_space<vmem>> -> memref<1x80xi32, #tpu.memory_space<vmem>>
        %dma_wait3A_183 = tpu.memref_squeeze %dma_wait3A_182 : memref<1x80xi32, #tpu.memory_space<vmem>> -> memref<80xi32, #tpu.memory_space<vmem>>
        %dma_wait3A_184 = arith.constant 0 : i32
        %dma_wait3A_185 = arith.constant 0 : i32
        %dma_wait3A_186 = tpu.memref_slice %arg18[%dma_wait3A_184, %dma_wait3A_185] : memref<10000x48xf32, #tpu.memory_space<vmem_shared>> -> memref<10000x48xf32, #tpu.memory_space<vmem_shared>>
        tpu.wait_indirect_dma semaphore(%run_scoped3A_174 : memref<!tpu.dma_semaphore, #tpu.memory_space<semaphore_mem>>) src(%arg8 : memref<80x48xf32, #tpu.memory_space<vmem>>) dst(%dma_wait3A_186 : memref<10000x48xf32, #tpu.memory_space<vmem_shared>>)
        tpu.yield
      }) : () -> ()
      %add3A_102 = arith.constant 5 : i32
      %add3A_103 = arith.addi %add3A_95, %add3A_102 : i32
      %dma_start3A_104 = arith.constant 0 : i32
      %dma_start3A_105 = tpu.memref_slice %arg6[%add3A_103, %dma_start3A_104] : memref<125x80xi32, #tpu.memory_space<vmem>> -> memref<1x80xi32, #tpu.memory_space<vmem>>
      %dma_start3A_106 = tpu.memref_squeeze %dma_start3A_105 : memref<1x80xi32, #tpu.memory_space<vmem>> -> memref<80xi32, #tpu.memory_space<vmem>>
      %dma_start3A_107 = arith.constant 0 : i32
      %dma_start3A_108 = arith.constant 0 : i32
      %dma_start3A_109 = tpu.memref_slice %arg2[%dma_start3A_107, %dma_start3A_108] : memref<10000x48xf32, #tpu.memory_space<hbm>> -> memref<10000x48xf32, #tpu.memory_space<hbm>>
      tpu.enqueue_indirect_dma source(%dma_start3A_109 : memref<10000x48xf32, #tpu.memory_space<hbm>>) target(%arg8 : memref<80x48xf32, #tpu.memory_space<vmem>>) offsets(%dma_start3A_106 : memref<80xi32, #tpu.memory_space<vmem>>) semaphore(%arg13 : memref<!tpu.dma_semaphore, #tpu.memory_space<semaphore_mem>>)
      %add3A_110 = arith.constant 1 : i32
      %add3A_111 = arith.addi %mul3A_93, %add3A_110 : i32
      %dma_wait3A_112 = arith.constant 0 : i32
      %dma_wait3A_113 = tpu.memref_slice %arg6[%add3A_111, %dma_wait3A_112] : memref<125x80xi32, #tpu.memory_space<vmem>> -> memref<1x80xi32, #tpu.memory_space<vmem>>
      %dma_wait3A_114 = tpu.memref_squeeze %dma_wait3A_113 : memref<1x80xi32, #tpu.memory_space<vmem>> -> memref<80xi32, #tpu.memory_space<vmem>>
      %dma_wait3A_115 = arith.constant 0 : i32
      %dma_wait3A_116 = arith.constant 0 : i32
      %dma_wait3A_117 = tpu.memref_slice %arg2[%dma_wait3A_115, %dma_wait3A_116] : memref<10000x48xf32, #tpu.memory_space<hbm>> -> memref<10000x48xf32, #tpu.memory_space<hbm>>
      tpu.wait_indirect_dma semaphore(%arg14 : memref<!tpu.dma_semaphore, #tpu.memory_space<semaphore_mem>>) src(%dma_wait3A_117 : memref<10000x48xf32, #tpu.memory_space<hbm>>) dst(%arg9 : memref<80x48xf32, #tpu.memory_space<vmem>>)
      "tpu.region"() ({
        %run_scoped3A_174 = tpu.sem_alloc : memref<!tpu.dma_semaphore, #tpu.memory_space<semaphore_mem>>
        %dma_start3A_175 = arith.constant 0 : i32
        %dma_start3A_176 = tpu.memref_slice %arg7[%add3A_111, %dma_start3A_175] : memref<125x80xi32, #tpu.memory_space<vmem>> -> memref<1x80xi32, #tpu.memory_space<vmem>>
        %dma_start3A_177 = tpu.memref_squeeze %dma_start3A_176 : memref<1x80xi32, #tpu.memory_space<vmem>> -> memref<80xi32, #tpu.memory_space<vmem>>
        %dma_start3A_178 = arith.constant 0 : i32
        %dma_start3A_179 = arith.constant 0 : i32
        %dma_start3A_180 = tpu.memref_slice %arg18[%dma_start3A_178, %dma_start3A_179] : memref<10000x48xf32, #tpu.memory_space<vmem_shared>> -> memref<10000x48xf32, #tpu.memory_space<vmem_shared>>
        tpu.enqueue_indirect_dma source(%arg9 : memref<80x48xf32, #tpu.memory_space<vmem>>) target(%dma_start3A_180 : memref<10000x48xf32, #tpu.memory_space<vmem_shared>>) offsets(%dma_start3A_177 : memref<80xi32, #tpu.memory_space<vmem>>) semaphore(%run_scoped3A_174 : memref<!tpu.dma_semaphore, #tpu.memory_space<semaphore_mem>>) {add = true}
        %dma_wait3A_181 = arith.constant 0 : i32
        %dma_wait3A_182 = tpu.memref_slice %arg7[%add3A_111, %dma_wait3A_181] : memref<125x80xi32, #tpu.memory_space<vmem>> -> memref<1x80xi32, #tpu.memory_space<vmem>>
        %dma_wait3A_183 = tpu.memref_squeeze %dma_wait3A_182 : memref<1x80xi32, #tpu.memory_space<vmem>> -> memref<80xi32, #tpu.memory_space<vmem>>
        %dma_wait3A_184 = arith.constant 0 : i32
        %dma_wait3A_185 = arith.constant 0 : i32
        %dma_wait3A_186 = tpu.memref_slice %arg18[%dma_wait3A_184, %dma_wait3A_185] : memref<10000x48xf32, #tpu.memory_space<vmem_shared>> -> memref<10000x48xf32, #tpu.memory_space<vmem_shared>>
        tpu.wait_indirect_dma semaphore(%run_scoped3A_174 : memref<!tpu.dma_semaphore, #tpu.memory_space<semaphore_mem>>) src(%arg9 : memref<80x48xf32, #tpu.memory_space<vmem>>) dst(%dma_wait3A_186 : memref<10000x48xf32, #tpu.memory_space<vmem_shared>>)
        tpu.yield
      }) : () -> ()
      %add3A_118 = arith.constant 5 : i32
      %add3A_119 = arith.addi %add3A_111, %add3A_118 : i32
      %dma_start3A_120 = arith.constant 0 : i32
      %dma_start3A_121 = tpu.memref_slice %arg6[%add3A_119, %dma_start3A_120] : memref<125x80xi32, #tpu.memory_space<vmem>> -> memref<1x80xi32, #tpu.memory_space<vmem>>
      %dma_start3A_122 = tpu.memref_squeeze %dma_start3A_121 : memref<1x80xi32, #tpu.memory_space<vmem>> -> memref<80xi32, #tpu.memory_space<vmem>>
      %dma_start3A_123 = arith.constant 0 : i32
      %dma_start3A_124 = arith.constant 0 : i32
      %dma_start3A_125 = tpu.memref_slice %arg2[%dma_start3A_123, %dma_start3A_124] : memref<10000x48xf32, #tpu.memory_space<hbm>> -> memref<10000x48xf32, #tpu.memory_space<hbm>>
      tpu.enqueue_indirect_dma source(%dma_start3A_125 : memref<10000x48xf32, #tpu.memory_space<hbm>>) target(%arg9 : memref<80x48xf32, #tpu.memory_space<vmem>>) offsets(%dma_start3A_122 : memref<80xi32, #tpu.memory_space<vmem>>) semaphore(%arg14 : memref<!tpu.dma_semaphore, #tpu.memory_space<semaphore_mem>>)
      %add3A_126 = arith.constant 2 : i32
      %add3A_127 = arith.addi %mul3A_93, %add3A_126 : i32
      %dma_wait3A_128 = arith.constant 0 : i32
      %dma_wait3A_129 = tpu.memref_slice %arg6[%add3A_127, %dma_wait3A_128] : memref<125x80xi32, #tpu.memory_space<vmem>> -> memref<1x80xi32, #tpu.memory_space<vmem>>
      %dma_wait3A_130 = tpu.memref_squeeze %dma_wait3A_129 : memref<1x80xi32, #tpu.memory_space<vmem>> -> memref<80xi32, #tpu.memory_space<vmem>>
      %dma_wait3A_131 = arith.constant 0 : i32
      %dma_wait3A_132 = arith.constant 0 : i32
      %dma_wait3A_133 = tpu.memref_slice %arg2[%dma_wait3A_131, %dma_wait3A_132] : memref<10000x48xf32, #tpu.memory_space<hbm>> -> memref<10000x48xf32, #tpu.memory_space<hbm>>
      tpu.wait_indirect_dma semaphore(%arg15 : memref<!tpu.dma_semaphore, #tpu.memory_space<semaphore_mem>>) src(%dma_wait3A_133 : memref<10000x48xf32, #tpu.memory_space<hbm>>) dst(%arg10 : memref<80x48xf32, #tpu.memory_space<vmem>>)
      "tpu.region"() ({
        %run_scoped3A_174 = tpu.sem_alloc : memref<!tpu.dma_semaphore, #tpu.memory_space<semaphore_mem>>
        %dma_start3A_175 = arith.constant 0 : i32
        %dma_start3A_176 = tpu.memref_slice %arg7[%add3A_127, %dma_start3A_175] : memref<125x80xi32, #tpu.memory_space<vmem>> -> memref<1x80xi32, #tpu.memory_space<vmem>>
        %dma_start3A_177 = tpu.memref_squeeze %dma_start3A_176 : memref<1x80xi32, #tpu.memory_space<vmem>> -> memref<80xi32, #tpu.memory_space<vmem>>
        %dma_start3A_178 = arith.constant 0 : i32
        %dma_start3A_179 = arith.constant 0 : i32
        %dma_start3A_180 = tpu.memref_slice %arg18[%dma_start3A_178, %dma_start3A_179] : memref<10000x48xf32, #tpu.memory_space<vmem_shared>> -> memref<10000x48xf32, #tpu.memory_space<vmem_shared>>
        tpu.enqueue_indirect_dma source(%arg10 : memref<80x48xf32, #tpu.memory_space<vmem>>) target(%dma_start3A_180 : memref<10000x48xf32, #tpu.memory_space<vmem_shared>>) offsets(%dma_start3A_177 : memref<80xi32, #tpu.memory_space<vmem>>) semaphore(%run_scoped3A_174 : memref<!tpu.dma_semaphore, #tpu.memory_space<semaphore_mem>>) {add = true}
        %dma_wait3A_181 = arith.constant 0 : i32
        %dma_wait3A_182 = tpu.memref_slice %arg7[%add3A_127, %dma_wait3A_181] : memref<125x80xi32, #tpu.memory_space<vmem>> -> memref<1x80xi32, #tpu.memory_space<vmem>>
        %dma_wait3A_183 = tpu.memref_squeeze %dma_wait3A_182 : memref<1x80xi32, #tpu.memory_space<vmem>> -> memref<80xi32, #tpu.memory_space<vmem>>
        %dma_wait3A_184 = arith.constant 0 : i32
        %dma_wait3A_185 = arith.constant 0 : i32
        %dma_wait3A_186 = tpu.memref_slice %arg18[%dma_wait3A_184, %dma_wait3A_185] : memref<10000x48xf32, #tpu.memory_space<vmem_shared>> -> memref<10000x48xf32, #tpu.memory_space<vmem_shared>>
        tpu.wait_indirect_dma semaphore(%run_scoped3A_174 : memref<!tpu.dma_semaphore, #tpu.memory_space<semaphore_mem>>) src(%arg10 : memref<80x48xf32, #tpu.memory_space<vmem>>) dst(%dma_wait3A_186 : memref<10000x48xf32, #tpu.memory_space<vmem_shared>>)
        tpu.yield
      }) : () -> ()
      %add3A_134 = arith.constant 5 : i32
      %add3A_135 = arith.addi %add3A_127, %add3A_134 : i32
      %dma_start3A_136 = arith.constant 0 : i32
      %dma_start3A_137 = tpu.memref_slice %arg6[%add3A_135, %dma_start3A_136] : memref<125x80xi32, #tpu.memory_space<vmem>> -> memref<1x80xi32, #tpu.memory_space<vmem>>
      %dma_start3A_138 = tpu.memref_squeeze %dma_start3A_137 : memref<1x80xi32, #tpu.memory_space<vmem>> -> memref<80xi32, #tpu.memory_space<vmem>>
      %dma_start3A_139 = arith.constant 0 : i32
      %dma_start3A_140 = arith.constant 0 : i32
      %dma_start3A_141 = tpu.memref_slice %arg2[%dma_start3A_139, %dma_start3A_140] : memref<10000x48xf32, #tpu.memory_space<hbm>> -> memref<10000x48xf32, #tpu.memory_space<hbm>>
      tpu.enqueue_indirect_dma source(%dma_start3A_141 : memref<10000x48xf32, #tpu.memory_space<hbm>>) target(%arg10 : memref<80x48xf32, #tpu.memory_space<vmem>>) offsets(%dma_start3A_138 : memref<80xi32, #tpu.memory_space<vmem>>) semaphore(%arg15 : memref<!tpu.dma_semaphore, #tpu.memory_space<semaphore_mem>>)
      %add3A_142 = arith.constant 3 : i32
      %add3A_143 = arith.addi %mul3A_93, %add3A_142 : i32
      %dma_wait3A_144 = arith.constant 0 : i32
      %dma_wait3A_145 = tpu.memref_slice %arg6[%add3A_143, %dma_wait3A_144] : memref<125x80xi32, #tpu.memory_space<vmem>> -> memref<1x80xi32, #tpu.memory_space<vmem>>
      %dma_wait3A_146 = tpu.memref_squeeze %dma_wait3A_145 : memref<1x80xi32, #tpu.memory_space<vmem>> -> memref<80xi32, #tpu.memory_space<vmem>>
      %dma_wait3A_147 = arith.constant 0 : i32
      %dma_wait3A_148 = arith.constant 0 : i32
      %dma_wait3A_149 = tpu.memref_slice %arg2[%dma_wait3A_147, %dma_wait3A_148] : memref<10000x48xf32, #tpu.memory_space<hbm>> -> memref<10000x48xf32, #tpu.memory_space<hbm>>
      tpu.wait_indirect_dma semaphore(%arg16 : memref<!tpu.dma_semaphore, #tpu.memory_space<semaphore_mem>>) src(%dma_wait3A_149 : memref<10000x48xf32, #tpu.memory_space<hbm>>) dst(%arg11 : memref<80x48xf32, #tpu.memory_space<vmem>>)
      "tpu.region"() ({
        %run_scoped3A_174 = tpu.sem_alloc : memref<!tpu.dma_semaphore, #tpu.memory_space<semaphore_mem>>
        %dma_start3A_175 = arith.constant 0 : i32
        %dma_start3A_176 = tpu.memref_slice %arg7[%add3A_143, %dma_start3A_175] : memref<125x80xi32, #tpu.memory_space<vmem>> -> memref<1x80xi32, #tpu.memory_space<vmem>>
        %dma_start3A_177 = tpu.memref_squeeze %dma_start3A_176 : memref<1x80xi32, #tpu.memory_space<vmem>> -> memref<80xi32, #tpu.memory_space<vmem>>
        %dma_start3A_178 = arith.constant 0 : i32
        %dma_start3A_179 = arith.constant 0 : i32
        %dma_start3A_180 = tpu.memref_slice %arg18[%dma_start3A_178, %dma_start3A_179] : memref<10000x48xf32, #tpu.memory_space<vmem_shared>> -> memref<10000x48xf32, #tpu.memory_space<vmem_shared>>
        tpu.enqueue_indirect_dma source(%arg11 : memref<80x48xf32, #tpu.memory_space<vmem>>) target(%dma_start3A_180 : memref<10000x48xf32, #tpu.memory_space<vmem_shared>>) offsets(%dma_start3A_177 : memref<80xi32, #tpu.memory_space<vmem>>) semaphore(%run_scoped3A_174 : memref<!tpu.dma_semaphore, #tpu.memory_space<semaphore_mem>>) {add = true}
        %dma_wait3A_181 = arith.constant 0 : i32
        %dma_wait3A_182 = tpu.memref_slice %arg7[%add3A_143, %dma_wait3A_181] : memref<125x80xi32, #tpu.memory_space<vmem>> -> memref<1x80xi32, #tpu.memory_space<vmem>>
        %dma_wait3A_183 = tpu.memref_squeeze %dma_wait3A_182 : memref<1x80xi32, #tpu.memory_space<vmem>> -> memref<80xi32, #tpu.memory_space<vmem>>
        %dma_wait3A_184 = arith.constant 0 : i32
        %dma_wait3A_185 = arith.constant 0 : i32
        %dma_wait3A_186 = tpu.memref_slice %arg18[%dma_wait3A_184, %dma_wait3A_185] : memref<10000x48xf32, #tpu.memory_space<vmem_shared>> -> memref<10000x48xf32, #tpu.memory_space<vmem_shared>>
        tpu.wait_indirect_dma semaphore(%run_scoped3A_174 : memref<!tpu.dma_semaphore, #tpu.memory_space<semaphore_mem>>) src(%arg11 : memref<80x48xf32, #tpu.memory_space<vmem>>) dst(%dma_wait3A_186 : memref<10000x48xf32, #tpu.memory_space<vmem_shared>>)
        tpu.yield
      }) : () -> ()
      %add3A_150 = arith.constant 5 : i32
      %add3A_151 = arith.addi %add3A_143, %add3A_150 : i32
      %dma_start3A_152 = arith.constant 0 : i32
      %dma_start3A_153 = tpu.memref_slice %arg6[%add3A_151, %dma_start3A_152] : memref<125x80xi32, #tpu.memory_space<vmem>> -> memref<1x80xi32, #tpu.memory_space<vmem>>
      %dma_start3A_154 = tpu.memref_squeeze %dma_start3A_153 : memref<1x80xi32, #tpu.memory_space<vmem>> -> memref<80xi32, #tpu.memory_space<vmem>>
      %dma_start3A_155 = arith.constant 0 : i32
      %dma_start3A_156 = arith.constant 0 : i32
      %dma_start3A_157 = tpu.memref_slice %arg2[%dma_start3A_155, %dma_start3A_156] : memref<10000x48xf32, #tpu.memory_space<hbm>> -> memref<10000x48xf32, #tpu.memory_space<hbm>>
      tpu.enqueue_indirect_dma source(%dma_start3A_157 : memref<10000x48xf32, #tpu.memory_space<hbm>>) target(%arg11 : memref<80x48xf32, #tpu.memory_space<vmem>>) offsets(%dma_start3A_154 : memref<80xi32, #tpu.memory_space<vmem>>) semaphore(%arg16 : memref<!tpu.dma_semaphore, #tpu.memory_space<semaphore_mem>>)
      %add3A_158 = arith.constant 4 : i32
      %add3A_159 = arith.addi %mul3A_93, %add3A_158 : i32
      %dma_wait3A_160 = arith.constant 0 : i32
      %dma_wait3A_161 = tpu.memref_slice %arg6[%add3A_159, %dma_wait3A_160] : memref<125x80xi32, #tpu.memory_space<vmem>> -> memref<1x80xi32, #tpu.memory_space<vmem>>
      %dma_wait3A_162 = tpu.memref_squeeze %dma_wait3A_161 : memref<1x80xi32, #tpu.memory_space<vmem>> -> memref<80xi32, #tpu.memory_space<vmem>>
      %dma_wait3A_163 = arith.constant 0 : i32
      %dma_wait3A_164 = arith.constant 0 : i32
      %dma_wait3A_165 = tpu.memref_slice %arg2[%dma_wait3A_163, %dma_wait3A_164] : memref<10000x48xf32, #tpu.memory_space<hbm>> -> memref<10000x48xf32, #tpu.memory_space<hbm>>
      tpu.wait_indirect_dma semaphore(%arg17 : memref<!tpu.dma_semaphore, #tpu.memory_space<semaphore_mem>>) src(%dma_wait3A_165 : memref<10000x48xf32, #tpu.memory_space<hbm>>) dst(%arg12 : memref<80x48xf32, #tpu.memory_space<vmem>>)
      "tpu.region"() ({
        %run_scoped3A_174 = tpu.sem_alloc : memref<!tpu.dma_semaphore, #tpu.memory_space<semaphore_mem>>
        %dma_start3A_175 = arith.constant 0 : i32
        %dma_start3A_176 = tpu.memref_slice %arg7[%add3A_159, %dma_start3A_175] : memref<125x80xi32, #tpu.memory_space<vmem>> -> memref<1x80xi32, #tpu.memory_space<vmem>>
        %dma_start3A_177 = tpu.memref_squeeze %dma_start3A_176 : memref<1x80xi32, #tpu.memory_space<vmem>> -> memref<80xi32, #tpu.memory_space<vmem>>
        %dma_start3A_178 = arith.constant 0 : i32
        %dma_start3A_179 = arith.constant 0 : i32
        %dma_start3A_180 = tpu.memref_slice %arg18[%dma_start3A_178, %dma_start3A_179] : memref<10000x48xf32, #tpu.memory_space<vmem_shared>> -> memref<10000x48xf32, #tpu.memory_space<vmem_shared>>
        tpu.enqueue_indirect_dma source(%arg12 : memref<80x48xf32, #tpu.memory_space<vmem>>) target(%dma_start3A_180 : memref<10000x48xf32, #tpu.memory_space<vmem_shared>>) offsets(%dma_start3A_177 : memref<80xi32, #tpu.memory_space<vmem>>) semaphore(%run_scoped3A_174 : memref<!tpu.dma_semaphore, #tpu.memory_space<semaphore_mem>>) {add = true}
        %dma_wait3A_181 = arith.constant 0 : i32
        %dma_wait3A_182 = tpu.memref_slice %arg7[%add3A_159, %dma_wait3A_181] : memref<125x80xi32, #tpu.memory_space<vmem>> -> memref<1x80xi32, #tpu.memory_space<vmem>>
        %dma_wait3A_183 = tpu.memref_squeeze %dma_wait3A_182 : memref<1x80xi32, #tpu.memory_space<vmem>> -> memref<80xi32, #tpu.memory_space<vmem>>
        %dma_wait3A_184 = arith.constant 0 : i32
        %dma_wait3A_185 = arith.constant 0 : i32
        %dma_wait3A_186 = tpu.memref_slice %arg18[%dma_wait3A_184, %dma_wait3A_185] : memref<10000x48xf32, #tpu.memory_space<vmem_shared>> -> memref<10000x48xf32, #tpu.memory_space<vmem_shared>>
        tpu.wait_indirect_dma semaphore(%run_scoped3A_174 : memref<!tpu.dma_semaphore, #tpu.memory_space<semaphore_mem>>) src(%arg12 : memref<80x48xf32, #tpu.memory_space<vmem>>) dst(%dma_wait3A_186 : memref<10000x48xf32, #tpu.memory_space<vmem_shared>>)
        tpu.yield
      }) : () -> ()
      %add3A_166 = arith.constant 5 : i32
      %add3A_167 = arith.addi %add3A_159, %add3A_166 : i32
      %dma_start3A_168 = arith.constant 0 : i32
      %dma_start3A_169 = tpu.memref_slice %arg6[%add3A_167, %dma_start3A_168] : memref<125x80xi32, #tpu.memory_space<vmem>> -> memref<1x80xi32, #tpu.memory_space<vmem>>
      %dma_start3A_170 = tpu.memref_squeeze %dma_start3A_169 : memref<1x80xi32, #tpu.memory_space<vmem>> -> memref<80xi32, #tpu.memory_space<vmem>>
      %dma_start3A_171 = arith.constant 0 : i32
      %dma_start3A_172 = arith.constant 0 : i32
      %dma_start3A_173 = tpu.memref_slice %arg2[%dma_start3A_171, %dma_start3A_172] : memref<10000x48xf32, #tpu.memory_space<hbm>> -> memref<10000x48xf32, #tpu.memory_space<hbm>>
      tpu.enqueue_indirect_dma source(%dma_start3A_173 : memref<10000x48xf32, #tpu.memory_space<hbm>>) target(%arg12 : memref<80x48xf32, #tpu.memory_space<vmem>>) offsets(%dma_start3A_170 : memref<80xi32, #tpu.memory_space<vmem>>) semaphore(%arg17 : memref<!tpu.dma_semaphore, #tpu.memory_space<semaphore_mem>>)
    }
    %scan3A_47 = arith.constant 24 : i32
    %dma_wait3A = arith.constant 120 : i32
    %dma_wait3A_48 = arith.constant 0 : i32
    %dma_wait3A_49 = tpu.memref_slice %arg6[%dma_wait3A, %dma_wait3A_48] : memref<125x80xi32, #tpu.memory_space<vmem>> -> memref<1x80xi32, #tpu.memory_space<vmem>>
    %dma_wait3A_50 = tpu.memref_squeeze %dma_wait3A_49 : memref<1x80xi32, #tpu.memory_space<vmem>> -> memref<80xi32, #tpu.memory_space<vmem>>
    %dma_wait3A_51 = arith.constant 0 : i32
    %dma_wait3A_52 = arith.constant 0 : i32
    %dma_wait3A_53 = tpu.memref_slice %arg2[%dma_wait3A_51, %dma_wait3A_52] : memref<10000x48xf32, #tpu.memory_space<hbm>> -> memref<10000x48xf32, #tpu.memory_space<hbm>>
    tpu.wait_indirect_dma semaphore(%arg13 : memref<!tpu.dma_semaphore, #tpu.memory_space<semaphore_mem>>) src(%dma_wait3A_53 : memref<10000x48xf32, #tpu.memory_space<hbm>>) dst(%arg8 : memref<80x48xf32, #tpu.memory_space<vmem>>)
    %run_scoped3A = arith.constant 120 : i32
    "tpu.region"() ({
      %run_scoped3A_91 = tpu.sem_alloc : memref<!tpu.dma_semaphore, #tpu.memory_space<semaphore_mem>>
      %dma_start3A_92 = arith.constant 0 : i32
      %dma_start3A_93 = tpu.memref_slice %arg7[%run_scoped3A, %dma_start3A_92] : memref<125x80xi32, #tpu.memory_space<vmem>> -> memref<1x80xi32, #tpu.memory_space<vmem>>
      %dma_start3A_94 = tpu.memref_squeeze %dma_start3A_93 : memref<1x80xi32, #tpu.memory_space<vmem>> -> memref<80xi32, #tpu.memory_space<vmem>>
      %dma_start3A_95 = arith.constant 0 : i32
      %dma_start3A_96 = arith.constant 0 : i32
      %dma_start3A_97 = tpu.memref_slice %arg18[%dma_start3A_95, %dma_start3A_96] : memref<10000x48xf32, #tpu.memory_space<vmem_shared>> -> memref<10000x48xf32, #tpu.memory_space<vmem_shared>>
      tpu.enqueue_indirect_dma source(%arg8 : memref<80x48xf32, #tpu.memory_space<vmem>>) target(%dma_start3A_97 : memref<10000x48xf32, #tpu.memory_space<vmem_shared>>) offsets(%dma_start3A_94 : memref<80xi32, #tpu.memory_space<vmem>>) semaphore(%run_scoped3A_91 : memref<!tpu.dma_semaphore, #tpu.memory_space<semaphore_mem>>) {add = true}
      %dma_wait3A_98 = arith.constant 0 : i32
      %dma_wait3A_99 = tpu.memref_slice %arg7[%run_scoped3A, %dma_wait3A_98] : memref<125x80xi32, #tpu.memory_space<vmem>> -> memref<1x80xi32, #tpu.memory_space<vmem>>
      %dma_wait3A_100 = tpu.memref_squeeze %dma_wait3A_99 : memref<1x80xi32, #tpu.memory_space<vmem>> -> memref<80xi32, #tpu.memory_space<vmem>>
      %dma_wait3A_101 = arith.constant 0 : i32
      %dma_wait3A_102 = arith.constant 0 : i32
      %dma_wait3A_103 = tpu.memref_slice %arg18[%dma_wait3A_101, %dma_wait3A_102] : memref<10000x48xf32, #tpu.memory_space<vmem_shared>> -> memref<10000x48xf32, #tpu.memory_space<vmem_shared>>
      tpu.wait_indirect_dma semaphore(%run_scoped3A_91 : memref<!tpu.dma_semaphore, #tpu.memory_space<semaphore_mem>>) src(%arg8 : memref<80x48xf32, #tpu.memory_space<vmem>>) dst(%dma_wait3A_103 : memref<10000x48xf32, #tpu.memory_space<vmem_shared>>)
      tpu.yield
    }) : () -> ()
    %dma_wait3A_54 = arith.constant 121 : i32
    %dma_wait3A_55 = arith.constant 0 : i32
    %dma_wait3A_56 = tpu.memref_slice %arg6[%dma_wait3A_54, %dma_wait3A_55] : memref<125x80xi32, #tpu.memory_space<vmem>> -> memref<1x80xi32, #tpu.memory_space<vmem>>
    %dma_wait3A_57 = tpu.memref_squeeze %dma_wait3A_56 : memref<1x80xi32, #tpu.memory_space<vmem>> -> memref<80xi32, #tpu.memory_space<vmem>>
    %dma_wait3A_58 = arith.constant 0 : i32
    %dma_wait3A_59 = arith.constant 0 : i32
    %dma_wait3A_60 = tpu.memref_slice %arg2[%dma_wait3A_58, %dma_wait3A_59] : memref<10000x48xf32, #tpu.memory_space<hbm>> -> memref<10000x48xf32, #tpu.memory_space<hbm>>
    tpu.wait_indirect_dma semaphore(%arg14 : memref<!tpu.dma_semaphore, #tpu.memory_space<semaphore_mem>>) src(%dma_wait3A_60 : memref<10000x48xf32, #tpu.memory_space<hbm>>) dst(%arg9 : memref<80x48xf32, #tpu.memory_space<vmem>>)
    %run_scoped3A_61 = arith.constant 121 : i32
    "tpu.region"() ({
      %run_scoped3A_91 = tpu.sem_alloc : memref<!tpu.dma_semaphore, #tpu.memory_space<semaphore_mem>>
      %dma_start3A_92 = arith.constant 0 : i32
      %dma_start3A_93 = tpu.memref_slice %arg7[%run_scoped3A_61, %dma_start3A_92] : memref<125x80xi32, #tpu.memory_space<vmem>> -> memref<1x80xi32, #tpu.memory_space<vmem>>
      %dma_start3A_94 = tpu.memref_squeeze %dma_start3A_93 : memref<1x80xi32, #tpu.memory_space<vmem>> -> memref<80xi32, #tpu.memory_space<vmem>>
      %dma_start3A_95 = arith.constant 0 : i32
      %dma_start3A_96 = arith.constant 0 : i32
      %dma_start3A_97 = tpu.memref_slice %arg18[%dma_start3A_95, %dma_start3A_96] : memref<10000x48xf32, #tpu.memory_space<vmem_shared>> -> memref<10000x48xf32, #tpu.memory_space<vmem_shared>>
      tpu.enqueue_indirect_dma source(%arg9 : memref<80x48xf32, #tpu.memory_space<vmem>>) target(%dma_start3A_97 : memref<10000x48xf32, #tpu.memory_space<vmem_shared>>) offsets(%dma_start3A_94 : memref<80xi32, #tpu.memory_space<vmem>>) semaphore(%run_scoped3A_91 : memref<!tpu.dma_semaphore, #tpu.memory_space<semaphore_mem>>) {add = true}
      %dma_wait3A_98 = arith.constant 0 : i32
      %dma_wait3A_99 = tpu.memref_slice %arg7[%run_scoped3A_61, %dma_wait3A_98] : memref<125x80xi32, #tpu.memory_space<vmem>> -> memref<1x80xi32, #tpu.memory_space<vmem>>
      %dma_wait3A_100 = tpu.memref_squeeze %dma_wait3A_99 : memref<1x80xi32, #tpu.memory_space<vmem>> -> memref<80xi32, #tpu.memory_space<vmem>>
      %dma_wait3A_101 = arith.constant 0 : i32
      %dma_wait3A_102 = arith.constant 0 : i32
      %dma_wait3A_103 = tpu.memref_slice %arg18[%dma_wait3A_101, %dma_wait3A_102] : memref<10000x48xf32, #tpu.memory_space<vmem_shared>> -> memref<10000x48xf32, #tpu.memory_space<vmem_shared>>
      tpu.wait_indirect_dma semaphore(%run_scoped3A_91 : memref<!tpu.dma_semaphore, #tpu.memory_space<semaphore_mem>>) src(%arg9 : memref<80x48xf32, #tpu.memory_space<vmem>>) dst(%dma_wait3A_103 : memref<10000x48xf32, #tpu.memory_space<vmem_shared>>)
      tpu.yield
    }) : () -> ()
    %dma_wait3A_62 = arith.constant 122 : i32
    %dma_wait3A_63 = arith.constant 0 : i32
    %dma_wait3A_64 = tpu.memref_slice %arg6[%dma_wait3A_62, %dma_wait3A_63] : memref<125x80xi32, #tpu.memory_space<vmem>> -> memref<1x80xi32, #tpu.memory_space<vmem>>
    %dma_wait3A_65 = tpu.memref_squeeze %dma_wait3A_64 : memref<1x80xi32, #tpu.memory_space<vmem>> -> memref<80xi32, #tpu.memory_space<vmem>>
    %dma_wait3A_66 = arith.constant 0 : i32
    %dma_wait3A_67 = arith.constant 0 : i32
    %dma_wait3A_68 = tpu.memref_slice %arg2[%dma_wait3A_66, %dma_wait3A_67] : memref<10000x48xf32, #tpu.memory_space<hbm>> -> memref<10000x48xf32, #tpu.memory_space<hbm>>
    tpu.wait_indirect_dma semaphore(%arg15 : memref<!tpu.dma_semaphore, #tpu.memory_space<semaphore_mem>>) src(%dma_wait3A_68 : memref<10000x48xf32, #tpu.memory_space<hbm>>) dst(%arg10 : memref<80x48xf32, #tpu.memory_space<vmem>>)
    %run_scoped3A_69 = arith.constant 122 : i32
    "tpu.region"() ({
      %run_scoped3A_91 = tpu.sem_alloc : memref<!tpu.dma_semaphore, #tpu.memory_space<semaphore_mem>>
      %dma_start3A_92 = arith.constant 0 : i32
      %dma_start3A_93 = tpu.memref_slice %arg7[%run_scoped3A_69, %dma_start3A_92] : memref<125x80xi32, #tpu.memory_space<vmem>> -> memref<1x80xi32, #tpu.memory_space<vmem>>
      %dma_start3A_94 = tpu.memref_squeeze %dma_start3A_93 : memref<1x80xi32, #tpu.memory_space<vmem>> -> memref<80xi32, #tpu.memory_space<vmem>>
      %dma_start3A_95 = arith.constant 0 : i32
      %dma_start3A_96 = arith.constant 0 : i32
      %dma_start3A_97 = tpu.memref_slice %arg18[%dma_start3A_95, %dma_start3A_96] : memref<10000x48xf32, #tpu.memory_space<vmem_shared>> -> memref<10000x48xf32, #tpu.memory_space<vmem_shared>>
      tpu.enqueue_indirect_dma source(%arg10 : memref<80x48xf32, #tpu.memory_space<vmem>>) target(%dma_start3A_97 : memref<10000x48xf32, #tpu.memory_space<vmem_shared>>) offsets(%dma_start3A_94 : memref<80xi32, #tpu.memory_space<vmem>>) semaphore(%run_scoped3A_91 : memref<!tpu.dma_semaphore, #tpu.memory_space<semaphore_mem>>) {add = true}
      %dma_wait3A_98 = arith.constant 0 : i32
      %dma_wait3A_99 = tpu.memref_slice %arg7[%run_scoped3A_69, %dma_wait3A_98] : memref<125x80xi32, #tpu.memory_space<vmem>> -> memref<1x80xi32, #tpu.memory_space<vmem>>
      %dma_wait3A_100 = tpu.memref_squeeze %dma_wait3A_99 : memref<1x80xi32, #tpu.memory_space<vmem>> -> memref<80xi32, #tpu.memory_space<vmem>>
      %dma_wait3A_101 = arith.constant 0 : i32
      %dma_wait3A_102 = arith.constant 0 : i32
      %dma_wait3A_103 = tpu.memref_slice %arg18[%dma_wait3A_101, %dma_wait3A_102] : memref<10000x48xf32, #tpu.memory_space<vmem_shared>> -> memref<10000x48xf32, #tpu.memory_space<vmem_shared>>
      tpu.wait_indirect_dma semaphore(%run_scoped3A_91 : memref<!tpu.dma_semaphore, #tpu.memory_space<semaphore_mem>>) src(%arg10 : memref<80x48xf32, #tpu.memory_space<vmem>>) dst(%dma_wait3A_103 : memref<10000x48xf32, #tpu.memory_space<vmem_shared>>)
      tpu.yield
    }) : () -> ()
    %dma_wait3A_70 = arith.constant 123 : i32
    %dma_wait3A_71 = arith.constant 0 : i32
    %dma_wait3A_72 = tpu.memref_slice %arg6[%dma_wait3A_70, %dma_wait3A_71] : memref<125x80xi32, #tpu.memory_space<vmem>> -> memref<1x80xi32, #tpu.memory_space<vmem>>
    %dma_wait3A_73 = tpu.memref_squeeze %dma_wait3A_72 : memref<1x80xi32, #tpu.memory_space<vmem>> -> memref<80xi32, #tpu.memory_space<vmem>>
    %dma_wait3A_74 = arith.constant 0 : i32
    %dma_wait3A_75 = arith.constant 0 : i32
    %dma_wait3A_76 = tpu.memref_slice %arg2[%dma_wait3A_74, %dma_wait3A_75] : memref<10000x48xf32, #tpu.memory_space<hbm>> -> memref<10000x48xf32, #tpu.memory_space<hbm>>
    tpu.wait_indirect_dma semaphore(%arg16 : memref<!tpu.dma_semaphore, #tpu.memory_space<semaphore_mem>>) src(%dma_wait3A_76 : memref<10000x48xf32, #tpu.memory_space<hbm>>) dst(%arg11 : memref<80x48xf32, #tpu.memory_space<vmem>>)
    %run_scoped3A_77 = arith.constant 123 : i32
    "tpu.region"() ({
      %run_scoped3A_91 = tpu.sem_alloc : memref<!tpu.dma_semaphore, #tpu.memory_space<semaphore_mem>>
      %dma_start3A_92 = arith.constant 0 : i32
      %dma_start3A_93 = tpu.memref_slice %arg7[%run_scoped3A_77, %dma_start3A_92] : memref<125x80xi32, #tpu.memory_space<vmem>> -> memref<1x80xi32, #tpu.memory_space<vmem>>
      %dma_start3A_94 = tpu.memref_squeeze %dma_start3A_93 : memref<1x80xi32, #tpu.memory_space<vmem>> -> memref<80xi32, #tpu.memory_space<vmem>>
      %dma_start3A_95 = arith.constant 0 : i32
      %dma_start3A_96 = arith.constant 0 : i32
      %dma_start3A_97 = tpu.memref_slice %arg18[%dma_start3A_95, %dma_start3A_96] : memref<10000x48xf32, #tpu.memory_space<vmem_shared>> -> memref<10000x48xf32, #tpu.memory_space<vmem_shared>>
      tpu.enqueue_indirect_dma source(%arg11 : memref<80x48xf32, #tpu.memory_space<vmem>>) target(%dma_start3A_97 : memref<10000x48xf32, #tpu.memory_space<vmem_shared>>) offsets(%dma_start3A_94 : memref<80xi32, #tpu.memory_space<vmem>>) semaphore(%run_scoped3A_91 : memref<!tpu.dma_semaphore, #tpu.memory_space<semaphore_mem>>) {add = true}
      %dma_wait3A_98 = arith.constant 0 : i32
      %dma_wait3A_99 = tpu.memref_slice %arg7[%run_scoped3A_77, %dma_wait3A_98] : memref<125x80xi32, #tpu.memory_space<vmem>> -> memref<1x80xi32, #tpu.memory_space<vmem>>
      %dma_wait3A_100 = tpu.memref_squeeze %dma_wait3A_99 : memref<1x80xi32, #tpu.memory_space<vmem>> -> memref<80xi32, #tpu.memory_space<vmem>>
      %dma_wait3A_101 = arith.constant 0 : i32
      %dma_wait3A_102 = arith.constant 0 : i32
      %dma_wait3A_103 = tpu.memref_slice %arg18[%dma_wait3A_101, %dma_wait3A_102] : memref<10000x48xf32, #tpu.memory_space<vmem_shared>> -> memref<10000x48xf32, #tpu.memory_space<vmem_shared>>
      tpu.wait_indirect_dma semaphore(%run_scoped3A_91 : memref<!tpu.dma_semaphore, #tpu.memory_space<semaphore_mem>>) src(%arg11 : memref<80x48xf32, #tpu.memory_space<vmem>>) dst(%dma_wait3A_103 : memref<10000x48xf32, #tpu.memory_space<vmem_shared>>)
      tpu.yield
    }) : () -> ()
    %dma_wait3A_78 = arith.constant 124 : i32
    %dma_wait3A_79 = arith.constant 0 : i32
    %dma_wait3A_80 = tpu.memref_slice %arg6[%dma_wait3A_78, %dma_wait3A_79] : memref<125x80xi32, #tpu.memory_space<vmem>> -> memref<1x80xi32, #tpu.memory_space<vmem>>
    %dma_wait3A_81 = tpu.memref_squeeze %dma_wait3A_80 : memref<1x80xi32, #tpu.memory_space<vmem>> -> memref<80xi32, #tpu.memory_space<vmem>>
    %dma_wait3A_82 = arith.constant 0 : i32
    %dma_wait3A_83 = arith.constant 0 : i32
    %dma_wait3A_84 = tpu.memref_slice %arg2[%dma_wait3A_82, %dma_wait3A_83] : memref<10000x48xf32, #tpu.memory_space<hbm>> -> memref<10000x48xf32, #tpu.memory_space<hbm>>
    tpu.wait_indirect_dma semaphore(%arg17 : memref<!tpu.dma_semaphore, #tpu.memory_space<semaphore_mem>>) src(%dma_wait3A_84 : memref<10000x48xf32, #tpu.memory_space<hbm>>) dst(%arg12 : memref<80x48xf32, #tpu.memory_space<vmem>>)
    %run_scoped3A_85 = arith.constant 124 : i32
    "tpu.region"() ({
      %run_scoped3A_91 = tpu.sem_alloc : memref<!tpu.dma_semaphore, #tpu.memory_space<semaphore_mem>>
      %dma_start3A_92 = arith.constant 0 : i32
      %dma_start3A_93 = tpu.memref_slice %arg7[%run_scoped3A_85, %dma_start3A_92] : memref<125x80xi32, #tpu.memory_space<vmem>> -> memref<1x80xi32, #tpu.memory_space<vmem>>
      %dma_start3A_94 = tpu.memref_squeeze %dma_start3A_93 : memref<1x80xi32, #tpu.memory_space<vmem>> -> memref<80xi32, #tpu.memory_space<vmem>>
      %dma_start3A_95 = arith.constant 0 : i32
      %dma_start3A_96 = arith.constant 0 : i32
      %dma_start3A_97 = tpu.memref_slice %arg18[%dma_start3A_95, %dma_start3A_96] : memref<10000x48xf32, #tpu.memory_space<vmem_shared>> -> memref<10000x48xf32, #tpu.memory_space<vmem_shared>>
      tpu.enqueue_indirect_dma source(%arg12 : memref<80x48xf32, #tpu.memory_space<vmem>>) target(%dma_start3A_97 : memref<10000x48xf32, #tpu.memory_space<vmem_shared>>) offsets(%dma_start3A_94 : memref<80xi32, #tpu.memory_space<vmem>>) semaphore(%run_scoped3A_91 : memref<!tpu.dma_semaphore, #tpu.memory_space<semaphore_mem>>) {add = true}
      %dma_wait3A_98 = arith.constant 0 : i32
      %dma_wait3A_99 = tpu.memref_slice %arg7[%run_scoped3A_85, %dma_wait3A_98] : memref<125x80xi32, #tpu.memory_space<vmem>> -> memref<1x80xi32, #tpu.memory_space<vmem>>
      %dma_wait3A_100 = tpu.memref_squeeze %dma_wait3A_99 : memref<1x80xi32, #tpu.memory_space<vmem>> -> memref<80xi32, #tpu.memory_space<vmem>>
      %dma_wait3A_101 = arith.constant 0 : i32
      %dma_wait3A_102 = arith.constant 0 : i32
      %dma_wait3A_103 = tpu.memref_slice %arg18[%dma_wait3A_101, %dma_wait3A_102] : memref<10000x48xf32, #tpu.memory_space<vmem_shared>> -> memref<10000x48xf32, #tpu.memory_space<vmem_shared>>
      tpu.wait_indirect_dma semaphore(%run_scoped3A_91 : memref<!tpu.dma_semaphore, #tpu.memory_space<semaphore_mem>>) src(%arg12 : memref<80x48xf32, #tpu.memory_space<vmem>>) dst(%dma_wait3A_103 : memref<10000x48xf32, #tpu.memory_space<vmem_shared>>)
      tpu.yield
    }) : () -> ()
    %barrier3A_86 = arith.constant 0 : index
    tpu.barrier barrier_id(%barrier3A_86)
    %mul3A_87 = arith.constant 625 : i32
    %mul3A_88 = arith.muli %arg1, %mul3A_87 : i32
    %mul3A_89 = arith.constant 625 : i32
    %mul3A_90 = arith.muli %arg1, %mul3A_89 : i32
    "tpu.region"() ({
      %run_scoped3A_91 = tpu.sem_alloc : memref<!tpu.dma_semaphore, #tpu.memory_space<semaphore_mem>>
      %dma_start3A_92 = arith.constant 0 : i32
      %dma_start3A_93 = arith.constant 0 : i32
      %dma_start3A_94 = tpu.memref_slice %arg5[%arg0, %dma_start3A_92, %dma_start3A_93] : memref<2x10000x48xf32, #tpu.memory_space<hbm>> -> memref<1x10000x48xf32, #tpu.memory_space<hbm>>
      %dma_start3A_95 = tpu.memref_squeeze %dma_start3A_94 : memref<1x10000x48xf32, #tpu.memory_space<hbm>> -> memref<10000x48xf32, #tpu.memory_space<hbm>>
      %dma_start3A_96 = arith.constant 0 : i32
      %dma_start3A_97 = tpu.memref_slice %dma_start3A_95[%mul3A_90, %dma_start3A_96] : memref<10000x48xf32, #tpu.memory_space<hbm>> -> memref<625x48xf32, #tpu.memory_space<hbm>>
      %dma_start3A_98 = arith.constant 0 : i32
      %dma_start3A_99 = tpu.memref_slice %arg18[%mul3A_88, %dma_start3A_98] : memref<10000x48xf32, #tpu.memory_space<vmem_shared>> -> memref<625x48xf32, #tpu.memory_space<vmem_shared>>
      tpu.enqueue_dma source(%dma_start3A_99 : memref<625x48xf32, #tpu.memory_space<vmem_shared>>) target(%dma_start3A_97 : memref<625x48xf32, #tpu.memory_space<hbm>>) target_semaphore(%run_scoped3A_91 : memref<!tpu.dma_semaphore, #tpu.memory_space<semaphore_mem>>)
      %dma_wait3A_100 = arith.constant 0 : i32
      %dma_wait3A_101 = arith.constant 0 : i32
      %dma_wait3A_102 = tpu.memref_slice %arg5[%arg0, %dma_wait3A_100, %dma_wait3A_101] : memref<2x10000x48xf32, #tpu.memory_space<hbm>> -> memref<1x10000x48xf32, #tpu.memory_space<hbm>>
      %dma_wait3A_103 = tpu.memref_squeeze %dma_wait3A_102 : memref<1x10000x48xf32, #tpu.memory_space<hbm>> -> memref<10000x48xf32, #tpu.memory_space<hbm>>
      %dma_wait3A_104 = arith.constant 0 : i32
      %dma_wait3A_105 = tpu.memref_slice %dma_wait3A_103[%mul3A_90, %dma_wait3A_104] : memref<10000x48xf32, #tpu.memory_space<hbm>> -> memref<625x48xf32, #tpu.memory_space<hbm>>
      %dma_wait3A_106 = arith.constant 0 : i32
      %dma_wait3A_107 = tpu.memref_slice %arg18[%mul3A_88, %dma_wait3A_106] : memref<10000x48xf32, #tpu.memory_space<vmem_shared>> -> memref<625x48xf32, #tpu.memory_space<vmem_shared>>
      tpu.wait_dma2 semaphore(%run_scoped3A_91 : memref<!tpu.dma_semaphore, #tpu.memory_space<semaphore_mem>>) src(%dma_wait3A_107 : memref<625x48xf32, #tpu.memory_space<vmem_shared>>) dst(%dma_wait3A_105 : memref<625x48xf32, #tpu.memory_space<hbm>>)
      tpu.yield
    }) : () -> ()
    return
  }
}

#map = affine_map<(d0, d1) -> (0, 0)>
#map1 = affine_map<(d0, d1) -> (0, 0, 0)>
module attributes {stable_mosaic.version = 14 : i64} {
  func.func @k(%arg0: i32, %arg1: i32, %arg2: memref<20000x64xf32, #tpu.memory_space<hbm>>, %arg3: memref<16x250x80xi32, #tpu.memory_space<hbm>>, %arg4: memref<625x64xf32, #tpu.memory_space<hbm>>, %arg5: memref<2x10000x64xf32, #tpu.memory_space<hbm>>, %arg6: memref<250x80xi32, #tpu.memory_space<vmem>>, %arg7: memref<250x80xi32, #tpu.memory_space<vmem>>, %arg8: memref<80x64xf32, #tpu.memory_space<vmem>>, %arg9: memref<80x64xf32, #tpu.memory_space<vmem>>, %arg10: memref<80x64xf32, #tpu.memory_space<vmem>>, %arg11: memref<80x64xf32, #tpu.memory_space<vmem>>, %arg12: memref<80x64xf32, #tpu.memory_space<vmem>>, %arg13: memref<!tpu.dma_semaphore, #tpu.memory_space<semaphore_mem>>, %arg14: memref<!tpu.dma_semaphore, #tpu.memory_space<semaphore_mem>>, %arg15: memref<!tpu.dma_semaphore, #tpu.memory_space<semaphore_mem>>, %arg16: memref<!tpu.dma_semaphore, #tpu.memory_space<semaphore_mem>>, %arg17: memref<!tpu.dma_semaphore, #tpu.memory_space<semaphore_mem>>, %arg18: memref<10000x64xf32, #tpu.memory_space<vmem_shared>>) attributes {dimension_semantics = [#tpu.dimension_semantics<core_parallel>, #tpu.dimension_semantics<subcore_parallel>], iteration_bounds = array<i64: 2, 16>, scalar_prefetch = 0 : i64, scratch_operands = 13 : i64, tpu.core_type = #tpu.core_type<sc_vector_subcore>, window_params = [{transform_indices = #map}, {transform_indices = #map1}, {transform_indices = #map}, {transform_indices = #map1}]} {
    %mul3A = arith.constant 10000 : i32
    %mul3A_0 = arith.muli %arg0, %mul3A : i32
    "tpu.region"() ({
      %run_scoped3A_91 = tpu.sem_alloc : memref<!tpu.dma_semaphore, #tpu.memory_space<semaphore_mem>>
      %dma_start3A_92 = arith.constant 0 : i32
      %dma_start3A_93 = arith.constant 0 : i32
      %dma_start3A_94 = tpu.memref_slice %arg3[%arg1, %dma_start3A_92, %dma_start3A_93] : memref<16x250x80xi32, #tpu.memory_space<hbm>> -> memref<1x250x80xi32, #tpu.memory_space<hbm>>
      %dma_start3A_95 = tpu.memref_squeeze %dma_start3A_94 : memref<1x250x80xi32, #tpu.memory_space<hbm>> -> memref<250x80xi32, #tpu.memory_space<hbm>>
      %dma_start3A_96 = arith.constant 0 : i32
      %dma_start3A_97 = arith.constant 0 : i32
      %dma_start3A_98 = tpu.memref_slice %arg3[%arg1, %dma_start3A_96, %dma_start3A_97] : memref<16x250x80xi32, #tpu.memory_space<hbm>> -> memref<1x250x80xi32, #tpu.memory_space<hbm>>
      %dma_start3A_99 = tpu.memref_squeeze %dma_start3A_98 : memref<1x250x80xi32, #tpu.memory_space<hbm>> -> memref<250x80xi32, #tpu.memory_space<hbm>>
      tpu.enqueue_dma source(%dma_start3A_99 : memref<250x80xi32, #tpu.memory_space<hbm>>) target(%arg6 : memref<250x80xi32, #tpu.memory_space<vmem>>) target_semaphore(%run_scoped3A_91 : memref<!tpu.dma_semaphore, #tpu.memory_space<semaphore_mem>>)
      %dma_wait3A_100 = arith.constant 0 : i32
      %dma_wait3A_101 = arith.constant 0 : i32
      %dma_wait3A_102 = tpu.memref_slice %arg3[%arg1, %dma_wait3A_100, %dma_wait3A_101] : memref<16x250x80xi32, #tpu.memory_space<hbm>> -> memref<1x250x80xi32, #tpu.memory_space<hbm>>
      %dma_wait3A_103 = tpu.memref_squeeze %dma_wait3A_102 : memref<1x250x80xi32, #tpu.memory_space<hbm>> -> memref<250x80xi32, #tpu.memory_space<hbm>>
      %dma_wait3A_104 = arith.constant 0 : i32
      %dma_wait3A_105 = arith.constant 0 : i32
      %dma_wait3A_106 = tpu.memref_slice %arg3[%arg1, %dma_wait3A_104, %dma_wait3A_105] : memref<16x250x80xi32, #tpu.memory_space<hbm>> -> memref<1x250x80xi32, #tpu.memory_space<hbm>>
      %dma_wait3A_107 = tpu.memref_squeeze %dma_wait3A_106 : memref<1x250x80xi32, #tpu.memory_space<hbm>> -> memref<250x80xi32, #tpu.memory_space<hbm>>
      tpu.wait_dma2 semaphore(%run_scoped3A_91 : memref<!tpu.dma_semaphore, #tpu.memory_space<semaphore_mem>>) src(%dma_wait3A_107 : memref<250x80xi32, #tpu.memory_space<hbm>>) dst(%arg6 : memref<250x80xi32, #tpu.memory_space<vmem>>)
      tpu.yield
    }) : () -> ()
    %mul3A_1 = arith.constant 625 : i32
    %mul3A_2 = arith.muli %arg1, %mul3A_1 : i32
    "tpu.region"() ({
      %run_scoped3A_91 = tpu.sem_alloc : memref<!tpu.dma_semaphore, #tpu.memory_space<semaphore_mem>>
      %dma_start3A_92 = arith.constant 0 : i32
      %dma_start3A_93 = tpu.memref_slice %arg18[%mul3A_2, %dma_start3A_92] : memref<10000x64xf32, #tpu.memory_space<vmem_shared>> -> memref<625x64xf32, #tpu.memory_space<vmem_shared>>
      tpu.enqueue_dma source(%arg4 : memref<625x64xf32, #tpu.memory_space<hbm>>) target(%dma_start3A_93 : memref<625x64xf32, #tpu.memory_space<vmem_shared>>) target_semaphore(%run_scoped3A_91 : memref<!tpu.dma_semaphore, #tpu.memory_space<semaphore_mem>>)
      %dma_wait3A_94 = arith.constant 0 : i32
      %dma_wait3A_95 = tpu.memref_slice %arg18[%mul3A_2, %dma_wait3A_94] : memref<10000x64xf32, #tpu.memory_space<vmem_shared>> -> memref<625x64xf32, #tpu.memory_space<vmem_shared>>
      tpu.wait_dma2 semaphore(%run_scoped3A_91 : memref<!tpu.dma_semaphore, #tpu.memory_space<semaphore_mem>>) src(%arg4 : memref<625x64xf32, #tpu.memory_space<hbm>>) dst(%dma_wait3A_95 : memref<625x64xf32, #tpu.memory_space<vmem_shared>>)
      tpu.yield
    }) : () -> ()
    %scan3A = arith.constant 0 : i32
    %scan3A_3 = arith.constant 0 : i32
    %scan3A_4 = arith.constant 250 : i32
    %scan3A_5 = arith.addi %scan3A_3, %scan3A_4 : i32
    %scan3A_6 = arith.constant 1 : i32
    scf.for %scan3A_91 = %scan3A_3 to %scan3A_5 step %scan3A_6  : i32 {
      %get3A = arith.index_cast %scan3A_91 : i32 to index
      %get3A_92 = arith.constant 0 : index
      %get3A_93 = tpu.vector_load %arg6[%get3A, %get3A_92] {strides = array<i32>} : memref<250x80xi32, #tpu.memory_space<vmem>>, vector<1x16xi32>,
      %get3A_94 = vector.shape_cast %get3A_93 : vector<1x16xi32> to vector<16xi32>
      %shift_right_logical3A = arith.constant 16 : i32
      %shift_right_logical3A_95 = vector.broadcast %shift_right_logical3A : i32 to vector<16xi32>
      %shift_right_logical3A_96 = arith.shrui %get3A_94, %shift_right_logical3A_95 : vector<16xi32>
      %swap3A = arith.index_cast %scan3A_91 : i32 to index
      %swap3A_97 = arith.constant 0 : index
      %swap3A_98 = tpu.vector_load %arg7[%swap3A, %swap3A_97] {strides = array<i32>} : memref<250x80xi32, #tpu.memory_space<vmem>>, vector<1x16xi32>,
      %swap3A_99 = vector.shape_cast %swap3A_98 : vector<1x16xi32> to vector<16xi32>
      %swap3A_100 = vector.shape_cast %shift_right_logical3A_96 : vector<16xi32> to vector<1x16xi32>
      tpu.vector_store %arg7[%swap3A, %swap3A_97], %swap3A_100 {strides = array<i32>} : memref<250x80xi32, #tpu.memory_space<vmem>>, vector<1x16xi32>,
      %and3A = arith.constant 65535 : i32
      %and3A_101 = vector.broadcast %and3A : i32 to vector<16xi32>
      %and3A_102 = arith.andi %get3A_94, %and3A_101 : vector<16xi32>
      %add3A = vector.broadcast %mul3A_0 : i32 to vector<16xi32>
      %add3A_103 = arith.addi %and3A_102, %add3A : vector<16xi32>
      %swap3A_104 = arith.index_cast %scan3A_91 : i32 to index
      %swap3A_105 = arith.constant 0 : index
      %swap3A_106 = tpu.vector_load %arg6[%swap3A_104, %swap3A_105] {strides = array<i32>} : memref<250x80xi32, #tpu.memory_space<vmem>>, vector<1x16xi32>,
      %swap3A_107 = vector.shape_cast %swap3A_106 : vector<1x16xi32> to vector<16xi32>
      %swap3A_108 = vector.shape_cast %add3A_103 : vector<16xi32> to vector<1x16xi32>
      tpu.vector_store %arg6[%swap3A_104, %swap3A_105], %swap3A_108 {strides = array<i32>} : memref<250x80xi32, #tpu.memory_space<vmem>>, vector<1x16xi32>,
      %get3A_109 = arith.index_cast %scan3A_91 : i32 to index
      %get3A_110 = arith.constant 16 : index
      %get3A_111 = tpu.vector_load %arg6[%get3A_109, %get3A_110] {strides = array<i32>} : memref<250x80xi32, #tpu.memory_space<vmem>>, vector<1x16xi32>,
      %get3A_112 = vector.shape_cast %get3A_111 : vector<1x16xi32> to vector<16xi32>
      %shift_right_logical3A_113 = arith.constant 16 : i32
      %shift_right_logical3A_114 = vector.broadcast %shift_right_logical3A_113 : i32 to vector<16xi32>
      %shift_right_logical3A_115 = arith.shrui %get3A_112, %shift_right_logical3A_114 : vector<16xi32>
      %swap3A_116 = arith.index_cast %scan3A_91 : i32 to index
      %swap3A_117 = arith.constant 16 : index
      %swap3A_118 = tpu.vector_load %arg7[%swap3A_116, %swap3A_117] {strides = array<i32>} : memref<250x80xi32, #tpu.memory_space<vmem>>, vector<1x16xi32>,
      %swap3A_119 = vector.shape_cast %swap3A_118 : vector<1x16xi32> to vector<16xi32>
      %swap3A_120 = vector.shape_cast %shift_right_logical3A_115 : vector<16xi32> to vector<1x16xi32>
      tpu.vector_store %arg7[%swap3A_116, %swap3A_117], %swap3A_120 {strides = array<i32>} : memref<250x80xi32, #tpu.memory_space<vmem>>, vector<1x16xi32>,
      %and3A_121 = arith.constant 65535 : i32
      %and3A_122 = vector.broadcast %and3A_121 : i32 to vector<16xi32>
      %and3A_123 = arith.andi %get3A_112, %and3A_122 : vector<16xi32>
      %add3A_124 = vector.broadcast %mul3A_0 : i32 to vector<16xi32>
      %add3A_125 = arith.addi %and3A_123, %add3A_124 : vector<16xi32>
      %swap3A_126 = arith.index_cast %scan3A_91 : i32 to index
      %swap3A_127 = arith.constant 16 : index
      %swap3A_128 = tpu.vector_load %arg6[%swap3A_126, %swap3A_127] {strides = array<i32>} : memref<250x80xi32, #tpu.memory_space<vmem>>, vector<1x16xi32>,
      %swap3A_129 = vector.shape_cast %swap3A_128 : vector<1x16xi32> to vector<16xi32>
      %swap3A_130 = vector.shape_cast %add3A_125 : vector<16xi32> to vector<1x16xi32>
      tpu.vector_store %arg6[%swap3A_126, %swap3A_127], %swap3A_130 {strides = array<i32>} : memref<250x80xi32, #tpu.memory_space<vmem>>, vector<1x16xi32>,
      %get3A_131 = arith.index_cast %scan3A_91 : i32 to index
      %get3A_132 = arith.constant 32 : index
      %get3A_133 = tpu.vector_load %arg6[%get3A_131, %get3A_132] {strides = array<i32>} : memref<250x80xi32, #tpu.memory_space<vmem>>, vector<1x16xi32>,
      %get3A_134 = vector.shape_cast %get3A_133 : vector<1x16xi32> to vector<16xi32>
      %shift_right_logical3A_135 = arith.constant 16 : i32
      %shift_right_logical3A_136 = vector.broadcast %shift_right_logical3A_135 : i32 to vector<16xi32>
      %shift_right_logical3A_137 = arith.shrui %get3A_134, %shift_right_logical3A_136 : vector<16xi32>
      %swap3A_138 = arith.index_cast %scan3A_91 : i32 to index
      %swap3A_139 = arith.constant 32 : index
      %swap3A_140 = tpu.vector_load %arg7[%swap3A_138, %swap3A_139] {strides = array<i32>} : memref<250x80xi32, #tpu.memory_space<vmem>>, vector<1x16xi32>,
      %swap3A_141 = vector.shape_cast %swap3A_140 : vector<1x16xi32> to vector<16xi32>
      %swap3A_142 = vector.shape_cast %shift_right_logical3A_137 : vector<16xi32> to vector<1x16xi32>
      tpu.vector_store %arg7[%swap3A_138, %swap3A_139], %swap3A_142 {strides = array<i32>} : memref<250x80xi32, #tpu.memory_space<vmem>>, vector<1x16xi32>,
      %and3A_143 = arith.constant 65535 : i32
      %and3A_144 = vector.broadcast %and3A_143 : i32 to vector<16xi32>
      %and3A_145 = arith.andi %get3A_134, %and3A_144 : vector<16xi32>
      %add3A_146 = vector.broadcast %mul3A_0 : i32 to vector<16xi32>
      %add3A_147 = arith.addi %and3A_145, %add3A_146 : vector<16xi32>
      %swap3A_148 = arith.index_cast %scan3A_91 : i32 to index
      %swap3A_149 = arith.constant 32 : index
      %swap3A_150 = tpu.vector_load %arg6[%swap3A_148, %swap3A_149] {strides = array<i32>} : memref<250x80xi32, #tpu.memory_space<vmem>>, vector<1x16xi32>,
      %swap3A_151 = vector.shape_cast %swap3A_150 : vector<1x16xi32> to vector<16xi32>
      %swap3A_152 = vector.shape_cast %add3A_147 : vector<16xi32> to vector<1x16xi32>
      tpu.vector_store %arg6[%swap3A_148, %swap3A_149], %swap3A_152 {strides = array<i32>} : memref<250x80xi32, #tpu.memory_space<vmem>>, vector<1x16xi32>,
      %get3A_153 = arith.index_cast %scan3A_91 : i32 to index
      %get3A_154 = arith.constant 48 : index
      %get3A_155 = tpu.vector_load %arg6[%get3A_153, %get3A_154] {strides = array<i32>} : memref<250x80xi32, #tpu.memory_space<vmem>>, vector<1x16xi32>,
      %get3A_156 = vector.shape_cast %get3A_155 : vector<1x16xi32> to vector<16xi32>
      %shift_right_logical3A_157 = arith.constant 16 : i32
      %shift_right_logical3A_158 = vector.broadcast %shift_right_logical3A_157 : i32 to vector<16xi32>
      %shift_right_logical3A_159 = arith.shrui %get3A_156, %shift_right_logical3A_158 : vector<16xi32>
      %swap3A_160 = arith.index_cast %scan3A_91 : i32 to index
      %swap3A_161 = arith.constant 48 : index
      %swap3A_162 = tpu.vector_load %arg7[%swap3A_160, %swap3A_161] {strides = array<i32>} : memref<250x80xi32, #tpu.memory_space<vmem>>, vector<1x16xi32>,
      %swap3A_163 = vector.shape_cast %swap3A_162 : vector<1x16xi32> to vector<16xi32>
      %swap3A_164 = vector.shape_cast %shift_right_logical3A_159 : vector<16xi32> to vector<1x16xi32>
      tpu.vector_store %arg7[%swap3A_160, %swap3A_161], %swap3A_164 {strides = array<i32>} : memref<250x80xi32, #tpu.memory_space<vmem>>, vector<1x16xi32>,
      %and3A_165 = arith.constant 65535 : i32
      %and3A_166 = vector.broadcast %and3A_165 : i32 to vector<16xi32>
      %and3A_167 = arith.andi %get3A_156, %and3A_166 : vector<16xi32>
      %add3A_168 = vector.broadcast %mul3A_0 : i32 to vector<16xi32>
      %add3A_169 = arith.addi %and3A_167, %add3A_168 : vector<16xi32>
      %swap3A_170 = arith.index_cast %scan3A_91 : i32 to index
      %swap3A_171 = arith.constant 48 : index
      %swap3A_172 = tpu.vector_load %arg6[%swap3A_170, %swap3A_171] {strides = array<i32>} : memref<250x80xi32, #tpu.memory_space<vmem>>, vector<1x16xi32>,
      %swap3A_173 = vector.shape_cast %swap3A_172 : vector<1x16xi32> to vector<16xi32>
      %swap3A_174 = vector.shape_cast %add3A_169 : vector<16xi32> to vector<1x16xi32>
      tpu.vector_store %arg6[%swap3A_170, %swap3A_171], %swap3A_174 {strides = array<i32>} : memref<250x80xi32, #tpu.memory_space<vmem>>, vector<1x16xi32>,
      %get3A_175 = arith.index_cast %scan3A_91 : i32 to index
      %get3A_176 = arith.constant 64 : index
      %get3A_177 = tpu.vector_load %arg6[%get3A_175, %get3A_176] {strides = array<i32>} : memref<250x80xi32, #tpu.memory_space<vmem>>, vector<1x16xi32>,
      %get3A_178 = vector.shape_cast %get3A_177 : vector<1x16xi32> to vector<16xi32>
      %shift_right_logical3A_179 = arith.constant 16 : i32
      %shift_right_logical3A_180 = vector.broadcast %shift_right_logical3A_179 : i32 to vector<16xi32>
      %shift_right_logical3A_181 = arith.shrui %get3A_178, %shift_right_logical3A_180 : vector<16xi32>
      %swap3A_182 = arith.index_cast %scan3A_91 : i32 to index
      %swap3A_183 = arith.constant 64 : index
      %swap3A_184 = tpu.vector_load %arg7[%swap3A_182, %swap3A_183] {strides = array<i32>} : memref<250x80xi32, #tpu.memory_space<vmem>>, vector<1x16xi32>,
      %swap3A_185 = vector.shape_cast %swap3A_184 : vector<1x16xi32> to vector<16xi32>
      %swap3A_186 = vector.shape_cast %shift_right_logical3A_181 : vector<16xi32> to vector<1x16xi32>
      tpu.vector_store %arg7[%swap3A_182, %swap3A_183], %swap3A_186 {strides = array<i32>} : memref<250x80xi32, #tpu.memory_space<vmem>>, vector<1x16xi32>,
      %and3A_187 = arith.constant 65535 : i32
      %and3A_188 = vector.broadcast %and3A_187 : i32 to vector<16xi32>
      %and3A_189 = arith.andi %get3A_178, %and3A_188 : vector<16xi32>
      %add3A_190 = vector.broadcast %mul3A_0 : i32 to vector<16xi32>
      %add3A_191 = arith.addi %and3A_189, %add3A_190 : vector<16xi32>
      %swap3A_192 = arith.index_cast %scan3A_91 : i32 to index
      %swap3A_193 = arith.constant 64 : index
      %swap3A_194 = tpu.vector_load %arg6[%swap3A_192, %swap3A_193] {strides = array<i32>} : memref<250x80xi32, #tpu.memory_space<vmem>>, vector<1x16xi32>,
      %swap3A_195 = vector.shape_cast %swap3A_194 : vector<1x16xi32> to vector<16xi32>
      %swap3A_196 = vector.shape_cast %add3A_191 : vector<16xi32> to vector<1x16xi32>
      tpu.vector_store %arg6[%swap3A_192, %swap3A_193], %swap3A_196 {strides = array<i32>} : memref<250x80xi32, #tpu.memory_space<vmem>>, vector<1x16xi32>,
    }
    %scan3A_7 = arith.constant 250 : i32
    %barrier3A = arith.constant 0 : index
    tpu.barrier barrier_id(%barrier3A)
    %dma_start3A = arith.constant 0 : i32
    %dma_start3A_8 = arith.constant 0 : i32
    %dma_start3A_9 = tpu.memref_slice %arg6[%dma_start3A, %dma_start3A_8] : memref<250x80xi32, #tpu.memory_space<vmem>> -> memref<1x80xi32, #tpu.memory_space<vmem>>
    %dma_start3A_10 = tpu.memref_squeeze %dma_start3A_9 : memref<1x80xi32, #tpu.memory_space<vmem>> -> memref<80xi32, #tpu.memory_space<vmem>>
    %dma_start3A_11 = arith.constant 0 : i32
    %dma_start3A_12 = arith.constant 0 : i32
    %dma_start3A_13 = tpu.memref_slice %arg2[%dma_start3A_11, %dma_start3A_12] : memref<20000x64xf32, #tpu.memory_space<hbm>> -> memref<20000x64xf32, #tpu.memory_space<hbm>>
    tpu.enqueue_indirect_dma source(%dma_start3A_13 : memref<20000x64xf32, #tpu.memory_space<hbm>>) target(%arg8 : memref<80x64xf32, #tpu.memory_space<vmem>>) offsets(%dma_start3A_10 : memref<80xi32, #tpu.memory_space<vmem>>) semaphore(%arg13 : memref<!tpu.dma_semaphore, #tpu.memory_space<semaphore_mem>>)
    %dma_start3A_14 = arith.constant 1 : i32
    %dma_start3A_15 = arith.constant 0 : i32
    %dma_start3A_16 = tpu.memref_slice %arg6[%dma_start3A_14, %dma_start3A_15] : memref<250x80xi32, #tpu.memory_space<vmem>> -> memref<1x80xi32, #tpu.memory_space<vmem>>
    %dma_start3A_17 = tpu.memref_squeeze %dma_start3A_16 : memref<1x80xi32, #tpu.memory_space<vmem>> -> memref<80xi32, #tpu.memory_space<vmem>>
    %dma_start3A_18 = arith.constant 0 : i32
    %dma_start3A_19 = arith.constant 0 : i32
    %dma_start3A_20 = tpu.memref_slice %arg2[%dma_start3A_18, %dma_start3A_19] : memref<20000x64xf32, #tpu.memory_space<hbm>> -> memref<20000x64xf32, #tpu.memory_space<hbm>>
    tpu.enqueue_indirect_dma source(%dma_start3A_20 : memref<20000x64xf32, #tpu.memory_space<hbm>>) target(%arg9 : memref<80x64xf32, #tpu.memory_space<vmem>>) offsets(%dma_start3A_17 : memref<80xi32, #tpu.memory_space<vmem>>) semaphore(%arg14 : memref<!tpu.dma_semaphore, #tpu.memory_space<semaphore_mem>>)
    %dma_start3A_21 = arith.constant 2 : i32
    %dma_start3A_22 = arith.constant 0 : i32
    %dma_start3A_23 = tpu.memref_slice %arg6[%dma_start3A_21, %dma_start3A_22] : memref<250x80xi32, #tpu.memory_space<vmem>> -> memref<1x80xi32, #tpu.memory_space<vmem>>
    %dma_start3A_24 = tpu.memref_squeeze %dma_start3A_23 : memref<1x80xi32, #tpu.memory_space<vmem>> -> memref<80xi32, #tpu.memory_space<vmem>>
    %dma_start3A_25 = arith.constant 0 : i32
    %dma_start3A_26 = arith.constant 0 : i32
    %dma_start3A_27 = tpu.memref_slice %arg2[%dma_start3A_25, %dma_start3A_26] : memref<20000x64xf32, #tpu.memory_space<hbm>> -> memref<20000x64xf32, #tpu.memory_space<hbm>>
    tpu.enqueue_indirect_dma source(%dma_start3A_27 : memref<20000x64xf32, #tpu.memory_space<hbm>>) target(%arg10 : memref<80x64xf32, #tpu.memory_space<vmem>>) offsets(%dma_start3A_24 : memref<80xi32, #tpu.memory_space<vmem>>) semaphore(%arg15 : memref<!tpu.dma_semaphore, #tpu.memory_space<semaphore_mem>>)
    %dma_start3A_28 = arith.constant 3 : i32
    %dma_start3A_29 = arith.constant 0 : i32
    %dma_start3A_30 = tpu.memref_slice %arg6[%dma_start3A_28, %dma_start3A_29] : memref<250x80xi32, #tpu.memory_space<vmem>> -> memref<1x80xi32, #tpu.memory_space<vmem>>
    %dma_start3A_31 = tpu.memref_squeeze %dma_start3A_30 : memref<1x80xi32, #tpu.memory_space<vmem>> -> memref<80xi32, #tpu.memory_space<vmem>>
    %dma_start3A_32 = arith.constant 0 : i32
    %dma_start3A_33 = arith.constant 0 : i32
    %dma_start3A_34 = tpu.memref_slice %arg2[%dma_start3A_32, %dma_start3A_33] : memref<20000x64xf32, #tpu.memory_space<hbm>> -> memref<20000x64xf32, #tpu.memory_space<hbm>>
    tpu.enqueue_indirect_dma source(%dma_start3A_34 : memref<20000x64xf32, #tpu.memory_space<hbm>>) target(%arg11 : memref<80x64xf32, #tpu.memory_space<vmem>>) offsets(%dma_start3A_31 : memref<80xi32, #tpu.memory_space<vmem>>) semaphore(%arg16 : memref<!tpu.dma_semaphore, #tpu.memory_space<semaphore_mem>>)
    %dma_start3A_35 = arith.constant 4 : i32
    %dma_start3A_36 = arith.constant 0 : i32
    %dma_start3A_37 = tpu.memref_slice %arg6[%dma_start3A_35, %dma_start3A_36] : memref<250x80xi32, #tpu.memory_space<vmem>> -> memref<1x80xi32, #tpu.memory_space<vmem>>
    %dma_start3A_38 = tpu.memref_squeeze %dma_start3A_37 : memref<1x80xi32, #tpu.memory_space<vmem>> -> memref<80xi32, #tpu.memory_space<vmem>>
    %dma_start3A_39 = arith.constant 0 : i32
    %dma_start3A_40 = arith.constant 0 : i32
    %dma_start3A_41 = tpu.memref_slice %arg2[%dma_start3A_39, %dma_start3A_40] : memref<20000x64xf32, #tpu.memory_space<hbm>> -> memref<20000x64xf32, #tpu.memory_space<hbm>>
    tpu.enqueue_indirect_dma source(%dma_start3A_41 : memref<20000x64xf32, #tpu.memory_space<hbm>>) target(%arg12 : memref<80x64xf32, #tpu.memory_space<vmem>>) offsets(%dma_start3A_38 : memref<80xi32, #tpu.memory_space<vmem>>) semaphore(%arg17 : memref<!tpu.dma_semaphore, #tpu.memory_space<semaphore_mem>>)
    %scan3A_42 = arith.constant 0 : i32
    %scan3A_43 = arith.constant 0 : i32
    %scan3A_44 = arith.constant 49 : i32
    %scan3A_45 = arith.addi %scan3A_43, %scan3A_44 : i32
    %scan3A_46 = arith.constant 1 : i32
    scf.for %scan3A_91 = %scan3A_43 to %scan3A_45 step %scan3A_46  : i32 {
      %mul3A_92 = arith.constant 5 : i32
      %mul3A_93 = arith.muli %scan3A_91, %mul3A_92 : i32
      %add3A = arith.constant 0 : i32
      %add3A_94 = arith.addi %mul3A_93, %add3A : i32
      %dma_wait3A_95 = arith.constant 0 : i32
      %dma_wait3A_96 = tpu.memref_slice %arg6[%add3A_94, %dma_wait3A_95] : memref<250x80xi32, #tpu.memory_space<vmem>> -> memref<1x80xi32, #tpu.memory_space<vmem>>
      %dma_wait3A_97 = tpu.memref_squeeze %dma_wait3A_96 : memref<1x80xi32, #tpu.memory_space<vmem>> -> memref<80xi32, #tpu.memory_space<vmem>>
      %dma_wait3A_98 = arith.constant 0 : i32
      %dma_wait3A_99 = arith.constant 0 : i32
      %dma_wait3A_100 = tpu.memref_slice %arg2[%dma_wait3A_98, %dma_wait3A_99] : memref<20000x64xf32, #tpu.memory_space<hbm>> -> memref<20000x64xf32, #tpu.memory_space<hbm>>
      tpu.wait_indirect_dma semaphore(%arg13 : memref<!tpu.dma_semaphore, #tpu.memory_space<semaphore_mem>>) src(%dma_wait3A_100 : memref<20000x64xf32, #tpu.memory_space<hbm>>) dst(%arg8 : memref<80x64xf32, #tpu.memory_space<vmem>>)
      "tpu.region"() ({
        %run_scoped3A_173 = tpu.sem_alloc : memref<!tpu.dma_semaphore, #tpu.memory_space<semaphore_mem>>
        %dma_start3A_174 = arith.constant 0 : i32
        %dma_start3A_175 = tpu.memref_slice %arg7[%add3A_94, %dma_start3A_174] : memref<250x80xi32, #tpu.memory_space<vmem>> -> memref<1x80xi32, #tpu.memory_space<vmem>>
        %dma_start3A_176 = tpu.memref_squeeze %dma_start3A_175 : memref<1x80xi32, #tpu.memory_space<vmem>> -> memref<80xi32, #tpu.memory_space<vmem>>
        %dma_start3A_177 = arith.constant 0 : i32
        %dma_start3A_178 = arith.constant 0 : i32
        %dma_start3A_179 = tpu.memref_slice %arg18[%dma_start3A_177, %dma_start3A_178] : memref<10000x64xf32, #tpu.memory_space<vmem_shared>> -> memref<10000x64xf32, #tpu.memory_space<vmem_shared>>
        tpu.enqueue_indirect_dma source(%arg8 : memref<80x64xf32, #tpu.memory_space<vmem>>) target(%dma_start3A_179 : memref<10000x64xf32, #tpu.memory_space<vmem_shared>>) offsets(%dma_start3A_176 : memref<80xi32, #tpu.memory_space<vmem>>) semaphore(%run_scoped3A_173 : memref<!tpu.dma_semaphore, #tpu.memory_space<semaphore_mem>>) {add = true}
        %dma_wait3A_180 = arith.constant 0 : i32
        %dma_wait3A_181 = tpu.memref_slice %arg7[%add3A_94, %dma_wait3A_180] : memref<250x80xi32, #tpu.memory_space<vmem>> -> memref<1x80xi32, #tpu.memory_space<vmem>>
        %dma_wait3A_182 = tpu.memref_squeeze %dma_wait3A_181 : memref<1x80xi32, #tpu.memory_space<vmem>> -> memref<80xi32, #tpu.memory_space<vmem>>
        %dma_wait3A_183 = arith.constant 0 : i32
        %dma_wait3A_184 = arith.constant 0 : i32
        %dma_wait3A_185 = tpu.memref_slice %arg18[%dma_wait3A_183, %dma_wait3A_184] : memref<10000x64xf32, #tpu.memory_space<vmem_shared>> -> memref<10000x64xf32, #tpu.memory_space<vmem_shared>>
        tpu.wait_indirect_dma semaphore(%run_scoped3A_173 : memref<!tpu.dma_semaphore, #tpu.memory_space<semaphore_mem>>) src(%arg8 : memref<80x64xf32, #tpu.memory_space<vmem>>) dst(%dma_wait3A_185 : memref<10000x64xf32, #tpu.memory_space<vmem_shared>>)
        tpu.yield
      }) : () -> ()
      %add3A_101 = arith.constant 5 : i32
      %add3A_102 = arith.addi %add3A_94, %add3A_101 : i32
      %dma_start3A_103 = arith.constant 0 : i32
      %dma_start3A_104 = tpu.memref_slice %arg6[%add3A_102, %dma_start3A_103] : memref<250x80xi32, #tpu.memory_space<vmem>> -> memref<1x80xi32, #tpu.memory_space<vmem>>
      %dma_start3A_105 = tpu.memref_squeeze %dma_start3A_104 : memref<1x80xi32, #tpu.memory_space<vmem>> -> memref<80xi32, #tpu.memory_space<vmem>>
      %dma_start3A_106 = arith.constant 0 : i32
      %dma_start3A_107 = arith.constant 0 : i32
      %dma_start3A_108 = tpu.memref_slice %arg2[%dma_start3A_106, %dma_start3A_107] : memref<20000x64xf32, #tpu.memory_space<hbm>> -> memref<20000x64xf32, #tpu.memory_space<hbm>>
      tpu.enqueue_indirect_dma source(%dma_start3A_108 : memref<20000x64xf32, #tpu.memory_space<hbm>>) target(%arg8 : memref<80x64xf32, #tpu.memory_space<vmem>>) offsets(%dma_start3A_105 : memref<80xi32, #tpu.memory_space<vmem>>) semaphore(%arg13 : memref<!tpu.dma_semaphore, #tpu.memory_space<semaphore_mem>>)
      %add3A_109 = arith.constant 1 : i32
      %add3A_110 = arith.addi %mul3A_93, %add3A_109 : i32
      %dma_wait3A_111 = arith.constant 0 : i32
      %dma_wait3A_112 = tpu.memref_slice %arg6[%add3A_110, %dma_wait3A_111] : memref<250x80xi32, #tpu.memory_space<vmem>> -> memref<1x80xi32, #tpu.memory_space<vmem>>
      %dma_wait3A_113 = tpu.memref_squeeze %dma_wait3A_112 : memref<1x80xi32, #tpu.memory_space<vmem>> -> memref<80xi32, #tpu.memory_space<vmem>>
      %dma_wait3A_114 = arith.constant 0 : i32
      %dma_wait3A_115 = arith.constant 0 : i32
      %dma_wait3A_116 = tpu.memref_slice %arg2[%dma_wait3A_114, %dma_wait3A_115] : memref<20000x64xf32, #tpu.memory_space<hbm>> -> memref<20000x64xf32, #tpu.memory_space<hbm>>
      tpu.wait_indirect_dma semaphore(%arg14 : memref<!tpu.dma_semaphore, #tpu.memory_space<semaphore_mem>>) src(%dma_wait3A_116 : memref<20000x64xf32, #tpu.memory_space<hbm>>) dst(%arg9 : memref<80x64xf32, #tpu.memory_space<vmem>>)
      "tpu.region"() ({
        %run_scoped3A_173 = tpu.sem_alloc : memref<!tpu.dma_semaphore, #tpu.memory_space<semaphore_mem>>
        %dma_start3A_174 = arith.constant 0 : i32
        %dma_start3A_175 = tpu.memref_slice %arg7[%add3A_110, %dma_start3A_174] : memref<250x80xi32, #tpu.memory_space<vmem>> -> memref<1x80xi32, #tpu.memory_space<vmem>>
        %dma_start3A_176 = tpu.memref_squeeze %dma_start3A_175 : memref<1x80xi32, #tpu.memory_space<vmem>> -> memref<80xi32, #tpu.memory_space<vmem>>
        %dma_start3A_177 = arith.constant 0 : i32
        %dma_start3A_178 = arith.constant 0 : i32
        %dma_start3A_179 = tpu.memref_slice %arg18[%dma_start3A_177, %dma_start3A_178] : memref<10000x64xf32, #tpu.memory_space<vmem_shared>> -> memref<10000x64xf32, #tpu.memory_space<vmem_shared>>
        tpu.enqueue_indirect_dma source(%arg9 : memref<80x64xf32, #tpu.memory_space<vmem>>) target(%dma_start3A_179 : memref<10000x64xf32, #tpu.memory_space<vmem_shared>>) offsets(%dma_start3A_176 : memref<80xi32, #tpu.memory_space<vmem>>) semaphore(%run_scoped3A_173 : memref<!tpu.dma_semaphore, #tpu.memory_space<semaphore_mem>>) {add = true}
        %dma_wait3A_180 = arith.constant 0 : i32
        %dma_wait3A_181 = tpu.memref_slice %arg7[%add3A_110, %dma_wait3A_180] : memref<250x80xi32, #tpu.memory_space<vmem>> -> memref<1x80xi32, #tpu.memory_space<vmem>>
        %dma_wait3A_182 = tpu.memref_squeeze %dma_wait3A_181 : memref<1x80xi32, #tpu.memory_space<vmem>> -> memref<80xi32, #tpu.memory_space<vmem>>
        %dma_wait3A_183 = arith.constant 0 : i32
        %dma_wait3A_184 = arith.constant 0 : i32
        %dma_wait3A_185 = tpu.memref_slice %arg18[%dma_wait3A_183, %dma_wait3A_184] : memref<10000x64xf32, #tpu.memory_space<vmem_shared>> -> memref<10000x64xf32, #tpu.memory_space<vmem_shared>>
        tpu.wait_indirect_dma semaphore(%run_scoped3A_173 : memref<!tpu.dma_semaphore, #tpu.memory_space<semaphore_mem>>) src(%arg9 : memref<80x64xf32, #tpu.memory_space<vmem>>) dst(%dma_wait3A_185 : memref<10000x64xf32, #tpu.memory_space<vmem_shared>>)
        tpu.yield
      }) : () -> ()
      %add3A_117 = arith.constant 5 : i32
      %add3A_118 = arith.addi %add3A_110, %add3A_117 : i32
      %dma_start3A_119 = arith.constant 0 : i32
      %dma_start3A_120 = tpu.memref_slice %arg6[%add3A_118, %dma_start3A_119] : memref<250x80xi32, #tpu.memory_space<vmem>> -> memref<1x80xi32, #tpu.memory_space<vmem>>
      %dma_start3A_121 = tpu.memref_squeeze %dma_start3A_120 : memref<1x80xi32, #tpu.memory_space<vmem>> -> memref<80xi32, #tpu.memory_space<vmem>>
      %dma_start3A_122 = arith.constant 0 : i32
      %dma_start3A_123 = arith.constant 0 : i32
      %dma_start3A_124 = tpu.memref_slice %arg2[%dma_start3A_122, %dma_start3A_123] : memref<20000x64xf32, #tpu.memory_space<hbm>> -> memref<20000x64xf32, #tpu.memory_space<hbm>>
      tpu.enqueue_indirect_dma source(%dma_start3A_124 : memref<20000x64xf32, #tpu.memory_space<hbm>>) target(%arg9 : memref<80x64xf32, #tpu.memory_space<vmem>>) offsets(%dma_start3A_121 : memref<80xi32, #tpu.memory_space<vmem>>) semaphore(%arg14 : memref<!tpu.dma_semaphore, #tpu.memory_space<semaphore_mem>>)
      %add3A_125 = arith.constant 2 : i32
      %add3A_126 = arith.addi %mul3A_93, %add3A_125 : i32
      %dma_wait3A_127 = arith.constant 0 : i32
      %dma_wait3A_128 = tpu.memref_slice %arg6[%add3A_126, %dma_wait3A_127] : memref<250x80xi32, #tpu.memory_space<vmem>> -> memref<1x80xi32, #tpu.memory_space<vmem>>
      %dma_wait3A_129 = tpu.memref_squeeze %dma_wait3A_128 : memref<1x80xi32, #tpu.memory_space<vmem>> -> memref<80xi32, #tpu.memory_space<vmem>>
      %dma_wait3A_130 = arith.constant 0 : i32
      %dma_wait3A_131 = arith.constant 0 : i32
      %dma_wait3A_132 = tpu.memref_slice %arg2[%dma_wait3A_130, %dma_wait3A_131] : memref<20000x64xf32, #tpu.memory_space<hbm>> -> memref<20000x64xf32, #tpu.memory_space<hbm>>
      tpu.wait_indirect_dma semaphore(%arg15 : memref<!tpu.dma_semaphore, #tpu.memory_space<semaphore_mem>>) src(%dma_wait3A_132 : memref<20000x64xf32, #tpu.memory_space<hbm>>) dst(%arg10 : memref<80x64xf32, #tpu.memory_space<vmem>>)
      "tpu.region"() ({
        %run_scoped3A_173 = tpu.sem_alloc : memref<!tpu.dma_semaphore, #tpu.memory_space<semaphore_mem>>
        %dma_start3A_174 = arith.constant 0 : i32
        %dma_start3A_175 = tpu.memref_slice %arg7[%add3A_126, %dma_start3A_174] : memref<250x80xi32, #tpu.memory_space<vmem>> -> memref<1x80xi32, #tpu.memory_space<vmem>>
        %dma_start3A_176 = tpu.memref_squeeze %dma_start3A_175 : memref<1x80xi32, #tpu.memory_space<vmem>> -> memref<80xi32, #tpu.memory_space<vmem>>
        %dma_start3A_177 = arith.constant 0 : i32
        %dma_start3A_178 = arith.constant 0 : i32
        %dma_start3A_179 = tpu.memref_slice %arg18[%dma_start3A_177, %dma_start3A_178] : memref<10000x64xf32, #tpu.memory_space<vmem_shared>> -> memref<10000x64xf32, #tpu.memory_space<vmem_shared>>
        tpu.enqueue_indirect_dma source(%arg10 : memref<80x64xf32, #tpu.memory_space<vmem>>) target(%dma_start3A_179 : memref<10000x64xf32, #tpu.memory_space<vmem_shared>>) offsets(%dma_start3A_176 : memref<80xi32, #tpu.memory_space<vmem>>) semaphore(%run_scoped3A_173 : memref<!tpu.dma_semaphore, #tpu.memory_space<semaphore_mem>>) {add = true}
        %dma_wait3A_180 = arith.constant 0 : i32
        %dma_wait3A_181 = tpu.memref_slice %arg7[%add3A_126, %dma_wait3A_180] : memref<250x80xi32, #tpu.memory_space<vmem>> -> memref<1x80xi32, #tpu.memory_space<vmem>>
        %dma_wait3A_182 = tpu.memref_squeeze %dma_wait3A_181 : memref<1x80xi32, #tpu.memory_space<vmem>> -> memref<80xi32, #tpu.memory_space<vmem>>
        %dma_wait3A_183 = arith.constant 0 : i32
        %dma_wait3A_184 = arith.constant 0 : i32
        %dma_wait3A_185 = tpu.memref_slice %arg18[%dma_wait3A_183, %dma_wait3A_184] : memref<10000x64xf32, #tpu.memory_space<vmem_shared>> -> memref<10000x64xf32, #tpu.memory_space<vmem_shared>>
        tpu.wait_indirect_dma semaphore(%run_scoped3A_173 : memref<!tpu.dma_semaphore, #tpu.memory_space<semaphore_mem>>) src(%arg10 : memref<80x64xf32, #tpu.memory_space<vmem>>) dst(%dma_wait3A_185 : memref<10000x64xf32, #tpu.memory_space<vmem_shared>>)
        tpu.yield
      }) : () -> ()
      %add3A_133 = arith.constant 5 : i32
      %add3A_134 = arith.addi %add3A_126, %add3A_133 : i32
      %dma_start3A_135 = arith.constant 0 : i32
      %dma_start3A_136 = tpu.memref_slice %arg6[%add3A_134, %dma_start3A_135] : memref<250x80xi32, #tpu.memory_space<vmem>> -> memref<1x80xi32, #tpu.memory_space<vmem>>
      %dma_start3A_137 = tpu.memref_squeeze %dma_start3A_136 : memref<1x80xi32, #tpu.memory_space<vmem>> -> memref<80xi32, #tpu.memory_space<vmem>>
      %dma_start3A_138 = arith.constant 0 : i32
      %dma_start3A_139 = arith.constant 0 : i32
      %dma_start3A_140 = tpu.memref_slice %arg2[%dma_start3A_138, %dma_start3A_139] : memref<20000x64xf32, #tpu.memory_space<hbm>> -> memref<20000x64xf32, #tpu.memory_space<hbm>>
      tpu.enqueue_indirect_dma source(%dma_start3A_140 : memref<20000x64xf32, #tpu.memory_space<hbm>>) target(%arg10 : memref<80x64xf32, #tpu.memory_space<vmem>>) offsets(%dma_start3A_137 : memref<80xi32, #tpu.memory_space<vmem>>) semaphore(%arg15 : memref<!tpu.dma_semaphore, #tpu.memory_space<semaphore_mem>>)
      %add3A_141 = arith.constant 3 : i32
      %add3A_142 = arith.addi %mul3A_93, %add3A_141 : i32
      %dma_wait3A_143 = arith.constant 0 : i32
      %dma_wait3A_144 = tpu.memref_slice %arg6[%add3A_142, %dma_wait3A_143] : memref<250x80xi32, #tpu.memory_space<vmem>> -> memref<1x80xi32, #tpu.memory_space<vmem>>
      %dma_wait3A_145 = tpu.memref_squeeze %dma_wait3A_144 : memref<1x80xi32, #tpu.memory_space<vmem>> -> memref<80xi32, #tpu.memory_space<vmem>>
      %dma_wait3A_146 = arith.constant 0 : i32
      %dma_wait3A_147 = arith.constant 0 : i32
      %dma_wait3A_148 = tpu.memref_slice %arg2[%dma_wait3A_146, %dma_wait3A_147] : memref<20000x64xf32, #tpu.memory_space<hbm>> -> memref<20000x64xf32, #tpu.memory_space<hbm>>
      tpu.wait_indirect_dma semaphore(%arg16 : memref<!tpu.dma_semaphore, #tpu.memory_space<semaphore_mem>>) src(%dma_wait3A_148 : memref<20000x64xf32, #tpu.memory_space<hbm>>) dst(%arg11 : memref<80x64xf32, #tpu.memory_space<vmem>>)
      "tpu.region"() ({
        %run_scoped3A_173 = tpu.sem_alloc : memref<!tpu.dma_semaphore, #tpu.memory_space<semaphore_mem>>
        %dma_start3A_174 = arith.constant 0 : i32
        %dma_start3A_175 = tpu.memref_slice %arg7[%add3A_142, %dma_start3A_174] : memref<250x80xi32, #tpu.memory_space<vmem>> -> memref<1x80xi32, #tpu.memory_space<vmem>>
        %dma_start3A_176 = tpu.memref_squeeze %dma_start3A_175 : memref<1x80xi32, #tpu.memory_space<vmem>> -> memref<80xi32, #tpu.memory_space<vmem>>
        %dma_start3A_177 = arith.constant 0 : i32
        %dma_start3A_178 = arith.constant 0 : i32
        %dma_start3A_179 = tpu.memref_slice %arg18[%dma_start3A_177, %dma_start3A_178] : memref<10000x64xf32, #tpu.memory_space<vmem_shared>> -> memref<10000x64xf32, #tpu.memory_space<vmem_shared>>
        tpu.enqueue_indirect_dma source(%arg11 : memref<80x64xf32, #tpu.memory_space<vmem>>) target(%dma_start3A_179 : memref<10000x64xf32, #tpu.memory_space<vmem_shared>>) offsets(%dma_start3A_176 : memref<80xi32, #tpu.memory_space<vmem>>) semaphore(%run_scoped3A_173 : memref<!tpu.dma_semaphore, #tpu.memory_space<semaphore_mem>>) {add = true}
        %dma_wait3A_180 = arith.constant 0 : i32
        %dma_wait3A_181 = tpu.memref_slice %arg7[%add3A_142, %dma_wait3A_180] : memref<250x80xi32, #tpu.memory_space<vmem>> -> memref<1x80xi32, #tpu.memory_space<vmem>>
        %dma_wait3A_182 = tpu.memref_squeeze %dma_wait3A_181 : memref<1x80xi32, #tpu.memory_space<vmem>> -> memref<80xi32, #tpu.memory_space<vmem>>
        %dma_wait3A_183 = arith.constant 0 : i32
        %dma_wait3A_184 = arith.constant 0 : i32
        %dma_wait3A_185 = tpu.memref_slice %arg18[%dma_wait3A_183, %dma_wait3A_184] : memref<10000x64xf32, #tpu.memory_space<vmem_shared>> -> memref<10000x64xf32, #tpu.memory_space<vmem_shared>>
        tpu.wait_indirect_dma semaphore(%run_scoped3A_173 : memref<!tpu.dma_semaphore, #tpu.memory_space<semaphore_mem>>) src(%arg11 : memref<80x64xf32, #tpu.memory_space<vmem>>) dst(%dma_wait3A_185 : memref<10000x64xf32, #tpu.memory_space<vmem_shared>>)
        tpu.yield
      }) : () -> ()
      %add3A_149 = arith.constant 5 : i32
      %add3A_150 = arith.addi %add3A_142, %add3A_149 : i32
      %dma_start3A_151 = arith.constant 0 : i32
      %dma_start3A_152 = tpu.memref_slice %arg6[%add3A_150, %dma_start3A_151] : memref<250x80xi32, #tpu.memory_space<vmem>> -> memref<1x80xi32, #tpu.memory_space<vmem>>
      %dma_start3A_153 = tpu.memref_squeeze %dma_start3A_152 : memref<1x80xi32, #tpu.memory_space<vmem>> -> memref<80xi32, #tpu.memory_space<vmem>>
      %dma_start3A_154 = arith.constant 0 : i32
      %dma_start3A_155 = arith.constant 0 : i32
      %dma_start3A_156 = tpu.memref_slice %arg2[%dma_start3A_154, %dma_start3A_155] : memref<20000x64xf32, #tpu.memory_space<hbm>> -> memref<20000x64xf32, #tpu.memory_space<hbm>>
      tpu.enqueue_indirect_dma source(%dma_start3A_156 : memref<20000x64xf32, #tpu.memory_space<hbm>>) target(%arg11 : memref<80x64xf32, #tpu.memory_space<vmem>>) offsets(%dma_start3A_153 : memref<80xi32, #tpu.memory_space<vmem>>) semaphore(%arg16 : memref<!tpu.dma_semaphore, #tpu.memory_space<semaphore_mem>>)
      %add3A_157 = arith.constant 4 : i32
      %add3A_158 = arith.addi %mul3A_93, %add3A_157 : i32
      %dma_wait3A_159 = arith.constant 0 : i32
      %dma_wait3A_160 = tpu.memref_slice %arg6[%add3A_158, %dma_wait3A_159] : memref<250x80xi32, #tpu.memory_space<vmem>> -> memref<1x80xi32, #tpu.memory_space<vmem>>
      %dma_wait3A_161 = tpu.memref_squeeze %dma_wait3A_160 : memref<1x80xi32, #tpu.memory_space<vmem>> -> memref<80xi32, #tpu.memory_space<vmem>>
      %dma_wait3A_162 = arith.constant 0 : i32
      %dma_wait3A_163 = arith.constant 0 : i32
      %dma_wait3A_164 = tpu.memref_slice %arg2[%dma_wait3A_162, %dma_wait3A_163] : memref<20000x64xf32, #tpu.memory_space<hbm>> -> memref<20000x64xf32, #tpu.memory_space<hbm>>
      tpu.wait_indirect_dma semaphore(%arg17 : memref<!tpu.dma_semaphore, #tpu.memory_space<semaphore_mem>>) src(%dma_wait3A_164 : memref<20000x64xf32, #tpu.memory_space<hbm>>) dst(%arg12 : memref<80x64xf32, #tpu.memory_space<vmem>>)
      "tpu.region"() ({
        %run_scoped3A_173 = tpu.sem_alloc : memref<!tpu.dma_semaphore, #tpu.memory_space<semaphore_mem>>
        %dma_start3A_174 = arith.constant 0 : i32
        %dma_start3A_175 = tpu.memref_slice %arg7[%add3A_158, %dma_start3A_174] : memref<250x80xi32, #tpu.memory_space<vmem>> -> memref<1x80xi32, #tpu.memory_space<vmem>>
        %dma_start3A_176 = tpu.memref_squeeze %dma_start3A_175 : memref<1x80xi32, #tpu.memory_space<vmem>> -> memref<80xi32, #tpu.memory_space<vmem>>
        %dma_start3A_177 = arith.constant 0 : i32
        %dma_start3A_178 = arith.constant 0 : i32
        %dma_start3A_179 = tpu.memref_slice %arg18[%dma_start3A_177, %dma_start3A_178] : memref<10000x64xf32, #tpu.memory_space<vmem_shared>> -> memref<10000x64xf32, #tpu.memory_space<vmem_shared>>
        tpu.enqueue_indirect_dma source(%arg12 : memref<80x64xf32, #tpu.memory_space<vmem>>) target(%dma_start3A_179 : memref<10000x64xf32, #tpu.memory_space<vmem_shared>>) offsets(%dma_start3A_176 : memref<80xi32, #tpu.memory_space<vmem>>) semaphore(%run_scoped3A_173 : memref<!tpu.dma_semaphore, #tpu.memory_space<semaphore_mem>>) {add = true}
        %dma_wait3A_180 = arith.constant 0 : i32
        %dma_wait3A_181 = tpu.memref_slice %arg7[%add3A_158, %dma_wait3A_180] : memref<250x80xi32, #tpu.memory_space<vmem>> -> memref<1x80xi32, #tpu.memory_space<vmem>>
        %dma_wait3A_182 = tpu.memref_squeeze %dma_wait3A_181 : memref<1x80xi32, #tpu.memory_space<vmem>> -> memref<80xi32, #tpu.memory_space<vmem>>
        %dma_wait3A_183 = arith.constant 0 : i32
        %dma_wait3A_184 = arith.constant 0 : i32
        %dma_wait3A_185 = tpu.memref_slice %arg18[%dma_wait3A_183, %dma_wait3A_184] : memref<10000x64xf32, #tpu.memory_space<vmem_shared>> -> memref<10000x64xf32, #tpu.memory_space<vmem_shared>>
        tpu.wait_indirect_dma semaphore(%run_scoped3A_173 : memref<!tpu.dma_semaphore, #tpu.memory_space<semaphore_mem>>) src(%arg12 : memref<80x64xf32, #tpu.memory_space<vmem>>) dst(%dma_wait3A_185 : memref<10000x64xf32, #tpu.memory_space<vmem_shared>>)
        tpu.yield
      }) : () -> ()
      %add3A_165 = arith.constant 5 : i32
      %add3A_166 = arith.addi %add3A_158, %add3A_165 : i32
      %dma_start3A_167 = arith.constant 0 : i32
      %dma_start3A_168 = tpu.memref_slice %arg6[%add3A_166, %dma_start3A_167] : memref<250x80xi32, #tpu.memory_space<vmem>> -> memref<1x80xi32, #tpu.memory_space<vmem>>
      %dma_start3A_169 = tpu.memref_squeeze %dma_start3A_168 : memref<1x80xi32, #tpu.memory_space<vmem>> -> memref<80xi32, #tpu.memory_space<vmem>>
      %dma_start3A_170 = arith.constant 0 : i32
      %dma_start3A_171 = arith.constant 0 : i32
      %dma_start3A_172 = tpu.memref_slice %arg2[%dma_start3A_170, %dma_start3A_171] : memref<20000x64xf32, #tpu.memory_space<hbm>> -> memref<20000x64xf32, #tpu.memory_space<hbm>>
      tpu.enqueue_indirect_dma source(%dma_start3A_172 : memref<20000x64xf32, #tpu.memory_space<hbm>>) target(%arg12 : memref<80x64xf32, #tpu.memory_space<vmem>>) offsets(%dma_start3A_169 : memref<80xi32, #tpu.memory_space<vmem>>) semaphore(%arg17 : memref<!tpu.dma_semaphore, #tpu.memory_space<semaphore_mem>>)
    }
    %scan3A_47 = arith.constant 49 : i32
    %dma_wait3A = arith.constant 245 : i32
    %dma_wait3A_48 = arith.constant 0 : i32
    %dma_wait3A_49 = tpu.memref_slice %arg6[%dma_wait3A, %dma_wait3A_48] : memref<250x80xi32, #tpu.memory_space<vmem>> -> memref<1x80xi32, #tpu.memory_space<vmem>>
    %dma_wait3A_50 = tpu.memref_squeeze %dma_wait3A_49 : memref<1x80xi32, #tpu.memory_space<vmem>> -> memref<80xi32, #tpu.memory_space<vmem>>
    %dma_wait3A_51 = arith.constant 0 : i32
    %dma_wait3A_52 = arith.constant 0 : i32
    %dma_wait3A_53 = tpu.memref_slice %arg2[%dma_wait3A_51, %dma_wait3A_52] : memref<20000x64xf32, #tpu.memory_space<hbm>> -> memref<20000x64xf32, #tpu.memory_space<hbm>>
    tpu.wait_indirect_dma semaphore(%arg13 : memref<!tpu.dma_semaphore, #tpu.memory_space<semaphore_mem>>) src(%dma_wait3A_53 : memref<20000x64xf32, #tpu.memory_space<hbm>>) dst(%arg8 : memref<80x64xf32, #tpu.memory_space<vmem>>)
    %run_scoped3A = arith.constant 245 : i32
    "tpu.region"() ({
      %run_scoped3A_91 = tpu.sem_alloc : memref<!tpu.dma_semaphore, #tpu.memory_space<semaphore_mem>>
      %dma_start3A_92 = arith.constant 0 : i32
      %dma_start3A_93 = tpu.memref_slice %arg7[%run_scoped3A, %dma_start3A_92] : memref<250x80xi32, #tpu.memory_space<vmem>> -> memref<1x80xi32, #tpu.memory_space<vmem>>
      %dma_start3A_94 = tpu.memref_squeeze %dma_start3A_93 : memref<1x80xi32, #tpu.memory_space<vmem>> -> memref<80xi32, #tpu.memory_space<vmem>>
      %dma_start3A_95 = arith.constant 0 : i32
      %dma_start3A_96 = arith.constant 0 : i32
      %dma_start3A_97 = tpu.memref_slice %arg18[%dma_start3A_95, %dma_start3A_96] : memref<10000x64xf32, #tpu.memory_space<vmem_shared>> -> memref<10000x64xf32, #tpu.memory_space<vmem_shared>>
      tpu.enqueue_indirect_dma source(%arg8 : memref<80x64xf32, #tpu.memory_space<vmem>>) target(%dma_start3A_97 : memref<10000x64xf32, #tpu.memory_space<vmem_shared>>) offsets(%dma_start3A_94 : memref<80xi32, #tpu.memory_space<vmem>>) semaphore(%run_scoped3A_91 : memref<!tpu.dma_semaphore, #tpu.memory_space<semaphore_mem>>) {add = true}
      %dma_wait3A_98 = arith.constant 0 : i32
      %dma_wait3A_99 = tpu.memref_slice %arg7[%run_scoped3A, %dma_wait3A_98] : memref<250x80xi32, #tpu.memory_space<vmem>> -> memref<1x80xi32, #tpu.memory_space<vmem>>
      %dma_wait3A_100 = tpu.memref_squeeze %dma_wait3A_99 : memref<1x80xi32, #tpu.memory_space<vmem>> -> memref<80xi32, #tpu.memory_space<vmem>>
      %dma_wait3A_101 = arith.constant 0 : i32
      %dma_wait3A_102 = arith.constant 0 : i32
      %dma_wait3A_103 = tpu.memref_slice %arg18[%dma_wait3A_101, %dma_wait3A_102] : memref<10000x64xf32, #tpu.memory_space<vmem_shared>> -> memref<10000x64xf32, #tpu.memory_space<vmem_shared>>
      tpu.wait_indirect_dma semaphore(%run_scoped3A_91 : memref<!tpu.dma_semaphore, #tpu.memory_space<semaphore_mem>>) src(%arg8 : memref<80x64xf32, #tpu.memory_space<vmem>>) dst(%dma_wait3A_103 : memref<10000x64xf32, #tpu.memory_space<vmem_shared>>)
      tpu.yield
    }) : () -> ()
    %dma_wait3A_54 = arith.constant 246 : i32
    %dma_wait3A_55 = arith.constant 0 : i32
    %dma_wait3A_56 = tpu.memref_slice %arg6[%dma_wait3A_54, %dma_wait3A_55] : memref<250x80xi32, #tpu.memory_space<vmem>> -> memref<1x80xi32, #tpu.memory_space<vmem>>
    %dma_wait3A_57 = tpu.memref_squeeze %dma_wait3A_56 : memref<1x80xi32, #tpu.memory_space<vmem>> -> memref<80xi32, #tpu.memory_space<vmem>>
    %dma_wait3A_58 = arith.constant 0 : i32
    %dma_wait3A_59 = arith.constant 0 : i32
    %dma_wait3A_60 = tpu.memref_slice %arg2[%dma_wait3A_58, %dma_wait3A_59] : memref<20000x64xf32, #tpu.memory_space<hbm>> -> memref<20000x64xf32, #tpu.memory_space<hbm>>
    tpu.wait_indirect_dma semaphore(%arg14 : memref<!tpu.dma_semaphore, #tpu.memory_space<semaphore_mem>>) src(%dma_wait3A_60 : memref<20000x64xf32, #tpu.memory_space<hbm>>) dst(%arg9 : memref<80x64xf32, #tpu.memory_space<vmem>>)
    %run_scoped3A_61 = arith.constant 246 : i32
    "tpu.region"() ({
      %run_scoped3A_91 = tpu.sem_alloc : memref<!tpu.dma_semaphore, #tpu.memory_space<semaphore_mem>>
      %dma_start3A_92 = arith.constant 0 : i32
      %dma_start3A_93 = tpu.memref_slice %arg7[%run_scoped3A_61, %dma_start3A_92] : memref<250x80xi32, #tpu.memory_space<vmem>> -> memref<1x80xi32, #tpu.memory_space<vmem>>
      %dma_start3A_94 = tpu.memref_squeeze %dma_start3A_93 : memref<1x80xi32, #tpu.memory_space<vmem>> -> memref<80xi32, #tpu.memory_space<vmem>>
      %dma_start3A_95 = arith.constant 0 : i32
      %dma_start3A_96 = arith.constant 0 : i32
      %dma_start3A_97 = tpu.memref_slice %arg18[%dma_start3A_95, %dma_start3A_96] : memref<10000x64xf32, #tpu.memory_space<vmem_shared>> -> memref<10000x64xf32, #tpu.memory_space<vmem_shared>>
      tpu.enqueue_indirect_dma source(%arg9 : memref<80x64xf32, #tpu.memory_space<vmem>>) target(%dma_start3A_97 : memref<10000x64xf32, #tpu.memory_space<vmem_shared>>) offsets(%dma_start3A_94 : memref<80xi32, #tpu.memory_space<vmem>>) semaphore(%run_scoped3A_91 : memref<!tpu.dma_semaphore, #tpu.memory_space<semaphore_mem>>) {add = true}
      %dma_wait3A_98 = arith.constant 0 : i32
      %dma_wait3A_99 = tpu.memref_slice %arg7[%run_scoped3A_61, %dma_wait3A_98] : memref<250x80xi32, #tpu.memory_space<vmem>> -> memref<1x80xi32, #tpu.memory_space<vmem>>
      %dma_wait3A_100 = tpu.memref_squeeze %dma_wait3A_99 : memref<1x80xi32, #tpu.memory_space<vmem>> -> memref<80xi32, #tpu.memory_space<vmem>>
      %dma_wait3A_101 = arith.constant 0 : i32
      %dma_wait3A_102 = arith.constant 0 : i32
      %dma_wait3A_103 = tpu.memref_slice %arg18[%dma_wait3A_101, %dma_wait3A_102] : memref<10000x64xf32, #tpu.memory_space<vmem_shared>> -> memref<10000x64xf32, #tpu.memory_space<vmem_shared>>
      tpu.wait_indirect_dma semaphore(%run_scoped3A_91 : memref<!tpu.dma_semaphore, #tpu.memory_space<semaphore_mem>>) src(%arg9 : memref<80x64xf32, #tpu.memory_space<vmem>>) dst(%dma_wait3A_103 : memref<10000x64xf32, #tpu.memory_space<vmem_shared>>)
      tpu.yield
    }) : () -> ()
    %dma_wait3A_62 = arith.constant 247 : i32
    %dma_wait3A_63 = arith.constant 0 : i32
    %dma_wait3A_64 = tpu.memref_slice %arg6[%dma_wait3A_62, %dma_wait3A_63] : memref<250x80xi32, #tpu.memory_space<vmem>> -> memref<1x80xi32, #tpu.memory_space<vmem>>
    %dma_wait3A_65 = tpu.memref_squeeze %dma_wait3A_64 : memref<1x80xi32, #tpu.memory_space<vmem>> -> memref<80xi32, #tpu.memory_space<vmem>>
    %dma_wait3A_66 = arith.constant 0 : i32
    %dma_wait3A_67 = arith.constant 0 : i32
    %dma_wait3A_68 = tpu.memref_slice %arg2[%dma_wait3A_66, %dma_wait3A_67] : memref<20000x64xf32, #tpu.memory_space<hbm>> -> memref<20000x64xf32, #tpu.memory_space<hbm>>
    tpu.wait_indirect_dma semaphore(%arg15 : memref<!tpu.dma_semaphore, #tpu.memory_space<semaphore_mem>>) src(%dma_wait3A_68 : memref<20000x64xf32, #tpu.memory_space<hbm>>) dst(%arg10 : memref<80x64xf32, #tpu.memory_space<vmem>>)
    %run_scoped3A_69 = arith.constant 247 : i32
    "tpu.region"() ({
      %run_scoped3A_91 = tpu.sem_alloc : memref<!tpu.dma_semaphore, #tpu.memory_space<semaphore_mem>>
      %dma_start3A_92 = arith.constant 0 : i32
      %dma_start3A_93 = tpu.memref_slice %arg7[%run_scoped3A_69, %dma_start3A_92] : memref<250x80xi32, #tpu.memory_space<vmem>> -> memref<1x80xi32, #tpu.memory_space<vmem>>
      %dma_start3A_94 = tpu.memref_squeeze %dma_start3A_93 : memref<1x80xi32, #tpu.memory_space<vmem>> -> memref<80xi32, #tpu.memory_space<vmem>>
      %dma_start3A_95 = arith.constant 0 : i32
      %dma_start3A_96 = arith.constant 0 : i32
      %dma_start3A_97 = tpu.memref_slice %arg18[%dma_start3A_95, %dma_start3A_96] : memref<10000x64xf32, #tpu.memory_space<vmem_shared>> -> memref<10000x64xf32, #tpu.memory_space<vmem_shared>>
      tpu.enqueue_indirect_dma source(%arg10 : memref<80x64xf32, #tpu.memory_space<vmem>>) target(%dma_start3A_97 : memref<10000x64xf32, #tpu.memory_space<vmem_shared>>) offsets(%dma_start3A_94 : memref<80xi32, #tpu.memory_space<vmem>>) semaphore(%run_scoped3A_91 : memref<!tpu.dma_semaphore, #tpu.memory_space<semaphore_mem>>) {add = true}
      %dma_wait3A_98 = arith.constant 0 : i32
      %dma_wait3A_99 = tpu.memref_slice %arg7[%run_scoped3A_69, %dma_wait3A_98] : memref<250x80xi32, #tpu.memory_space<vmem>> -> memref<1x80xi32, #tpu.memory_space<vmem>>
      %dma_wait3A_100 = tpu.memref_squeeze %dma_wait3A_99 : memref<1x80xi32, #tpu.memory_space<vmem>> -> memref<80xi32, #tpu.memory_space<vmem>>
      %dma_wait3A_101 = arith.constant 0 : i32
      %dma_wait3A_102 = arith.constant 0 : i32
      %dma_wait3A_103 = tpu.memref_slice %arg18[%dma_wait3A_101, %dma_wait3A_102] : memref<10000x64xf32, #tpu.memory_space<vmem_shared>> -> memref<10000x64xf32, #tpu.memory_space<vmem_shared>>
      tpu.wait_indirect_dma semaphore(%run_scoped3A_91 : memref<!tpu.dma_semaphore, #tpu.memory_space<semaphore_mem>>) src(%arg10 : memref<80x64xf32, #tpu.memory_space<vmem>>) dst(%dma_wait3A_103 : memref<10000x64xf32, #tpu.memory_space<vmem_shared>>)
      tpu.yield
    }) : () -> ()
    %dma_wait3A_70 = arith.constant 248 : i32
    %dma_wait3A_71 = arith.constant 0 : i32
    %dma_wait3A_72 = tpu.memref_slice %arg6[%dma_wait3A_70, %dma_wait3A_71] : memref<250x80xi32, #tpu.memory_space<vmem>> -> memref<1x80xi32, #tpu.memory_space<vmem>>
    %dma_wait3A_73 = tpu.memref_squeeze %dma_wait3A_72 : memref<1x80xi32, #tpu.memory_space<vmem>> -> memref<80xi32, #tpu.memory_space<vmem>>
    %dma_wait3A_74 = arith.constant 0 : i32
    %dma_wait3A_75 = arith.constant 0 : i32
    %dma_wait3A_76 = tpu.memref_slice %arg2[%dma_wait3A_74, %dma_wait3A_75] : memref<20000x64xf32, #tpu.memory_space<hbm>> -> memref<20000x64xf32, #tpu.memory_space<hbm>>
    tpu.wait_indirect_dma semaphore(%arg16 : memref<!tpu.dma_semaphore, #tpu.memory_space<semaphore_mem>>) src(%dma_wait3A_76 : memref<20000x64xf32, #tpu.memory_space<hbm>>) dst(%arg11 : memref<80x64xf32, #tpu.memory_space<vmem>>)
    %run_scoped3A_77 = arith.constant 248 : i32
    "tpu.region"() ({
      %run_scoped3A_91 = tpu.sem_alloc : memref<!tpu.dma_semaphore, #tpu.memory_space<semaphore_mem>>
      %dma_start3A_92 = arith.constant 0 : i32
      %dma_start3A_93 = tpu.memref_slice %arg7[%run_scoped3A_77, %dma_start3A_92] : memref<250x80xi32, #tpu.memory_space<vmem>> -> memref<1x80xi32, #tpu.memory_space<vmem>>
      %dma_start3A_94 = tpu.memref_squeeze %dma_start3A_93 : memref<1x80xi32, #tpu.memory_space<vmem>> -> memref<80xi32, #tpu.memory_space<vmem>>
      %dma_start3A_95 = arith.constant 0 : i32
      %dma_start3A_96 = arith.constant 0 : i32
      %dma_start3A_97 = tpu.memref_slice %arg18[%dma_start3A_95, %dma_start3A_96] : memref<10000x64xf32, #tpu.memory_space<vmem_shared>> -> memref<10000x64xf32, #tpu.memory_space<vmem_shared>>
      tpu.enqueue_indirect_dma source(%arg11 : memref<80x64xf32, #tpu.memory_space<vmem>>) target(%dma_start3A_97 : memref<10000x64xf32, #tpu.memory_space<vmem_shared>>) offsets(%dma_start3A_94 : memref<80xi32, #tpu.memory_space<vmem>>) semaphore(%run_scoped3A_91 : memref<!tpu.dma_semaphore, #tpu.memory_space<semaphore_mem>>) {add = true}
      %dma_wait3A_98 = arith.constant 0 : i32
      %dma_wait3A_99 = tpu.memref_slice %arg7[%run_scoped3A_77, %dma_wait3A_98] : memref<250x80xi32, #tpu.memory_space<vmem>> -> memref<1x80xi32, #tpu.memory_space<vmem>>
      %dma_wait3A_100 = tpu.memref_squeeze %dma_wait3A_99 : memref<1x80xi32, #tpu.memory_space<vmem>> -> memref<80xi32, #tpu.memory_space<vmem>>
      %dma_wait3A_101 = arith.constant 0 : i32
      %dma_wait3A_102 = arith.constant 0 : i32
      %dma_wait3A_103 = tpu.memref_slice %arg18[%dma_wait3A_101, %dma_wait3A_102] : memref<10000x64xf32, #tpu.memory_space<vmem_shared>> -> memref<10000x64xf32, #tpu.memory_space<vmem_shared>>
      tpu.wait_indirect_dma semaphore(%run_scoped3A_91 : memref<!tpu.dma_semaphore, #tpu.memory_space<semaphore_mem>>) src(%arg11 : memref<80x64xf32, #tpu.memory_space<vmem>>) dst(%dma_wait3A_103 : memref<10000x64xf32, #tpu.memory_space<vmem_shared>>)
      tpu.yield
    }) : () -> ()
    %dma_wait3A_78 = arith.constant 249 : i32
    %dma_wait3A_79 = arith.constant 0 : i32
    %dma_wait3A_80 = tpu.memref_slice %arg6[%dma_wait3A_78, %dma_wait3A_79] : memref<250x80xi32, #tpu.memory_space<vmem>> -> memref<1x80xi32, #tpu.memory_space<vmem>>
    %dma_wait3A_81 = tpu.memref_squeeze %dma_wait3A_80 : memref<1x80xi32, #tpu.memory_space<vmem>> -> memref<80xi32, #tpu.memory_space<vmem>>
    %dma_wait3A_82 = arith.constant 0 : i32
    %dma_wait3A_83 = arith.constant 0 : i32
    %dma_wait3A_84 = tpu.memref_slice %arg2[%dma_wait3A_82, %dma_wait3A_83] : memref<20000x64xf32, #tpu.memory_space<hbm>> -> memref<20000x64xf32, #tpu.memory_space<hbm>>
    tpu.wait_indirect_dma semaphore(%arg17 : memref<!tpu.dma_semaphore, #tpu.memory_space<semaphore_mem>>) src(%dma_wait3A_84 : memref<20000x64xf32, #tpu.memory_space<hbm>>) dst(%arg12 : memref<80x64xf32, #tpu.memory_space<vmem>>)
    %run_scoped3A_85 = arith.constant 249 : i32
    "tpu.region"() ({
      %run_scoped3A_91 = tpu.sem_alloc : memref<!tpu.dma_semaphore, #tpu.memory_space<semaphore_mem>>
      %dma_start3A_92 = arith.constant 0 : i32
      %dma_start3A_93 = tpu.memref_slice %arg7[%run_scoped3A_85, %dma_start3A_92] : memref<250x80xi32, #tpu.memory_space<vmem>> -> memref<1x80xi32, #tpu.memory_space<vmem>>
      %dma_start3A_94 = tpu.memref_squeeze %dma_start3A_93 : memref<1x80xi32, #tpu.memory_space<vmem>> -> memref<80xi32, #tpu.memory_space<vmem>>
      %dma_start3A_95 = arith.constant 0 : i32
      %dma_start3A_96 = arith.constant 0 : i32
      %dma_start3A_97 = tpu.memref_slice %arg18[%dma_start3A_95, %dma_start3A_96] : memref<10000x64xf32, #tpu.memory_space<vmem_shared>> -> memref<10000x64xf32, #tpu.memory_space<vmem_shared>>
      tpu.enqueue_indirect_dma source(%arg12 : memref<80x64xf32, #tpu.memory_space<vmem>>) target(%dma_start3A_97 : memref<10000x64xf32, #tpu.memory_space<vmem_shared>>) offsets(%dma_start3A_94 : memref<80xi32, #tpu.memory_space<vmem>>) semaphore(%run_scoped3A_91 : memref<!tpu.dma_semaphore, #tpu.memory_space<semaphore_mem>>) {add = true}
      %dma_wait3A_98 = arith.constant 0 : i32
      %dma_wait3A_99 = tpu.memref_slice %arg7[%run_scoped3A_85, %dma_wait3A_98] : memref<250x80xi32, #tpu.memory_space<vmem>> -> memref<1x80xi32, #tpu.memory_space<vmem>>
      %dma_wait3A_100 = tpu.memref_squeeze %dma_wait3A_99 : memref<1x80xi32, #tpu.memory_space<vmem>> -> memref<80xi32, #tpu.memory_space<vmem>>
      %dma_wait3A_101 = arith.constant 0 : i32
      %dma_wait3A_102 = arith.constant 0 : i32
      %dma_wait3A_103 = tpu.memref_slice %arg18[%dma_wait3A_101, %dma_wait3A_102] : memref<10000x64xf32, #tpu.memory_space<vmem_shared>> -> memref<10000x64xf32, #tpu.memory_space<vmem_shared>>
      tpu.wait_indirect_dma semaphore(%run_scoped3A_91 : memref<!tpu.dma_semaphore, #tpu.memory_space<semaphore_mem>>) src(%arg12 : memref<80x64xf32, #tpu.memory_space<vmem>>) dst(%dma_wait3A_103 : memref<10000x64xf32, #tpu.memory_space<vmem_shared>>)
      tpu.yield
    }) : () -> ()
    %barrier3A_86 = arith.constant 0 : index
    tpu.barrier barrier_id(%barrier3A_86)
    %mul3A_87 = arith.constant 625 : i32
    %mul3A_88 = arith.muli %arg1, %mul3A_87 : i32
    %mul3A_89 = arith.constant 625 : i32
    %mul3A_90 = arith.muli %arg1, %mul3A_89 : i32
    "tpu.region"() ({
      %run_scoped3A_91 = tpu.sem_alloc : memref<!tpu.dma_semaphore, #tpu.memory_space<semaphore_mem>>
      %dma_start3A_92 = arith.constant 0 : i32
      %dma_start3A_93 = arith.constant 0 : i32
      %dma_start3A_94 = tpu.memref_slice %arg5[%arg0, %dma_start3A_92, %dma_start3A_93] : memref<2x10000x64xf32, #tpu.memory_space<hbm>> -> memref<1x10000x64xf32, #tpu.memory_space<hbm>>
      %dma_start3A_95 = tpu.memref_squeeze %dma_start3A_94 : memref<1x10000x64xf32, #tpu.memory_space<hbm>> -> memref<10000x64xf32, #tpu.memory_space<hbm>>
      %dma_start3A_96 = arith.constant 0 : i32
      %dma_start3A_97 = tpu.memref_slice %dma_start3A_95[%mul3A_90, %dma_start3A_96] : memref<10000x64xf32, #tpu.memory_space<hbm>> -> memref<625x64xf32, #tpu.memory_space<hbm>>
      %dma_start3A_98 = arith.constant 0 : i32
      %dma_start3A_99 = tpu.memref_slice %arg18[%mul3A_88, %dma_start3A_98] : memref<10000x64xf32, #tpu.memory_space<vmem_shared>> -> memref<625x64xf32, #tpu.memory_space<vmem_shared>>
      tpu.enqueue_dma source(%dma_start3A_99 : memref<625x64xf32, #tpu.memory_space<vmem_shared>>) target(%dma_start3A_97 : memref<625x64xf32, #tpu.memory_space<hbm>>) target_semaphore(%run_scoped3A_91 : memref<!tpu.dma_semaphore, #tpu.memory_space<semaphore_mem>>)
      %dma_wait3A_100 = arith.constant 0 : i32
      %dma_wait3A_101 = arith.constant 0 : i32
      %dma_wait3A_102 = tpu.memref_slice %arg5[%arg0, %dma_wait3A_100, %dma_wait3A_101] : memref<2x10000x64xf32, #tpu.memory_space<hbm>> -> memref<1x10000x64xf32, #tpu.memory_space<hbm>>
      %dma_wait3A_103 = tpu.memref_squeeze %dma_wait3A_102 : memref<1x10000x64xf32, #tpu.memory_space<hbm>> -> memref<10000x64xf32, #tpu.memory_space<hbm>>
      %dma_wait3A_104 = arith.constant 0 : i32
      %dma_wait3A_105 = tpu.memref_slice %dma_wait3A_103[%mul3A_90, %dma_wait3A_104] : memref<10000x64xf32, #tpu.memory_space<hbm>> -> memref<625x64xf32, #tpu.memory_space<hbm>>
      %dma_wait3A_106 = arith.constant 0 : i32
      %dma_wait3A_107 = tpu.memref_slice %arg18[%mul3A_88, %dma_wait3A_106] : memref<10000x64xf32, #tpu.memory_space<vmem_shared>> -> memref<625x64xf32, #tpu.memory_space<vmem_shared>>
      tpu.wait_dma2 semaphore(%run_scoped3A_91 : memref<!tpu.dma_semaphore, #tpu.memory_space<semaphore_mem>>) src(%dma_wait3A_107 : memref<625x64xf32, #tpu.memory_space<vmem_shared>>) dst(%dma_wait3A_105 : memref<625x64xf32, #tpu.memory_space<hbm>>)
      tpu.yield
    }) : () -> ()
    return
  }
}

#map = affine_map<(d0, d1) -> (0, 0)>
#map1 = affine_map<(d0, d1) -> (0, 0, 0)>
module attributes {stable_mosaic.version = 14 : i64} {
  func.func @k(%arg0: i32, %arg1: i32, %arg2: memref<20000x80xf32, #tpu.memory_space<hbm>>, %arg3: memref<16x250x80xi32, #tpu.memory_space<hbm>>, %arg4: memref<625x80xf32, #tpu.memory_space<hbm>>, %arg5: memref<2x10000x80xf32, #tpu.memory_space<hbm>>, %arg6: memref<250x80xi32, #tpu.memory_space<vmem>>, %arg7: memref<250x80xi32, #tpu.memory_space<vmem>>, %arg8: memref<80x80xf32, #tpu.memory_space<vmem>>, %arg9: memref<80x80xf32, #tpu.memory_space<vmem>>, %arg10: memref<80x80xf32, #tpu.memory_space<vmem>>, %arg11: memref<80x80xf32, #tpu.memory_space<vmem>>, %arg12: memref<80x80xf32, #tpu.memory_space<vmem>>, %arg13: memref<!tpu.dma_semaphore, #tpu.memory_space<semaphore_mem>>, %arg14: memref<!tpu.dma_semaphore, #tpu.memory_space<semaphore_mem>>, %arg15: memref<!tpu.dma_semaphore, #tpu.memory_space<semaphore_mem>>, %arg16: memref<!tpu.dma_semaphore, #tpu.memory_space<semaphore_mem>>, %arg17: memref<!tpu.dma_semaphore, #tpu.memory_space<semaphore_mem>>, %arg18: memref<10000x80xf32, #tpu.memory_space<vmem_shared>>) attributes {dimension_semantics = [#tpu.dimension_semantics<core_parallel>, #tpu.dimension_semantics<subcore_parallel>], iteration_bounds = array<i64: 2, 16>, scalar_prefetch = 0 : i64, scratch_operands = 13 : i64, tpu.core_type = #tpu.core_type<sc_vector_subcore>, window_params = [{transform_indices = #map}, {transform_indices = #map1}, {transform_indices = #map}, {transform_indices = #map1}]} {
    %mul3A = arith.constant 10000 : i32
    %mul3A_0 = arith.muli %arg0, %mul3A : i32
    "tpu.region"() ({
      %run_scoped3A_91 = tpu.sem_alloc : memref<!tpu.dma_semaphore, #tpu.memory_space<semaphore_mem>>
      %dma_start3A_92 = arith.constant 0 : i32
      %dma_start3A_93 = arith.constant 0 : i32
      %dma_start3A_94 = tpu.memref_slice %arg3[%arg1, %dma_start3A_92, %dma_start3A_93] : memref<16x250x80xi32, #tpu.memory_space<hbm>> -> memref<1x250x80xi32, #tpu.memory_space<hbm>>
      %dma_start3A_95 = tpu.memref_squeeze %dma_start3A_94 : memref<1x250x80xi32, #tpu.memory_space<hbm>> -> memref<250x80xi32, #tpu.memory_space<hbm>>
      %dma_start3A_96 = arith.constant 0 : i32
      %dma_start3A_97 = arith.constant 0 : i32
      %dma_start3A_98 = tpu.memref_slice %arg3[%arg1, %dma_start3A_96, %dma_start3A_97] : memref<16x250x80xi32, #tpu.memory_space<hbm>> -> memref<1x250x80xi32, #tpu.memory_space<hbm>>
      %dma_start3A_99 = tpu.memref_squeeze %dma_start3A_98 : memref<1x250x80xi32, #tpu.memory_space<hbm>> -> memref<250x80xi32, #tpu.memory_space<hbm>>
      tpu.enqueue_dma source(%dma_start3A_99 : memref<250x80xi32, #tpu.memory_space<hbm>>) target(%arg6 : memref<250x80xi32, #tpu.memory_space<vmem>>) target_semaphore(%run_scoped3A_91 : memref<!tpu.dma_semaphore, #tpu.memory_space<semaphore_mem>>)
      %dma_wait3A_100 = arith.constant 0 : i32
      %dma_wait3A_101 = arith.constant 0 : i32
      %dma_wait3A_102 = tpu.memref_slice %arg3[%arg1, %dma_wait3A_100, %dma_wait3A_101] : memref<16x250x80xi32, #tpu.memory_space<hbm>> -> memref<1x250x80xi32, #tpu.memory_space<hbm>>
      %dma_wait3A_103 = tpu.memref_squeeze %dma_wait3A_102 : memref<1x250x80xi32, #tpu.memory_space<hbm>> -> memref<250x80xi32, #tpu.memory_space<hbm>>
      %dma_wait3A_104 = arith.constant 0 : i32
      %dma_wait3A_105 = arith.constant 0 : i32
      %dma_wait3A_106 = tpu.memref_slice %arg3[%arg1, %dma_wait3A_104, %dma_wait3A_105] : memref<16x250x80xi32, #tpu.memory_space<hbm>> -> memref<1x250x80xi32, #tpu.memory_space<hbm>>
      %dma_wait3A_107 = tpu.memref_squeeze %dma_wait3A_106 : memref<1x250x80xi32, #tpu.memory_space<hbm>> -> memref<250x80xi32, #tpu.memory_space<hbm>>
      tpu.wait_dma2 semaphore(%run_scoped3A_91 : memref<!tpu.dma_semaphore, #tpu.memory_space<semaphore_mem>>) src(%dma_wait3A_107 : memref<250x80xi32, #tpu.memory_space<hbm>>) dst(%arg6 : memref<250x80xi32, #tpu.memory_space<vmem>>)
      tpu.yield
    }) : () -> ()
    %mul3A_1 = arith.constant 625 : i32
    %mul3A_2 = arith.muli %arg1, %mul3A_1 : i32
    "tpu.region"() ({
      %run_scoped3A_91 = tpu.sem_alloc : memref<!tpu.dma_semaphore, #tpu.memory_space<semaphore_mem>>
      %dma_start3A_92 = arith.constant 0 : i32
      %dma_start3A_93 = tpu.memref_slice %arg18[%mul3A_2, %dma_start3A_92] : memref<10000x80xf32, #tpu.memory_space<vmem_shared>> -> memref<625x80xf32, #tpu.memory_space<vmem_shared>>
      tpu.enqueue_dma source(%arg4 : memref<625x80xf32, #tpu.memory_space<hbm>>) target(%dma_start3A_93 : memref<625x80xf32, #tpu.memory_space<vmem_shared>>) target_semaphore(%run_scoped3A_91 : memref<!tpu.dma_semaphore, #tpu.memory_space<semaphore_mem>>)
      %dma_wait3A_94 = arith.constant 0 : i32
      %dma_wait3A_95 = tpu.memref_slice %arg18[%mul3A_2, %dma_wait3A_94] : memref<10000x80xf32, #tpu.memory_space<vmem_shared>> -> memref<625x80xf32, #tpu.memory_space<vmem_shared>>
      tpu.wait_dma2 semaphore(%run_scoped3A_91 : memref<!tpu.dma_semaphore, #tpu.memory_space<semaphore_mem>>) src(%arg4 : memref<625x80xf32, #tpu.memory_space<hbm>>) dst(%dma_wait3A_95 : memref<625x80xf32, #tpu.memory_space<vmem_shared>>)
      tpu.yield
    }) : () -> ()
    %scan3A = arith.constant 0 : i32
    %scan3A_3 = arith.constant 0 : i32
    %scan3A_4 = arith.constant 250 : i32
    %scan3A_5 = arith.addi %scan3A_3, %scan3A_4 : i32
    %scan3A_6 = arith.constant 1 : i32
    scf.for %scan3A_91 = %scan3A_3 to %scan3A_5 step %scan3A_6  : i32 {
      %get3A = arith.index_cast %scan3A_91 : i32 to index
      %get3A_92 = arith.constant 0 : index
      %get3A_93 = tpu.vector_load %arg6[%get3A, %get3A_92] {strides = array<i32>} : memref<250x80xi32, #tpu.memory_space<vmem>>, vector<1x16xi32>,
      %get3A_94 = vector.shape_cast %get3A_93 : vector<1x16xi32> to vector<16xi32>
      %shift_right_logical3A = arith.constant 16 : i32
      %shift_right_logical3A_95 = vector.broadcast %shift_right_logical3A : i32 to vector<16xi32>
      %shift_right_logical3A_96 = arith.shrui %get3A_94, %shift_right_logical3A_95 : vector<16xi32>
      %swap3A = arith.index_cast %scan3A_91 : i32 to index
      %swap3A_97 = arith.constant 0 : index
      %swap3A_98 = tpu.vector_load %arg7[%swap3A, %swap3A_97] {strides = array<i32>} : memref<250x80xi32, #tpu.memory_space<vmem>>, vector<1x16xi32>,
      %swap3A_99 = vector.shape_cast %swap3A_98 : vector<1x16xi32> to vector<16xi32>
      %swap3A_100 = vector.shape_cast %shift_right_logical3A_96 : vector<16xi32> to vector<1x16xi32>
      tpu.vector_store %arg7[%swap3A, %swap3A_97], %swap3A_100 {strides = array<i32>} : memref<250x80xi32, #tpu.memory_space<vmem>>, vector<1x16xi32>,
      %and3A = arith.constant 65535 : i32
      %and3A_101 = vector.broadcast %and3A : i32 to vector<16xi32>
      %and3A_102 = arith.andi %get3A_94, %and3A_101 : vector<16xi32>
      %add3A = vector.broadcast %mul3A_0 : i32 to vector<16xi32>
      %add3A_103 = arith.addi %and3A_102, %add3A : vector<16xi32>
      %swap3A_104 = arith.index_cast %scan3A_91 : i32 to index
      %swap3A_105 = arith.constant 0 : index
      %swap3A_106 = tpu.vector_load %arg6[%swap3A_104, %swap3A_105] {strides = array<i32>} : memref<250x80xi32, #tpu.memory_space<vmem>>, vector<1x16xi32>,
      %swap3A_107 = vector.shape_cast %swap3A_106 : vector<1x16xi32> to vector<16xi32>
      %swap3A_108 = vector.shape_cast %add3A_103 : vector<16xi32> to vector<1x16xi32>
      tpu.vector_store %arg6[%swap3A_104, %swap3A_105], %swap3A_108 {strides = array<i32>} : memref<250x80xi32, #tpu.memory_space<vmem>>, vector<1x16xi32>,
      %get3A_109 = arith.index_cast %scan3A_91 : i32 to index
      %get3A_110 = arith.constant 16 : index
      %get3A_111 = tpu.vector_load %arg6[%get3A_109, %get3A_110] {strides = array<i32>} : memref<250x80xi32, #tpu.memory_space<vmem>>, vector<1x16xi32>,
      %get3A_112 = vector.shape_cast %get3A_111 : vector<1x16xi32> to vector<16xi32>
      %shift_right_logical3A_113 = arith.constant 16 : i32
      %shift_right_logical3A_114 = vector.broadcast %shift_right_logical3A_113 : i32 to vector<16xi32>
      %shift_right_logical3A_115 = arith.shrui %get3A_112, %shift_right_logical3A_114 : vector<16xi32>
      %swap3A_116 = arith.index_cast %scan3A_91 : i32 to index
      %swap3A_117 = arith.constant 16 : index
      %swap3A_118 = tpu.vector_load %arg7[%swap3A_116, %swap3A_117] {strides = array<i32>} : memref<250x80xi32, #tpu.memory_space<vmem>>, vector<1x16xi32>,
      %swap3A_119 = vector.shape_cast %swap3A_118 : vector<1x16xi32> to vector<16xi32>
      %swap3A_120 = vector.shape_cast %shift_right_logical3A_115 : vector<16xi32> to vector<1x16xi32>
      tpu.vector_store %arg7[%swap3A_116, %swap3A_117], %swap3A_120 {strides = array<i32>} : memref<250x80xi32, #tpu.memory_space<vmem>>, vector<1x16xi32>,
      %and3A_121 = arith.constant 65535 : i32
      %and3A_122 = vector.broadcast %and3A_121 : i32 to vector<16xi32>
      %and3A_123 = arith.andi %get3A_112, %and3A_122 : vector<16xi32>
      %add3A_124 = vector.broadcast %mul3A_0 : i32 to vector<16xi32>
      %add3A_125 = arith.addi %and3A_123, %add3A_124 : vector<16xi32>
      %swap3A_126 = arith.index_cast %scan3A_91 : i32 to index
      %swap3A_127 = arith.constant 16 : index
      %swap3A_128 = tpu.vector_load %arg6[%swap3A_126, %swap3A_127] {strides = array<i32>} : memref<250x80xi32, #tpu.memory_space<vmem>>, vector<1x16xi32>,
      %swap3A_129 = vector.shape_cast %swap3A_128 : vector<1x16xi32> to vector<16xi32>
      %swap3A_130 = vector.shape_cast %add3A_125 : vector<16xi32> to vector<1x16xi32>
      tpu.vector_store %arg6[%swap3A_126, %swap3A_127], %swap3A_130 {strides = array<i32>} : memref<250x80xi32, #tpu.memory_space<vmem>>, vector<1x16xi32>,
      %get3A_131 = arith.index_cast %scan3A_91 : i32 to index
      %get3A_132 = arith.constant 32 : index
      %get3A_133 = tpu.vector_load %arg6[%get3A_131, %get3A_132] {strides = array<i32>} : memref<250x80xi32, #tpu.memory_space<vmem>>, vector<1x16xi32>,
      %get3A_134 = vector.shape_cast %get3A_133 : vector<1x16xi32> to vector<16xi32>
      %shift_right_logical3A_135 = arith.constant 16 : i32
      %shift_right_logical3A_136 = vector.broadcast %shift_right_logical3A_135 : i32 to vector<16xi32>
      %shift_right_logical3A_137 = arith.shrui %get3A_134, %shift_right_logical3A_136 : vector<16xi32>
      %swap3A_138 = arith.index_cast %scan3A_91 : i32 to index
      %swap3A_139 = arith.constant 32 : index
      %swap3A_140 = tpu.vector_load %arg7[%swap3A_138, %swap3A_139] {strides = array<i32>} : memref<250x80xi32, #tpu.memory_space<vmem>>, vector<1x16xi32>,
      %swap3A_141 = vector.shape_cast %swap3A_140 : vector<1x16xi32> to vector<16xi32>
      %swap3A_142 = vector.shape_cast %shift_right_logical3A_137 : vector<16xi32> to vector<1x16xi32>
      tpu.vector_store %arg7[%swap3A_138, %swap3A_139], %swap3A_142 {strides = array<i32>} : memref<250x80xi32, #tpu.memory_space<vmem>>, vector<1x16xi32>,
      %and3A_143 = arith.constant 65535 : i32
      %and3A_144 = vector.broadcast %and3A_143 : i32 to vector<16xi32>
      %and3A_145 = arith.andi %get3A_134, %and3A_144 : vector<16xi32>
      %add3A_146 = vector.broadcast %mul3A_0 : i32 to vector<16xi32>
      %add3A_147 = arith.addi %and3A_145, %add3A_146 : vector<16xi32>
      %swap3A_148 = arith.index_cast %scan3A_91 : i32 to index
      %swap3A_149 = arith.constant 32 : index
      %swap3A_150 = tpu.vector_load %arg6[%swap3A_148, %swap3A_149] {strides = array<i32>} : memref<250x80xi32, #tpu.memory_space<vmem>>, vector<1x16xi32>,
      %swap3A_151 = vector.shape_cast %swap3A_150 : vector<1x16xi32> to vector<16xi32>
      %swap3A_152 = vector.shape_cast %add3A_147 : vector<16xi32> to vector<1x16xi32>
      tpu.vector_store %arg6[%swap3A_148, %swap3A_149], %swap3A_152 {strides = array<i32>} : memref<250x80xi32, #tpu.memory_space<vmem>>, vector<1x16xi32>,
      %get3A_153 = arith.index_cast %scan3A_91 : i32 to index
      %get3A_154 = arith.constant 48 : index
      %get3A_155 = tpu.vector_load %arg6[%get3A_153, %get3A_154] {strides = array<i32>} : memref<250x80xi32, #tpu.memory_space<vmem>>, vector<1x16xi32>,
      %get3A_156 = vector.shape_cast %get3A_155 : vector<1x16xi32> to vector<16xi32>
      %shift_right_logical3A_157 = arith.constant 16 : i32
      %shift_right_logical3A_158 = vector.broadcast %shift_right_logical3A_157 : i32 to vector<16xi32>
      %shift_right_logical3A_159 = arith.shrui %get3A_156, %shift_right_logical3A_158 : vector<16xi32>
      %swap3A_160 = arith.index_cast %scan3A_91 : i32 to index
      %swap3A_161 = arith.constant 48 : index
      %swap3A_162 = tpu.vector_load %arg7[%swap3A_160, %swap3A_161] {strides = array<i32>} : memref<250x80xi32, #tpu.memory_space<vmem>>, vector<1x16xi32>,
      %swap3A_163 = vector.shape_cast %swap3A_162 : vector<1x16xi32> to vector<16xi32>
      %swap3A_164 = vector.shape_cast %shift_right_logical3A_159 : vector<16xi32> to vector<1x16xi32>
      tpu.vector_store %arg7[%swap3A_160, %swap3A_161], %swap3A_164 {strides = array<i32>} : memref<250x80xi32, #tpu.memory_space<vmem>>, vector<1x16xi32>,
      %and3A_165 = arith.constant 65535 : i32
      %and3A_166 = vector.broadcast %and3A_165 : i32 to vector<16xi32>
      %and3A_167 = arith.andi %get3A_156, %and3A_166 : vector<16xi32>
      %add3A_168 = vector.broadcast %mul3A_0 : i32 to vector<16xi32>
      %add3A_169 = arith.addi %and3A_167, %add3A_168 : vector<16xi32>
      %swap3A_170 = arith.index_cast %scan3A_91 : i32 to index
      %swap3A_171 = arith.constant 48 : index
      %swap3A_172 = tpu.vector_load %arg6[%swap3A_170, %swap3A_171] {strides = array<i32>} : memref<250x80xi32, #tpu.memory_space<vmem>>, vector<1x16xi32>,
      %swap3A_173 = vector.shape_cast %swap3A_172 : vector<1x16xi32> to vector<16xi32>
      %swap3A_174 = vector.shape_cast %add3A_169 : vector<16xi32> to vector<1x16xi32>
      tpu.vector_store %arg6[%swap3A_170, %swap3A_171], %swap3A_174 {strides = array<i32>} : memref<250x80xi32, #tpu.memory_space<vmem>>, vector<1x16xi32>,
      %get3A_175 = arith.index_cast %scan3A_91 : i32 to index
      %get3A_176 = arith.constant 64 : index
      %get3A_177 = tpu.vector_load %arg6[%get3A_175, %get3A_176] {strides = array<i32>} : memref<250x80xi32, #tpu.memory_space<vmem>>, vector<1x16xi32>,
      %get3A_178 = vector.shape_cast %get3A_177 : vector<1x16xi32> to vector<16xi32>
      %shift_right_logical3A_179 = arith.constant 16 : i32
      %shift_right_logical3A_180 = vector.broadcast %shift_right_logical3A_179 : i32 to vector<16xi32>
      %shift_right_logical3A_181 = arith.shrui %get3A_178, %shift_right_logical3A_180 : vector<16xi32>
      %swap3A_182 = arith.index_cast %scan3A_91 : i32 to index
      %swap3A_183 = arith.constant 64 : index
      %swap3A_184 = tpu.vector_load %arg7[%swap3A_182, %swap3A_183] {strides = array<i32>} : memref<250x80xi32, #tpu.memory_space<vmem>>, vector<1x16xi32>,
      %swap3A_185 = vector.shape_cast %swap3A_184 : vector<1x16xi32> to vector<16xi32>
      %swap3A_186 = vector.shape_cast %shift_right_logical3A_181 : vector<16xi32> to vector<1x16xi32>
      tpu.vector_store %arg7[%swap3A_182, %swap3A_183], %swap3A_186 {strides = array<i32>} : memref<250x80xi32, #tpu.memory_space<vmem>>, vector<1x16xi32>,
      %and3A_187 = arith.constant 65535 : i32
      %and3A_188 = vector.broadcast %and3A_187 : i32 to vector<16xi32>
      %and3A_189 = arith.andi %get3A_178, %and3A_188 : vector<16xi32>
      %add3A_190 = vector.broadcast %mul3A_0 : i32 to vector<16xi32>
      %add3A_191 = arith.addi %and3A_189, %add3A_190 : vector<16xi32>
      %swap3A_192 = arith.index_cast %scan3A_91 : i32 to index
      %swap3A_193 = arith.constant 64 : index
      %swap3A_194 = tpu.vector_load %arg6[%swap3A_192, %swap3A_193] {strides = array<i32>} : memref<250x80xi32, #tpu.memory_space<vmem>>, vector<1x16xi32>,
      %swap3A_195 = vector.shape_cast %swap3A_194 : vector<1x16xi32> to vector<16xi32>
      %swap3A_196 = vector.shape_cast %add3A_191 : vector<16xi32> to vector<1x16xi32>
      tpu.vector_store %arg6[%swap3A_192, %swap3A_193], %swap3A_196 {strides = array<i32>} : memref<250x80xi32, #tpu.memory_space<vmem>>, vector<1x16xi32>,
    }
    %scan3A_7 = arith.constant 250 : i32
    %barrier3A = arith.constant 0 : index
    tpu.barrier barrier_id(%barrier3A)
    %dma_start3A = arith.constant 0 : i32
    %dma_start3A_8 = arith.constant 0 : i32
    %dma_start3A_9 = tpu.memref_slice %arg6[%dma_start3A, %dma_start3A_8] : memref<250x80xi32, #tpu.memory_space<vmem>> -> memref<1x80xi32, #tpu.memory_space<vmem>>
    %dma_start3A_10 = tpu.memref_squeeze %dma_start3A_9 : memref<1x80xi32, #tpu.memory_space<vmem>> -> memref<80xi32, #tpu.memory_space<vmem>>
    %dma_start3A_11 = arith.constant 0 : i32
    %dma_start3A_12 = arith.constant 0 : i32
    %dma_start3A_13 = tpu.memref_slice %arg2[%dma_start3A_11, %dma_start3A_12] : memref<20000x80xf32, #tpu.memory_space<hbm>> -> memref<20000x80xf32, #tpu.memory_space<hbm>>
    tpu.enqueue_indirect_dma source(%dma_start3A_13 : memref<20000x80xf32, #tpu.memory_space<hbm>>) target(%arg8 : memref<80x80xf32, #tpu.memory_space<vmem>>) offsets(%dma_start3A_10 : memref<80xi32, #tpu.memory_space<vmem>>) semaphore(%arg13 : memref<!tpu.dma_semaphore, #tpu.memory_space<semaphore_mem>>)
    %dma_start3A_14 = arith.constant 1 : i32
    %dma_start3A_15 = arith.constant 0 : i32
    %dma_start3A_16 = tpu.memref_slice %arg6[%dma_start3A_14, %dma_start3A_15] : memref<250x80xi32, #tpu.memory_space<vmem>> -> memref<1x80xi32, #tpu.memory_space<vmem>>
    %dma_start3A_17 = tpu.memref_squeeze %dma_start3A_16 : memref<1x80xi32, #tpu.memory_space<vmem>> -> memref<80xi32, #tpu.memory_space<vmem>>
    %dma_start3A_18 = arith.constant 0 : i32
    %dma_start3A_19 = arith.constant 0 : i32
    %dma_start3A_20 = tpu.memref_slice %arg2[%dma_start3A_18, %dma_start3A_19] : memref<20000x80xf32, #tpu.memory_space<hbm>> -> memref<20000x80xf32, #tpu.memory_space<hbm>>
    tpu.enqueue_indirect_dma source(%dma_start3A_20 : memref<20000x80xf32, #tpu.memory_space<hbm>>) target(%arg9 : memref<80x80xf32, #tpu.memory_space<vmem>>) offsets(%dma_start3A_17 : memref<80xi32, #tpu.memory_space<vmem>>) semaphore(%arg14 : memref<!tpu.dma_semaphore, #tpu.memory_space<semaphore_mem>>)
    %dma_start3A_21 = arith.constant 2 : i32
    %dma_start3A_22 = arith.constant 0 : i32
    %dma_start3A_23 = tpu.memref_slice %arg6[%dma_start3A_21, %dma_start3A_22] : memref<250x80xi32, #tpu.memory_space<vmem>> -> memref<1x80xi32, #tpu.memory_space<vmem>>
    %dma_start3A_24 = tpu.memref_squeeze %dma_start3A_23 : memref<1x80xi32, #tpu.memory_space<vmem>> -> memref<80xi32, #tpu.memory_space<vmem>>
    %dma_start3A_25 = arith.constant 0 : i32
    %dma_start3A_26 = arith.constant 0 : i32
    %dma_start3A_27 = tpu.memref_slice %arg2[%dma_start3A_25, %dma_start3A_26] : memref<20000x80xf32, #tpu.memory_space<hbm>> -> memref<20000x80xf32, #tpu.memory_space<hbm>>
    tpu.enqueue_indirect_dma source(%dma_start3A_27 : memref<20000x80xf32, #tpu.memory_space<hbm>>) target(%arg10 : memref<80x80xf32, #tpu.memory_space<vmem>>) offsets(%dma_start3A_24 : memref<80xi32, #tpu.memory_space<vmem>>) semaphore(%arg15 : memref<!tpu.dma_semaphore, #tpu.memory_space<semaphore_mem>>)
    %dma_start3A_28 = arith.constant 3 : i32
    %dma_start3A_29 = arith.constant 0 : i32
    %dma_start3A_30 = tpu.memref_slice %arg6[%dma_start3A_28, %dma_start3A_29] : memref<250x80xi32, #tpu.memory_space<vmem>> -> memref<1x80xi32, #tpu.memory_space<vmem>>
    %dma_start3A_31 = tpu.memref_squeeze %dma_start3A_30 : memref<1x80xi32, #tpu.memory_space<vmem>> -> memref<80xi32, #tpu.memory_space<vmem>>
    %dma_start3A_32 = arith.constant 0 : i32
    %dma_start3A_33 = arith.constant 0 : i32
    %dma_start3A_34 = tpu.memref_slice %arg2[%dma_start3A_32, %dma_start3A_33] : memref<20000x80xf32, #tpu.memory_space<hbm>> -> memref<20000x80xf32, #tpu.memory_space<hbm>>
    tpu.enqueue_indirect_dma source(%dma_start3A_34 : memref<20000x80xf32, #tpu.memory_space<hbm>>) target(%arg11 : memref<80x80xf32, #tpu.memory_space<vmem>>) offsets(%dma_start3A_31 : memref<80xi32, #tpu.memory_space<vmem>>) semaphore(%arg16 : memref<!tpu.dma_semaphore, #tpu.memory_space<semaphore_mem>>)
    %dma_start3A_35 = arith.constant 4 : i32
    %dma_start3A_36 = arith.constant 0 : i32
    %dma_start3A_37 = tpu.memref_slice %arg6[%dma_start3A_35, %dma_start3A_36] : memref<250x80xi32, #tpu.memory_space<vmem>> -> memref<1x80xi32, #tpu.memory_space<vmem>>
    %dma_start3A_38 = tpu.memref_squeeze %dma_start3A_37 : memref<1x80xi32, #tpu.memory_space<vmem>> -> memref<80xi32, #tpu.memory_space<vmem>>
    %dma_start3A_39 = arith.constant 0 : i32
    %dma_start3A_40 = arith.constant 0 : i32
    %dma_start3A_41 = tpu.memref_slice %arg2[%dma_start3A_39, %dma_start3A_40] : memref<20000x80xf32, #tpu.memory_space<hbm>> -> memref<20000x80xf32, #tpu.memory_space<hbm>>
    tpu.enqueue_indirect_dma source(%dma_start3A_41 : memref<20000x80xf32, #tpu.memory_space<hbm>>) target(%arg12 : memref<80x80xf32, #tpu.memory_space<vmem>>) offsets(%dma_start3A_38 : memref<80xi32, #tpu.memory_space<vmem>>) semaphore(%arg17 : memref<!tpu.dma_semaphore, #tpu.memory_space<semaphore_mem>>)
    %scan3A_42 = arith.constant 0 : i32
    %scan3A_43 = arith.constant 0 : i32
    %scan3A_44 = arith.constant 49 : i32
    %scan3A_45 = arith.addi %scan3A_43, %scan3A_44 : i32
    %scan3A_46 = arith.constant 1 : i32
    scf.for %scan3A_91 = %scan3A_43 to %scan3A_45 step %scan3A_46  : i32 {
      %mul3A_92 = arith.constant 5 : i32
      %mul3A_93 = arith.muli %scan3A_91, %mul3A_92 : i32
      %add3A = arith.constant 0 : i32
      %add3A_94 = arith.addi %mul3A_93, %add3A : i32
      %dma_wait3A_95 = arith.constant 0 : i32
      %dma_wait3A_96 = tpu.memref_slice %arg6[%add3A_94, %dma_wait3A_95] : memref<250x80xi32, #tpu.memory_space<vmem>> -> memref<1x80xi32, #tpu.memory_space<vmem>>
      %dma_wait3A_97 = tpu.memref_squeeze %dma_wait3A_96 : memref<1x80xi32, #tpu.memory_space<vmem>> -> memref<80xi32, #tpu.memory_space<vmem>>
      %dma_wait3A_98 = arith.constant 0 : i32
      %dma_wait3A_99 = arith.constant 0 : i32
      %dma_wait3A_100 = tpu.memref_slice %arg2[%dma_wait3A_98, %dma_wait3A_99] : memref<20000x80xf32, #tpu.memory_space<hbm>> -> memref<20000x80xf32, #tpu.memory_space<hbm>>
      tpu.wait_indirect_dma semaphore(%arg13 : memref<!tpu.dma_semaphore, #tpu.memory_space<semaphore_mem>>) src(%dma_wait3A_100 : memref<20000x80xf32, #tpu.memory_space<hbm>>) dst(%arg8 : memref<80x80xf32, #tpu.memory_space<vmem>>)
      "tpu.region"() ({
        %run_scoped3A_173 = tpu.sem_alloc : memref<!tpu.dma_semaphore, #tpu.memory_space<semaphore_mem>>
        %dma_start3A_174 = arith.constant 0 : i32
        %dma_start3A_175 = tpu.memref_slice %arg7[%add3A_94, %dma_start3A_174] : memref<250x80xi32, #tpu.memory_space<vmem>> -> memref<1x80xi32, #tpu.memory_space<vmem>>
        %dma_start3A_176 = tpu.memref_squeeze %dma_start3A_175 : memref<1x80xi32, #tpu.memory_space<vmem>> -> memref<80xi32, #tpu.memory_space<vmem>>
        %dma_start3A_177 = arith.constant 0 : i32
        %dma_start3A_178 = arith.constant 0 : i32
        %dma_start3A_179 = tpu.memref_slice %arg18[%dma_start3A_177, %dma_start3A_178] : memref<10000x80xf32, #tpu.memory_space<vmem_shared>> -> memref<10000x80xf32, #tpu.memory_space<vmem_shared>>
        tpu.enqueue_indirect_dma source(%arg8 : memref<80x80xf32, #tpu.memory_space<vmem>>) target(%dma_start3A_179 : memref<10000x80xf32, #tpu.memory_space<vmem_shared>>) offsets(%dma_start3A_176 : memref<80xi32, #tpu.memory_space<vmem>>) semaphore(%run_scoped3A_173 : memref<!tpu.dma_semaphore, #tpu.memory_space<semaphore_mem>>) {add = true}
        %dma_wait3A_180 = arith.constant 0 : i32
        %dma_wait3A_181 = tpu.memref_slice %arg7[%add3A_94, %dma_wait3A_180] : memref<250x80xi32, #tpu.memory_space<vmem>> -> memref<1x80xi32, #tpu.memory_space<vmem>>
        %dma_wait3A_182 = tpu.memref_squeeze %dma_wait3A_181 : memref<1x80xi32, #tpu.memory_space<vmem>> -> memref<80xi32, #tpu.memory_space<vmem>>
        %dma_wait3A_183 = arith.constant 0 : i32
        %dma_wait3A_184 = arith.constant 0 : i32
        %dma_wait3A_185 = tpu.memref_slice %arg18[%dma_wait3A_183, %dma_wait3A_184] : memref<10000x80xf32, #tpu.memory_space<vmem_shared>> -> memref<10000x80xf32, #tpu.memory_space<vmem_shared>>
        tpu.wait_indirect_dma semaphore(%run_scoped3A_173 : memref<!tpu.dma_semaphore, #tpu.memory_space<semaphore_mem>>) src(%arg8 : memref<80x80xf32, #tpu.memory_space<vmem>>) dst(%dma_wait3A_185 : memref<10000x80xf32, #tpu.memory_space<vmem_shared>>)
        tpu.yield
      }) : () -> ()
      %add3A_101 = arith.constant 5 : i32
      %add3A_102 = arith.addi %add3A_94, %add3A_101 : i32
      %dma_start3A_103 = arith.constant 0 : i32
      %dma_start3A_104 = tpu.memref_slice %arg6[%add3A_102, %dma_start3A_103] : memref<250x80xi32, #tpu.memory_space<vmem>> -> memref<1x80xi32, #tpu.memory_space<vmem>>
      %dma_start3A_105 = tpu.memref_squeeze %dma_start3A_104 : memref<1x80xi32, #tpu.memory_space<vmem>> -> memref<80xi32, #tpu.memory_space<vmem>>
      %dma_start3A_106 = arith.constant 0 : i32
      %dma_start3A_107 = arith.constant 0 : i32
      %dma_start3A_108 = tpu.memref_slice %arg2[%dma_start3A_106, %dma_start3A_107] : memref<20000x80xf32, #tpu.memory_space<hbm>> -> memref<20000x80xf32, #tpu.memory_space<hbm>>
      tpu.enqueue_indirect_dma source(%dma_start3A_108 : memref<20000x80xf32, #tpu.memory_space<hbm>>) target(%arg8 : memref<80x80xf32, #tpu.memory_space<vmem>>) offsets(%dma_start3A_105 : memref<80xi32, #tpu.memory_space<vmem>>) semaphore(%arg13 : memref<!tpu.dma_semaphore, #tpu.memory_space<semaphore_mem>>)
      %add3A_109 = arith.constant 1 : i32
      %add3A_110 = arith.addi %mul3A_93, %add3A_109 : i32
      %dma_wait3A_111 = arith.constant 0 : i32
      %dma_wait3A_112 = tpu.memref_slice %arg6[%add3A_110, %dma_wait3A_111] : memref<250x80xi32, #tpu.memory_space<vmem>> -> memref<1x80xi32, #tpu.memory_space<vmem>>
      %dma_wait3A_113 = tpu.memref_squeeze %dma_wait3A_112 : memref<1x80xi32, #tpu.memory_space<vmem>> -> memref<80xi32, #tpu.memory_space<vmem>>
      %dma_wait3A_114 = arith.constant 0 : i32
      %dma_wait3A_115 = arith.constant 0 : i32
      %dma_wait3A_116 = tpu.memref_slice %arg2[%dma_wait3A_114, %dma_wait3A_115] : memref<20000x80xf32, #tpu.memory_space<hbm>> -> memref<20000x80xf32, #tpu.memory_space<hbm>>
      tpu.wait_indirect_dma semaphore(%arg14 : memref<!tpu.dma_semaphore, #tpu.memory_space<semaphore_mem>>) src(%dma_wait3A_116 : memref<20000x80xf32, #tpu.memory_space<hbm>>) dst(%arg9 : memref<80x80xf32, #tpu.memory_space<vmem>>)
      "tpu.region"() ({
        %run_scoped3A_173 = tpu.sem_alloc : memref<!tpu.dma_semaphore, #tpu.memory_space<semaphore_mem>>
        %dma_start3A_174 = arith.constant 0 : i32
        %dma_start3A_175 = tpu.memref_slice %arg7[%add3A_110, %dma_start3A_174] : memref<250x80xi32, #tpu.memory_space<vmem>> -> memref<1x80xi32, #tpu.memory_space<vmem>>
        %dma_start3A_176 = tpu.memref_squeeze %dma_start3A_175 : memref<1x80xi32, #tpu.memory_space<vmem>> -> memref<80xi32, #tpu.memory_space<vmem>>
        %dma_start3A_177 = arith.constant 0 : i32
        %dma_start3A_178 = arith.constant 0 : i32
        %dma_start3A_179 = tpu.memref_slice %arg18[%dma_start3A_177, %dma_start3A_178] : memref<10000x80xf32, #tpu.memory_space<vmem_shared>> -> memref<10000x80xf32, #tpu.memory_space<vmem_shared>>
        tpu.enqueue_indirect_dma source(%arg9 : memref<80x80xf32, #tpu.memory_space<vmem>>) target(%dma_start3A_179 : memref<10000x80xf32, #tpu.memory_space<vmem_shared>>) offsets(%dma_start3A_176 : memref<80xi32, #tpu.memory_space<vmem>>) semaphore(%run_scoped3A_173 : memref<!tpu.dma_semaphore, #tpu.memory_space<semaphore_mem>>) {add = true}
        %dma_wait3A_180 = arith.constant 0 : i32
        %dma_wait3A_181 = tpu.memref_slice %arg7[%add3A_110, %dma_wait3A_180] : memref<250x80xi32, #tpu.memory_space<vmem>> -> memref<1x80xi32, #tpu.memory_space<vmem>>
        %dma_wait3A_182 = tpu.memref_squeeze %dma_wait3A_181 : memref<1x80xi32, #tpu.memory_space<vmem>> -> memref<80xi32, #tpu.memory_space<vmem>>
        %dma_wait3A_183 = arith.constant 0 : i32
        %dma_wait3A_184 = arith.constant 0 : i32
        %dma_wait3A_185 = tpu.memref_slice %arg18[%dma_wait3A_183, %dma_wait3A_184] : memref<10000x80xf32, #tpu.memory_space<vmem_shared>> -> memref<10000x80xf32, #tpu.memory_space<vmem_shared>>
        tpu.wait_indirect_dma semaphore(%run_scoped3A_173 : memref<!tpu.dma_semaphore, #tpu.memory_space<semaphore_mem>>) src(%arg9 : memref<80x80xf32, #tpu.memory_space<vmem>>) dst(%dma_wait3A_185 : memref<10000x80xf32, #tpu.memory_space<vmem_shared>>)
        tpu.yield
      }) : () -> ()
      %add3A_117 = arith.constant 5 : i32
      %add3A_118 = arith.addi %add3A_110, %add3A_117 : i32
      %dma_start3A_119 = arith.constant 0 : i32
      %dma_start3A_120 = tpu.memref_slice %arg6[%add3A_118, %dma_start3A_119] : memref<250x80xi32, #tpu.memory_space<vmem>> -> memref<1x80xi32, #tpu.memory_space<vmem>>
      %dma_start3A_121 = tpu.memref_squeeze %dma_start3A_120 : memref<1x80xi32, #tpu.memory_space<vmem>> -> memref<80xi32, #tpu.memory_space<vmem>>
      %dma_start3A_122 = arith.constant 0 : i32
      %dma_start3A_123 = arith.constant 0 : i32
      %dma_start3A_124 = tpu.memref_slice %arg2[%dma_start3A_122, %dma_start3A_123] : memref<20000x80xf32, #tpu.memory_space<hbm>> -> memref<20000x80xf32, #tpu.memory_space<hbm>>
      tpu.enqueue_indirect_dma source(%dma_start3A_124 : memref<20000x80xf32, #tpu.memory_space<hbm>>) target(%arg9 : memref<80x80xf32, #tpu.memory_space<vmem>>) offsets(%dma_start3A_121 : memref<80xi32, #tpu.memory_space<vmem>>) semaphore(%arg14 : memref<!tpu.dma_semaphore, #tpu.memory_space<semaphore_mem>>)
      %add3A_125 = arith.constant 2 : i32
      %add3A_126 = arith.addi %mul3A_93, %add3A_125 : i32
      %dma_wait3A_127 = arith.constant 0 : i32
      %dma_wait3A_128 = tpu.memref_slice %arg6[%add3A_126, %dma_wait3A_127] : memref<250x80xi32, #tpu.memory_space<vmem>> -> memref<1x80xi32, #tpu.memory_space<vmem>>
      %dma_wait3A_129 = tpu.memref_squeeze %dma_wait3A_128 : memref<1x80xi32, #tpu.memory_space<vmem>> -> memref<80xi32, #tpu.memory_space<vmem>>
      %dma_wait3A_130 = arith.constant 0 : i32
      %dma_wait3A_131 = arith.constant 0 : i32
      %dma_wait3A_132 = tpu.memref_slice %arg2[%dma_wait3A_130, %dma_wait3A_131] : memref<20000x80xf32, #tpu.memory_space<hbm>> -> memref<20000x80xf32, #tpu.memory_space<hbm>>
      tpu.wait_indirect_dma semaphore(%arg15 : memref<!tpu.dma_semaphore, #tpu.memory_space<semaphore_mem>>) src(%dma_wait3A_132 : memref<20000x80xf32, #tpu.memory_space<hbm>>) dst(%arg10 : memref<80x80xf32, #tpu.memory_space<vmem>>)
      "tpu.region"() ({
        %run_scoped3A_173 = tpu.sem_alloc : memref<!tpu.dma_semaphore, #tpu.memory_space<semaphore_mem>>
        %dma_start3A_174 = arith.constant 0 : i32
        %dma_start3A_175 = tpu.memref_slice %arg7[%add3A_126, %dma_start3A_174] : memref<250x80xi32, #tpu.memory_space<vmem>> -> memref<1x80xi32, #tpu.memory_space<vmem>>
        %dma_start3A_176 = tpu.memref_squeeze %dma_start3A_175 : memref<1x80xi32, #tpu.memory_space<vmem>> -> memref<80xi32, #tpu.memory_space<vmem>>
        %dma_start3A_177 = arith.constant 0 : i32
        %dma_start3A_178 = arith.constant 0 : i32
        %dma_start3A_179 = tpu.memref_slice %arg18[%dma_start3A_177, %dma_start3A_178] : memref<10000x80xf32, #tpu.memory_space<vmem_shared>> -> memref<10000x80xf32, #tpu.memory_space<vmem_shared>>
        tpu.enqueue_indirect_dma source(%arg10 : memref<80x80xf32, #tpu.memory_space<vmem>>) target(%dma_start3A_179 : memref<10000x80xf32, #tpu.memory_space<vmem_shared>>) offsets(%dma_start3A_176 : memref<80xi32, #tpu.memory_space<vmem>>) semaphore(%run_scoped3A_173 : memref<!tpu.dma_semaphore, #tpu.memory_space<semaphore_mem>>) {add = true}
        %dma_wait3A_180 = arith.constant 0 : i32
        %dma_wait3A_181 = tpu.memref_slice %arg7[%add3A_126, %dma_wait3A_180] : memref<250x80xi32, #tpu.memory_space<vmem>> -> memref<1x80xi32, #tpu.memory_space<vmem>>
        %dma_wait3A_182 = tpu.memref_squeeze %dma_wait3A_181 : memref<1x80xi32, #tpu.memory_space<vmem>> -> memref<80xi32, #tpu.memory_space<vmem>>
        %dma_wait3A_183 = arith.constant 0 : i32
        %dma_wait3A_184 = arith.constant 0 : i32
        %dma_wait3A_185 = tpu.memref_slice %arg18[%dma_wait3A_183, %dma_wait3A_184] : memref<10000x80xf32, #tpu.memory_space<vmem_shared>> -> memref<10000x80xf32, #tpu.memory_space<vmem_shared>>
        tpu.wait_indirect_dma semaphore(%run_scoped3A_173 : memref<!tpu.dma_semaphore, #tpu.memory_space<semaphore_mem>>) src(%arg10 : memref<80x80xf32, #tpu.memory_space<vmem>>) dst(%dma_wait3A_185 : memref<10000x80xf32, #tpu.memory_space<vmem_shared>>)
        tpu.yield
      }) : () -> ()
      %add3A_133 = arith.constant 5 : i32
      %add3A_134 = arith.addi %add3A_126, %add3A_133 : i32
      %dma_start3A_135 = arith.constant 0 : i32
      %dma_start3A_136 = tpu.memref_slice %arg6[%add3A_134, %dma_start3A_135] : memref<250x80xi32, #tpu.memory_space<vmem>> -> memref<1x80xi32, #tpu.memory_space<vmem>>
      %dma_start3A_137 = tpu.memref_squeeze %dma_start3A_136 : memref<1x80xi32, #tpu.memory_space<vmem>> -> memref<80xi32, #tpu.memory_space<vmem>>
      %dma_start3A_138 = arith.constant 0 : i32
      %dma_start3A_139 = arith.constant 0 : i32
      %dma_start3A_140 = tpu.memref_slice %arg2[%dma_start3A_138, %dma_start3A_139] : memref<20000x80xf32, #tpu.memory_space<hbm>> -> memref<20000x80xf32, #tpu.memory_space<hbm>>
      tpu.enqueue_indirect_dma source(%dma_start3A_140 : memref<20000x80xf32, #tpu.memory_space<hbm>>) target(%arg10 : memref<80x80xf32, #tpu.memory_space<vmem>>) offsets(%dma_start3A_137 : memref<80xi32, #tpu.memory_space<vmem>>) semaphore(%arg15 : memref<!tpu.dma_semaphore, #tpu.memory_space<semaphore_mem>>)
      %add3A_141 = arith.constant 3 : i32
      %add3A_142 = arith.addi %mul3A_93, %add3A_141 : i32
      %dma_wait3A_143 = arith.constant 0 : i32
      %dma_wait3A_144 = tpu.memref_slice %arg6[%add3A_142, %dma_wait3A_143] : memref<250x80xi32, #tpu.memory_space<vmem>> -> memref<1x80xi32, #tpu.memory_space<vmem>>
      %dma_wait3A_145 = tpu.memref_squeeze %dma_wait3A_144 : memref<1x80xi32, #tpu.memory_space<vmem>> -> memref<80xi32, #tpu.memory_space<vmem>>
      %dma_wait3A_146 = arith.constant 0 : i32
      %dma_wait3A_147 = arith.constant 0 : i32
      %dma_wait3A_148 = tpu.memref_slice %arg2[%dma_wait3A_146, %dma_wait3A_147] : memref<20000x80xf32, #tpu.memory_space<hbm>> -> memref<20000x80xf32, #tpu.memory_space<hbm>>
      tpu.wait_indirect_dma semaphore(%arg16 : memref<!tpu.dma_semaphore, #tpu.memory_space<semaphore_mem>>) src(%dma_wait3A_148 : memref<20000x80xf32, #tpu.memory_space<hbm>>) dst(%arg11 : memref<80x80xf32, #tpu.memory_space<vmem>>)
      "tpu.region"() ({
        %run_scoped3A_173 = tpu.sem_alloc : memref<!tpu.dma_semaphore, #tpu.memory_space<semaphore_mem>>
        %dma_start3A_174 = arith.constant 0 : i32
        %dma_start3A_175 = tpu.memref_slice %arg7[%add3A_142, %dma_start3A_174] : memref<250x80xi32, #tpu.memory_space<vmem>> -> memref<1x80xi32, #tpu.memory_space<vmem>>
        %dma_start3A_176 = tpu.memref_squeeze %dma_start3A_175 : memref<1x80xi32, #tpu.memory_space<vmem>> -> memref<80xi32, #tpu.memory_space<vmem>>
        %dma_start3A_177 = arith.constant 0 : i32
        %dma_start3A_178 = arith.constant 0 : i32
        %dma_start3A_179 = tpu.memref_slice %arg18[%dma_start3A_177, %dma_start3A_178] : memref<10000x80xf32, #tpu.memory_space<vmem_shared>> -> memref<10000x80xf32, #tpu.memory_space<vmem_shared>>
        tpu.enqueue_indirect_dma source(%arg11 : memref<80x80xf32, #tpu.memory_space<vmem>>) target(%dma_start3A_179 : memref<10000x80xf32, #tpu.memory_space<vmem_shared>>) offsets(%dma_start3A_176 : memref<80xi32, #tpu.memory_space<vmem>>) semaphore(%run_scoped3A_173 : memref<!tpu.dma_semaphore, #tpu.memory_space<semaphore_mem>>) {add = true}
        %dma_wait3A_180 = arith.constant 0 : i32
        %dma_wait3A_181 = tpu.memref_slice %arg7[%add3A_142, %dma_wait3A_180] : memref<250x80xi32, #tpu.memory_space<vmem>> -> memref<1x80xi32, #tpu.memory_space<vmem>>
        %dma_wait3A_182 = tpu.memref_squeeze %dma_wait3A_181 : memref<1x80xi32, #tpu.memory_space<vmem>> -> memref<80xi32, #tpu.memory_space<vmem>>
        %dma_wait3A_183 = arith.constant 0 : i32
        %dma_wait3A_184 = arith.constant 0 : i32
        %dma_wait3A_185 = tpu.memref_slice %arg18[%dma_wait3A_183, %dma_wait3A_184] : memref<10000x80xf32, #tpu.memory_space<vmem_shared>> -> memref<10000x80xf32, #tpu.memory_space<vmem_shared>>
        tpu.wait_indirect_dma semaphore(%run_scoped3A_173 : memref<!tpu.dma_semaphore, #tpu.memory_space<semaphore_mem>>) src(%arg11 : memref<80x80xf32, #tpu.memory_space<vmem>>) dst(%dma_wait3A_185 : memref<10000x80xf32, #tpu.memory_space<vmem_shared>>)
        tpu.yield
      }) : () -> ()
      %add3A_149 = arith.constant 5 : i32
      %add3A_150 = arith.addi %add3A_142, %add3A_149 : i32
      %dma_start3A_151 = arith.constant 0 : i32
      %dma_start3A_152 = tpu.memref_slice %arg6[%add3A_150, %dma_start3A_151] : memref<250x80xi32, #tpu.memory_space<vmem>> -> memref<1x80xi32, #tpu.memory_space<vmem>>
      %dma_start3A_153 = tpu.memref_squeeze %dma_start3A_152 : memref<1x80xi32, #tpu.memory_space<vmem>> -> memref<80xi32, #tpu.memory_space<vmem>>
      %dma_start3A_154 = arith.constant 0 : i32
      %dma_start3A_155 = arith.constant 0 : i32
      %dma_start3A_156 = tpu.memref_slice %arg2[%dma_start3A_154, %dma_start3A_155] : memref<20000x80xf32, #tpu.memory_space<hbm>> -> memref<20000x80xf32, #tpu.memory_space<hbm>>
      tpu.enqueue_indirect_dma source(%dma_start3A_156 : memref<20000x80xf32, #tpu.memory_space<hbm>>) target(%arg11 : memref<80x80xf32, #tpu.memory_space<vmem>>) offsets(%dma_start3A_153 : memref<80xi32, #tpu.memory_space<vmem>>) semaphore(%arg16 : memref<!tpu.dma_semaphore, #tpu.memory_space<semaphore_mem>>)
      %add3A_157 = arith.constant 4 : i32
      %add3A_158 = arith.addi %mul3A_93, %add3A_157 : i32
      %dma_wait3A_159 = arith.constant 0 : i32
      %dma_wait3A_160 = tpu.memref_slice %arg6[%add3A_158, %dma_wait3A_159] : memref<250x80xi32, #tpu.memory_space<vmem>> -> memref<1x80xi32, #tpu.memory_space<vmem>>
      %dma_wait3A_161 = tpu.memref_squeeze %dma_wait3A_160 : memref<1x80xi32, #tpu.memory_space<vmem>> -> memref<80xi32, #tpu.memory_space<vmem>>
      %dma_wait3A_162 = arith.constant 0 : i32
      %dma_wait3A_163 = arith.constant 0 : i32
      %dma_wait3A_164 = tpu.memref_slice %arg2[%dma_wait3A_162, %dma_wait3A_163] : memref<20000x80xf32, #tpu.memory_space<hbm>> -> memref<20000x80xf32, #tpu.memory_space<hbm>>
      tpu.wait_indirect_dma semaphore(%arg17 : memref<!tpu.dma_semaphore, #tpu.memory_space<semaphore_mem>>) src(%dma_wait3A_164 : memref<20000x80xf32, #tpu.memory_space<hbm>>) dst(%arg12 : memref<80x80xf32, #tpu.memory_space<vmem>>)
      "tpu.region"() ({
        %run_scoped3A_173 = tpu.sem_alloc : memref<!tpu.dma_semaphore, #tpu.memory_space<semaphore_mem>>
        %dma_start3A_174 = arith.constant 0 : i32
        %dma_start3A_175 = tpu.memref_slice %arg7[%add3A_158, %dma_start3A_174] : memref<250x80xi32, #tpu.memory_space<vmem>> -> memref<1x80xi32, #tpu.memory_space<vmem>>
        %dma_start3A_176 = tpu.memref_squeeze %dma_start3A_175 : memref<1x80xi32, #tpu.memory_space<vmem>> -> memref<80xi32, #tpu.memory_space<vmem>>
        %dma_start3A_177 = arith.constant 0 : i32
        %dma_start3A_178 = arith.constant 0 : i32
        %dma_start3A_179 = tpu.memref_slice %arg18[%dma_start3A_177, %dma_start3A_178] : memref<10000x80xf32, #tpu.memory_space<vmem_shared>> -> memref<10000x80xf32, #tpu.memory_space<vmem_shared>>
        tpu.enqueue_indirect_dma source(%arg12 : memref<80x80xf32, #tpu.memory_space<vmem>>) target(%dma_start3A_179 : memref<10000x80xf32, #tpu.memory_space<vmem_shared>>) offsets(%dma_start3A_176 : memref<80xi32, #tpu.memory_space<vmem>>) semaphore(%run_scoped3A_173 : memref<!tpu.dma_semaphore, #tpu.memory_space<semaphore_mem>>) {add = true}
        %dma_wait3A_180 = arith.constant 0 : i32
        %dma_wait3A_181 = tpu.memref_slice %arg7[%add3A_158, %dma_wait3A_180] : memref<250x80xi32, #tpu.memory_space<vmem>> -> memref<1x80xi32, #tpu.memory_space<vmem>>
        %dma_wait3A_182 = tpu.memref_squeeze %dma_wait3A_181 : memref<1x80xi32, #tpu.memory_space<vmem>> -> memref<80xi32, #tpu.memory_space<vmem>>
        %dma_wait3A_183 = arith.constant 0 : i32
        %dma_wait3A_184 = arith.constant 0 : i32
        %dma_wait3A_185 = tpu.memref_slice %arg18[%dma_wait3A_183, %dma_wait3A_184] : memref<10000x80xf32, #tpu.memory_space<vmem_shared>> -> memref<10000x80xf32, #tpu.memory_space<vmem_shared>>
        tpu.wait_indirect_dma semaphore(%run_scoped3A_173 : memref<!tpu.dma_semaphore, #tpu.memory_space<semaphore_mem>>) src(%arg12 : memref<80x80xf32, #tpu.memory_space<vmem>>) dst(%dma_wait3A_185 : memref<10000x80xf32, #tpu.memory_space<vmem_shared>>)
        tpu.yield
      }) : () -> ()
      %add3A_165 = arith.constant 5 : i32
      %add3A_166 = arith.addi %add3A_158, %add3A_165 : i32
      %dma_start3A_167 = arith.constant 0 : i32
      %dma_start3A_168 = tpu.memref_slice %arg6[%add3A_166, %dma_start3A_167] : memref<250x80xi32, #tpu.memory_space<vmem>> -> memref<1x80xi32, #tpu.memory_space<vmem>>
      %dma_start3A_169 = tpu.memref_squeeze %dma_start3A_168 : memref<1x80xi32, #tpu.memory_space<vmem>> -> memref<80xi32, #tpu.memory_space<vmem>>
      %dma_start3A_170 = arith.constant 0 : i32
      %dma_start3A_171 = arith.constant 0 : i32
      %dma_start3A_172 = tpu.memref_slice %arg2[%dma_start3A_170, %dma_start3A_171] : memref<20000x80xf32, #tpu.memory_space<hbm>> -> memref<20000x80xf32, #tpu.memory_space<hbm>>
      tpu.enqueue_indirect_dma source(%dma_start3A_172 : memref<20000x80xf32, #tpu.memory_space<hbm>>) target(%arg12 : memref<80x80xf32, #tpu.memory_space<vmem>>) offsets(%dma_start3A_169 : memref<80xi32, #tpu.memory_space<vmem>>) semaphore(%arg17 : memref<!tpu.dma_semaphore, #tpu.memory_space<semaphore_mem>>)
    }
    %scan3A_47 = arith.constant 49 : i32
    %dma_wait3A = arith.constant 245 : i32
    %dma_wait3A_48 = arith.constant 0 : i32
    %dma_wait3A_49 = tpu.memref_slice %arg6[%dma_wait3A, %dma_wait3A_48] : memref<250x80xi32, #tpu.memory_space<vmem>> -> memref<1x80xi32, #tpu.memory_space<vmem>>
    %dma_wait3A_50 = tpu.memref_squeeze %dma_wait3A_49 : memref<1x80xi32, #tpu.memory_space<vmem>> -> memref<80xi32, #tpu.memory_space<vmem>>
    %dma_wait3A_51 = arith.constant 0 : i32
    %dma_wait3A_52 = arith.constant 0 : i32
    %dma_wait3A_53 = tpu.memref_slice %arg2[%dma_wait3A_51, %dma_wait3A_52] : memref<20000x80xf32, #tpu.memory_space<hbm>> -> memref<20000x80xf32, #tpu.memory_space<hbm>>
    tpu.wait_indirect_dma semaphore(%arg13 : memref<!tpu.dma_semaphore, #tpu.memory_space<semaphore_mem>>) src(%dma_wait3A_53 : memref<20000x80xf32, #tpu.memory_space<hbm>>) dst(%arg8 : memref<80x80xf32, #tpu.memory_space<vmem>>)
    %run_scoped3A = arith.constant 245 : i32
    "tpu.region"() ({
      %run_scoped3A_91 = tpu.sem_alloc : memref<!tpu.dma_semaphore, #tpu.memory_space<semaphore_mem>>
      %dma_start3A_92 = arith.constant 0 : i32
      %dma_start3A_93 = tpu.memref_slice %arg7[%run_scoped3A, %dma_start3A_92] : memref<250x80xi32, #tpu.memory_space<vmem>> -> memref<1x80xi32, #tpu.memory_space<vmem>>
      %dma_start3A_94 = tpu.memref_squeeze %dma_start3A_93 : memref<1x80xi32, #tpu.memory_space<vmem>> -> memref<80xi32, #tpu.memory_space<vmem>>
      %dma_start3A_95 = arith.constant 0 : i32
      %dma_start3A_96 = arith.constant 0 : i32
      %dma_start3A_97 = tpu.memref_slice %arg18[%dma_start3A_95, %dma_start3A_96] : memref<10000x80xf32, #tpu.memory_space<vmem_shared>> -> memref<10000x80xf32, #tpu.memory_space<vmem_shared>>
      tpu.enqueue_indirect_dma source(%arg8 : memref<80x80xf32, #tpu.memory_space<vmem>>) target(%dma_start3A_97 : memref<10000x80xf32, #tpu.memory_space<vmem_shared>>) offsets(%dma_start3A_94 : memref<80xi32, #tpu.memory_space<vmem>>) semaphore(%run_scoped3A_91 : memref<!tpu.dma_semaphore, #tpu.memory_space<semaphore_mem>>) {add = true}
      %dma_wait3A_98 = arith.constant 0 : i32
      %dma_wait3A_99 = tpu.memref_slice %arg7[%run_scoped3A, %dma_wait3A_98] : memref<250x80xi32, #tpu.memory_space<vmem>> -> memref<1x80xi32, #tpu.memory_space<vmem>>
      %dma_wait3A_100 = tpu.memref_squeeze %dma_wait3A_99 : memref<1x80xi32, #tpu.memory_space<vmem>> -> memref<80xi32, #tpu.memory_space<vmem>>
      %dma_wait3A_101 = arith.constant 0 : i32
      %dma_wait3A_102 = arith.constant 0 : i32
      %dma_wait3A_103 = tpu.memref_slice %arg18[%dma_wait3A_101, %dma_wait3A_102] : memref<10000x80xf32, #tpu.memory_space<vmem_shared>> -> memref<10000x80xf32, #tpu.memory_space<vmem_shared>>
      tpu.wait_indirect_dma semaphore(%run_scoped3A_91 : memref<!tpu.dma_semaphore, #tpu.memory_space<semaphore_mem>>) src(%arg8 : memref<80x80xf32, #tpu.memory_space<vmem>>) dst(%dma_wait3A_103 : memref<10000x80xf32, #tpu.memory_space<vmem_shared>>)
      tpu.yield
    }) : () -> ()
    %dma_wait3A_54 = arith.constant 246 : i32
    %dma_wait3A_55 = arith.constant 0 : i32
    %dma_wait3A_56 = tpu.memref_slice %arg6[%dma_wait3A_54, %dma_wait3A_55] : memref<250x80xi32, #tpu.memory_space<vmem>> -> memref<1x80xi32, #tpu.memory_space<vmem>>
    %dma_wait3A_57 = tpu.memref_squeeze %dma_wait3A_56 : memref<1x80xi32, #tpu.memory_space<vmem>> -> memref<80xi32, #tpu.memory_space<vmem>>
    %dma_wait3A_58 = arith.constant 0 : i32
    %dma_wait3A_59 = arith.constant 0 : i32
    %dma_wait3A_60 = tpu.memref_slice %arg2[%dma_wait3A_58, %dma_wait3A_59] : memref<20000x80xf32, #tpu.memory_space<hbm>> -> memref<20000x80xf32, #tpu.memory_space<hbm>>
    tpu.wait_indirect_dma semaphore(%arg14 : memref<!tpu.dma_semaphore, #tpu.memory_space<semaphore_mem>>) src(%dma_wait3A_60 : memref<20000x80xf32, #tpu.memory_space<hbm>>) dst(%arg9 : memref<80x80xf32, #tpu.memory_space<vmem>>)
    %run_scoped3A_61 = arith.constant 246 : i32
    "tpu.region"() ({
      %run_scoped3A_91 = tpu.sem_alloc : memref<!tpu.dma_semaphore, #tpu.memory_space<semaphore_mem>>
      %dma_start3A_92 = arith.constant 0 : i32
      %dma_start3A_93 = tpu.memref_slice %arg7[%run_scoped3A_61, %dma_start3A_92] : memref<250x80xi32, #tpu.memory_space<vmem>> -> memref<1x80xi32, #tpu.memory_space<vmem>>
      %dma_start3A_94 = tpu.memref_squeeze %dma_start3A_93 : memref<1x80xi32, #tpu.memory_space<vmem>> -> memref<80xi32, #tpu.memory_space<vmem>>
      %dma_start3A_95 = arith.constant 0 : i32
      %dma_start3A_96 = arith.constant 0 : i32
      %dma_start3A_97 = tpu.memref_slice %arg18[%dma_start3A_95, %dma_start3A_96] : memref<10000x80xf32, #tpu.memory_space<vmem_shared>> -> memref<10000x80xf32, #tpu.memory_space<vmem_shared>>
      tpu.enqueue_indirect_dma source(%arg9 : memref<80x80xf32, #tpu.memory_space<vmem>>) target(%dma_start3A_97 : memref<10000x80xf32, #tpu.memory_space<vmem_shared>>) offsets(%dma_start3A_94 : memref<80xi32, #tpu.memory_space<vmem>>) semaphore(%run_scoped3A_91 : memref<!tpu.dma_semaphore, #tpu.memory_space<semaphore_mem>>) {add = true}
      %dma_wait3A_98 = arith.constant 0 : i32
      %dma_wait3A_99 = tpu.memref_slice %arg7[%run_scoped3A_61, %dma_wait3A_98] : memref<250x80xi32, #tpu.memory_space<vmem>> -> memref<1x80xi32, #tpu.memory_space<vmem>>
      %dma_wait3A_100 = tpu.memref_squeeze %dma_wait3A_99 : memref<1x80xi32, #tpu.memory_space<vmem>> -> memref<80xi32, #tpu.memory_space<vmem>>
      %dma_wait3A_101 = arith.constant 0 : i32
      %dma_wait3A_102 = arith.constant 0 : i32
      %dma_wait3A_103 = tpu.memref_slice %arg18[%dma_wait3A_101, %dma_wait3A_102] : memref<10000x80xf32, #tpu.memory_space<vmem_shared>> -> memref<10000x80xf32, #tpu.memory_space<vmem_shared>>
      tpu.wait_indirect_dma semaphore(%run_scoped3A_91 : memref<!tpu.dma_semaphore, #tpu.memory_space<semaphore_mem>>) src(%arg9 : memref<80x80xf32, #tpu.memory_space<vmem>>) dst(%dma_wait3A_103 : memref<10000x80xf32, #tpu.memory_space<vmem_shared>>)
      tpu.yield
    }) : () -> ()
    %dma_wait3A_62 = arith.constant 247 : i32
    %dma_wait3A_63 = arith.constant 0 : i32
    %dma_wait3A_64 = tpu.memref_slice %arg6[%dma_wait3A_62, %dma_wait3A_63] : memref<250x80xi32, #tpu.memory_space<vmem>> -> memref<1x80xi32, #tpu.memory_space<vmem>>
    %dma_wait3A_65 = tpu.memref_squeeze %dma_wait3A_64 : memref<1x80xi32, #tpu.memory_space<vmem>> -> memref<80xi32, #tpu.memory_space<vmem>>
    %dma_wait3A_66 = arith.constant 0 : i32
    %dma_wait3A_67 = arith.constant 0 : i32
    %dma_wait3A_68 = tpu.memref_slice %arg2[%dma_wait3A_66, %dma_wait3A_67] : memref<20000x80xf32, #tpu.memory_space<hbm>> -> memref<20000x80xf32, #tpu.memory_space<hbm>>
    tpu.wait_indirect_dma semaphore(%arg15 : memref<!tpu.dma_semaphore, #tpu.memory_space<semaphore_mem>>) src(%dma_wait3A_68 : memref<20000x80xf32, #tpu.memory_space<hbm>>) dst(%arg10 : memref<80x80xf32, #tpu.memory_space<vmem>>)
    %run_scoped3A_69 = arith.constant 247 : i32
    "tpu.region"() ({
      %run_scoped3A_91 = tpu.sem_alloc : memref<!tpu.dma_semaphore, #tpu.memory_space<semaphore_mem>>
      %dma_start3A_92 = arith.constant 0 : i32
      %dma_start3A_93 = tpu.memref_slice %arg7[%run_scoped3A_69, %dma_start3A_92] : memref<250x80xi32, #tpu.memory_space<vmem>> -> memref<1x80xi32, #tpu.memory_space<vmem>>
      %dma_start3A_94 = tpu.memref_squeeze %dma_start3A_93 : memref<1x80xi32, #tpu.memory_space<vmem>> -> memref<80xi32, #tpu.memory_space<vmem>>
      %dma_start3A_95 = arith.constant 0 : i32
      %dma_start3A_96 = arith.constant 0 : i32
      %dma_start3A_97 = tpu.memref_slice %arg18[%dma_start3A_95, %dma_start3A_96] : memref<10000x80xf32, #tpu.memory_space<vmem_shared>> -> memref<10000x80xf32, #tpu.memory_space<vmem_shared>>
      tpu.enqueue_indirect_dma source(%arg10 : memref<80x80xf32, #tpu.memory_space<vmem>>) target(%dma_start3A_97 : memref<10000x80xf32, #tpu.memory_space<vmem_shared>>) offsets(%dma_start3A_94 : memref<80xi32, #tpu.memory_space<vmem>>) semaphore(%run_scoped3A_91 : memref<!tpu.dma_semaphore, #tpu.memory_space<semaphore_mem>>) {add = true}
      %dma_wait3A_98 = arith.constant 0 : i32
      %dma_wait3A_99 = tpu.memref_slice %arg7[%run_scoped3A_69, %dma_wait3A_98] : memref<250x80xi32, #tpu.memory_space<vmem>> -> memref<1x80xi32, #tpu.memory_space<vmem>>
      %dma_wait3A_100 = tpu.memref_squeeze %dma_wait3A_99 : memref<1x80xi32, #tpu.memory_space<vmem>> -> memref<80xi32, #tpu.memory_space<vmem>>
      %dma_wait3A_101 = arith.constant 0 : i32
      %dma_wait3A_102 = arith.constant 0 : i32
      %dma_wait3A_103 = tpu.memref_slice %arg18[%dma_wait3A_101, %dma_wait3A_102] : memref<10000x80xf32, #tpu.memory_space<vmem_shared>> -> memref<10000x80xf32, #tpu.memory_space<vmem_shared>>
      tpu.wait_indirect_dma semaphore(%run_scoped3A_91 : memref<!tpu.dma_semaphore, #tpu.memory_space<semaphore_mem>>) src(%arg10 : memref<80x80xf32, #tpu.memory_space<vmem>>) dst(%dma_wait3A_103 : memref<10000x80xf32, #tpu.memory_space<vmem_shared>>)
      tpu.yield
    }) : () -> ()
    %dma_wait3A_70 = arith.constant 248 : i32
    %dma_wait3A_71 = arith.constant 0 : i32
    %dma_wait3A_72 = tpu.memref_slice %arg6[%dma_wait3A_70, %dma_wait3A_71] : memref<250x80xi32, #tpu.memory_space<vmem>> -> memref<1x80xi32, #tpu.memory_space<vmem>>
    %dma_wait3A_73 = tpu.memref_squeeze %dma_wait3A_72 : memref<1x80xi32, #tpu.memory_space<vmem>> -> memref<80xi32, #tpu.memory_space<vmem>>
    %dma_wait3A_74 = arith.constant 0 : i32
    %dma_wait3A_75 = arith.constant 0 : i32
    %dma_wait3A_76 = tpu.memref_slice %arg2[%dma_wait3A_74, %dma_wait3A_75] : memref<20000x80xf32, #tpu.memory_space<hbm>> -> memref<20000x80xf32, #tpu.memory_space<hbm>>
    tpu.wait_indirect_dma semaphore(%arg16 : memref<!tpu.dma_semaphore, #tpu.memory_space<semaphore_mem>>) src(%dma_wait3A_76 : memref<20000x80xf32, #tpu.memory_space<hbm>>) dst(%arg11 : memref<80x80xf32, #tpu.memory_space<vmem>>)
    %run_scoped3A_77 = arith.constant 248 : i32
    "tpu.region"() ({
      %run_scoped3A_91 = tpu.sem_alloc : memref<!tpu.dma_semaphore, #tpu.memory_space<semaphore_mem>>
      %dma_start3A_92 = arith.constant 0 : i32
      %dma_start3A_93 = tpu.memref_slice %arg7[%run_scoped3A_77, %dma_start3A_92] : memref<250x80xi32, #tpu.memory_space<vmem>> -> memref<1x80xi32, #tpu.memory_space<vmem>>
      %dma_start3A_94 = tpu.memref_squeeze %dma_start3A_93 : memref<1x80xi32, #tpu.memory_space<vmem>> -> memref<80xi32, #tpu.memory_space<vmem>>
      %dma_start3A_95 = arith.constant 0 : i32
      %dma_start3A_96 = arith.constant 0 : i32
      %dma_start3A_97 = tpu.memref_slice %arg18[%dma_start3A_95, %dma_start3A_96] : memref<10000x80xf32, #tpu.memory_space<vmem_shared>> -> memref<10000x80xf32, #tpu.memory_space<vmem_shared>>
      tpu.enqueue_indirect_dma source(%arg11 : memref<80x80xf32, #tpu.memory_space<vmem>>) target(%dma_start3A_97 : memref<10000x80xf32, #tpu.memory_space<vmem_shared>>) offsets(%dma_start3A_94 : memref<80xi32, #tpu.memory_space<vmem>>) semaphore(%run_scoped3A_91 : memref<!tpu.dma_semaphore, #tpu.memory_space<semaphore_mem>>) {add = true}
      %dma_wait3A_98 = arith.constant 0 : i32
      %dma_wait3A_99 = tpu.memref_slice %arg7[%run_scoped3A_77, %dma_wait3A_98] : memref<250x80xi32, #tpu.memory_space<vmem>> -> memref<1x80xi32, #tpu.memory_space<vmem>>
      %dma_wait3A_100 = tpu.memref_squeeze %dma_wait3A_99 : memref<1x80xi32, #tpu.memory_space<vmem>> -> memref<80xi32, #tpu.memory_space<vmem>>
      %dma_wait3A_101 = arith.constant 0 : i32
      %dma_wait3A_102 = arith.constant 0 : i32
      %dma_wait3A_103 = tpu.memref_slice %arg18[%dma_wait3A_101, %dma_wait3A_102] : memref<10000x80xf32, #tpu.memory_space<vmem_shared>> -> memref<10000x80xf32, #tpu.memory_space<vmem_shared>>
      tpu.wait_indirect_dma semaphore(%run_scoped3A_91 : memref<!tpu.dma_semaphore, #tpu.memory_space<semaphore_mem>>) src(%arg11 : memref<80x80xf32, #tpu.memory_space<vmem>>) dst(%dma_wait3A_103 : memref<10000x80xf32, #tpu.memory_space<vmem_shared>>)
      tpu.yield
    }) : () -> ()
    %dma_wait3A_78 = arith.constant 249 : i32
    %dma_wait3A_79 = arith.constant 0 : i32
    %dma_wait3A_80 = tpu.memref_slice %arg6[%dma_wait3A_78, %dma_wait3A_79] : memref<250x80xi32, #tpu.memory_space<vmem>> -> memref<1x80xi32, #tpu.memory_space<vmem>>
    %dma_wait3A_81 = tpu.memref_squeeze %dma_wait3A_80 : memref<1x80xi32, #tpu.memory_space<vmem>> -> memref<80xi32, #tpu.memory_space<vmem>>
    %dma_wait3A_82 = arith.constant 0 : i32
    %dma_wait3A_83 = arith.constant 0 : i32
    %dma_wait3A_84 = tpu.memref_slice %arg2[%dma_wait3A_82, %dma_wait3A_83] : memref<20000x80xf32, #tpu.memory_space<hbm>> -> memref<20000x80xf32, #tpu.memory_space<hbm>>
    tpu.wait_indirect_dma semaphore(%arg17 : memref<!tpu.dma_semaphore, #tpu.memory_space<semaphore_mem>>) src(%dma_wait3A_84 : memref<20000x80xf32, #tpu.memory_space<hbm>>) dst(%arg12 : memref<80x80xf32, #tpu.memory_space<vmem>>)
    %run_scoped3A_85 = arith.constant 249 : i32
    "tpu.region"() ({
      %run_scoped3A_91 = tpu.sem_alloc : memref<!tpu.dma_semaphore, #tpu.memory_space<semaphore_mem>>
      %dma_start3A_92 = arith.constant 0 : i32
      %dma_start3A_93 = tpu.memref_slice %arg7[%run_scoped3A_85, %dma_start3A_92] : memref<250x80xi32, #tpu.memory_space<vmem>> -> memref<1x80xi32, #tpu.memory_space<vmem>>
      %dma_start3A_94 = tpu.memref_squeeze %dma_start3A_93 : memref<1x80xi32, #tpu.memory_space<vmem>> -> memref<80xi32, #tpu.memory_space<vmem>>
      %dma_start3A_95 = arith.constant 0 : i32
      %dma_start3A_96 = arith.constant 0 : i32
      %dma_start3A_97 = tpu.memref_slice %arg18[%dma_start3A_95, %dma_start3A_96] : memref<10000x80xf32, #tpu.memory_space<vmem_shared>> -> memref<10000x80xf32, #tpu.memory_space<vmem_shared>>
      tpu.enqueue_indirect_dma source(%arg12 : memref<80x80xf32, #tpu.memory_space<vmem>>) target(%dma_start3A_97 : memref<10000x80xf32, #tpu.memory_space<vmem_shared>>) offsets(%dma_start3A_94 : memref<80xi32, #tpu.memory_space<vmem>>) semaphore(%run_scoped3A_91 : memref<!tpu.dma_semaphore, #tpu.memory_space<semaphore_mem>>) {add = true}
      %dma_wait3A_98 = arith.constant 0 : i32
      %dma_wait3A_99 = tpu.memref_slice %arg7[%run_scoped3A_85, %dma_wait3A_98] : memref<250x80xi32, #tpu.memory_space<vmem>> -> memref<1x80xi32, #tpu.memory_space<vmem>>
      %dma_wait3A_100 = tpu.memref_squeeze %dma_wait3A_99 : memref<1x80xi32, #tpu.memory_space<vmem>> -> memref<80xi32, #tpu.memory_space<vmem>>
      %dma_wait3A_101 = arith.constant 0 : i32
      %dma_wait3A_102 = arith.constant 0 : i32
      %dma_wait3A_103 = tpu.memref_slice %arg18[%dma_wait3A_101, %dma_wait3A_102] : memref<10000x80xf32, #tpu.memory_space<vmem_shared>> -> memref<10000x80xf32, #tpu.memory_space<vmem_shared>>
      tpu.wait_indirect_dma semaphore(%run_scoped3A_91 : memref<!tpu.dma_semaphore, #tpu.memory_space<semaphore_mem>>) src(%arg12 : memref<80x80xf32, #tpu.memory_space<vmem>>) dst(%dma_wait3A_103 : memref<10000x80xf32, #tpu.memory_space<vmem_shared>>)
      tpu.yield
    }) : () -> ()
    %barrier3A_86 = arith.constant 0 : index
    tpu.barrier barrier_id(%barrier3A_86)
    %mul3A_87 = arith.constant 625 : i32
    %mul3A_88 = arith.muli %arg1, %mul3A_87 : i32
    %mul3A_89 = arith.constant 625 : i32
    %mul3A_90 = arith.muli %arg1, %mul3A_89 : i32
    "tpu.region"() ({
      %run_scoped3A_91 = tpu.sem_alloc : memref<!tpu.dma_semaphore, #tpu.memory_space<semaphore_mem>>
      %dma_start3A_92 = arith.constant 0 : i32
      %dma_start3A_93 = arith.constant 0 : i32
      %dma_start3A_94 = tpu.memref_slice %arg5[%arg0, %dma_start3A_92, %dma_start3A_93] : memref<2x10000x80xf32, #tpu.memory_space<hbm>> -> memref<1x10000x80xf32, #tpu.memory_space<hbm>>
      %dma_start3A_95 = tpu.memref_squeeze %dma_start3A_94 : memref<1x10000x80xf32, #tpu.memory_space<hbm>> -> memref<10000x80xf32, #tpu.memory_space<hbm>>
      %dma_start3A_96 = arith.constant 0 : i32
      %dma_start3A_97 = tpu.memref_slice %dma_start3A_95[%mul3A_90, %dma_start3A_96] : memref<10000x80xf32, #tpu.memory_space<hbm>> -> memref<625x80xf32, #tpu.memory_space<hbm>>
      %dma_start3A_98 = arith.constant 0 : i32
      %dma_start3A_99 = tpu.memref_slice %arg18[%mul3A_88, %dma_start3A_98] : memref<10000x80xf32, #tpu.memory_space<vmem_shared>> -> memref<625x80xf32, #tpu.memory_space<vmem_shared>>
      tpu.enqueue_dma source(%dma_start3A_99 : memref<625x80xf32, #tpu.memory_space<vmem_shared>>) target(%dma_start3A_97 : memref<625x80xf32, #tpu.memory_space<hbm>>) target_semaphore(%run_scoped3A_91 : memref<!tpu.dma_semaphore, #tpu.memory_space<semaphore_mem>>)
      %dma_wait3A_100 = arith.constant 0 : i32
      %dma_wait3A_101 = arith.constant 0 : i32
      %dma_wait3A_102 = tpu.memref_slice %arg5[%arg0, %dma_wait3A_100, %dma_wait3A_101] : memref<2x10000x80xf32, #tpu.memory_space<hbm>> -> memref<1x10000x80xf32, #tpu.memory_space<hbm>>
      %dma_wait3A_103 = tpu.memref_squeeze %dma_wait3A_102 : memref<1x10000x80xf32, #tpu.memory_space<hbm>> -> memref<10000x80xf32, #tpu.memory_space<hbm>>
      %dma_wait3A_104 = arith.constant 0 : i32
      %dma_wait3A_105 = tpu.memref_slice %dma_wait3A_103[%mul3A_90, %dma_wait3A_104] : memref<10000x80xf32, #tpu.memory_space<hbm>> -> memref<625x80xf32, #tpu.memory_space<hbm>>
      %dma_wait3A_106 = arith.constant 0 : i32
      %dma_wait3A_107 = tpu.memref_slice %arg18[%mul3A_88, %dma_wait3A_106] : memref<10000x80xf32, #tpu.memory_space<vmem_shared>> -> memref<625x80xf32, #tpu.memory_space<vmem_shared>>
      tpu.wait_dma2 semaphore(%run_scoped3A_91 : memref<!tpu.dma_semaphore, #tpu.memory_space<semaphore_mem>>) src(%dma_wait3A_107 : memref<625x80xf32, #tpu.memory_space<vmem_shared>>) dst(%dma_wait3A_105 : memref<625x80xf32, #tpu.memory_space<hbm>>)
      tpu.yield
    }) : () -> ()
    return
  }
}

module attributes {stable_mosaic.version = 14 : i64} {
  func.func @body(%arg0: memref<10000x128xf32, #tpu.memory_space<vmem>>, %arg1: memref<128x128xf32, #tpu.memory_space<vmem>>, %arg2: memref<128xf32, #tpu.memory_space<vmem>>, %arg3: memref<128x128xf32, #tpu.memory_space<vmem>>, %arg4: memref<20000x80xf32, #tpu.memory_space<vmem>>, %arg5: memref<10000x128xf32, #tpu.memory_space<vmem>>) attributes {dimension_semantics = [], scalar_prefetch = 0 : i64, scratch_operands = 0 : i64, tpu.core_type = #tpu.core_type<tc>} {
    %get3A = arith.constant 0 : index
    %get3A_0 = arith.constant 0 : index
    %get3A_1 = vector.load %arg0[%get3A, %get3A_0] : memref<10000x128xf32, #tpu.memory_space<vmem>>, vector<10000x128xf32>
    %get3A_2 = arith.constant 0 : index
    %get3A_3 = arith.constant 0 : index
    %get3A_4 = vector.load %arg1[%get3A_2, %get3A_3] : memref<128x128xf32, #tpu.memory_space<vmem>>, vector<128x128xf32>
    %dot_general3A = arith.constant dense<0.000000e+00> : vector<10000x128xf32>
    %dot_general3A_5 = tpu.matmul %get3A_1, %get3A_4, %dot_general3A {dimension_numbers = #tpu.dot_dimension_numbers<[1], [1], [0], [0], [0, 0, 1, 0], [], []>, transpose_lhs_hint = false} : vector<10000x128xf32>, vector<128x128xf32>, vector<10000x128xf32> -> vector<10000x128xf32>
    %slice3A = vector.extract_strided_slice %dot_general3A_5 {offsets = [0, 0], sizes = [10000, 80], strides = [1, 1]} : vector<10000x128xf32> to vector<10000x80xf32>
    %swap3A = arith.constant 0 : index
    %swap3A_6 = arith.constant 0 : index
    %swap3A_7 = vector.load %arg4[%swap3A, %swap3A_6] : memref<20000x80xf32, #tpu.memory_space<vmem>>, vector<10000x80xf32>
    tpu.vector_store %arg4[%swap3A, %swap3A_6], %slice3A {strides = array<i32>} : memref<20000x80xf32, #tpu.memory_space<vmem>>, vector<10000x80xf32>,
    %slice3A_8 = vector.extract_strided_slice %dot_general3A_5 {offsets = [0, 80], sizes = [10000, 48], strides = [1, 1]} : vector<10000x128xf32> to vector<10000x48xf32>
    %swap3A_9 = arith.constant 10000 : index
    %swap3A_10 = arith.constant 0 : index
    %swap3A_11 = vector.load %arg4[%swap3A_9, %swap3A_10] : memref<20000x80xf32, #tpu.memory_space<vmem>>, vector<10000x48xf32>
    tpu.vector_store %arg4[%swap3A_9, %swap3A_10], %slice3A_8 {strides = array<i32>} : memref<20000x80xf32, #tpu.memory_space<vmem>>, vector<10000x48xf32>,
    %iota3A = tpu.iota {dimensions = array<i32: 1>} : vector<10000x32xi32>
    %eq3A = arith.constant 0 : i32
    %eq3A_12 = vector.broadcast %eq3A : i32 to vector<10000x32xi32>
    %eq3A_13 = arith.cmpi eq, %iota3A, %eq3A_12 : vector<10000x32xi32>
    %jit3A = arith.constant 1.000000e+00 : f32
    %jit3A_14 = arith.constant 0.000000e+00 : f32
    %broadcast_in_dim3A = vector.broadcast %jit3A : f32 to vector<10000x32xf32>
    %broadcast_in_dim3A_15 = vector.broadcast %jit3A_14 : f32 to vector<10000x32xf32>
    %select_n3A = arith.select %eq3A_13, %broadcast_in_dim3A, %broadcast_in_dim3A_15 : vector<10000x32xi1>, vector<10000x32xf32>
    %swap3A_16 = arith.constant 10000 : index
    %swap3A_17 = arith.constant 48 : index
    %swap3A_18 = vector.load %arg4[%swap3A_16, %swap3A_17] : memref<20000x80xf32, #tpu.memory_space<vmem>>, vector<10000x32xf32>
    tpu.vector_store %arg4[%swap3A_16, %swap3A_17], %select_n3A {strides = array<i32>} : memref<20000x80xf32, #tpu.memory_space<vmem>>, vector<10000x32xf32>,
    %get3A_19 = arith.constant 0 : index
    %get3A_20 = arith.constant 0 : index
    %get3A_21 = vector.load %arg3[%get3A_19, %get3A_20] : memref<128x128xf32, #tpu.memory_space<vmem>>, vector<128x128xf32>
    %dot_general3A_22 = arith.constant dense<0.000000e+00> : vector<10000x128xf32>
    %dot_general3A_23 = tpu.matmul %get3A_1, %get3A_21, %dot_general3A_22 {dimension_numbers = #tpu.dot_dimension_numbers<[1], [1], [0], [0], [0, 0, 1, 0], [], []>, transpose_lhs_hint = false} : vector<10000x128xf32>, vector<128x128xf32>, vector<10000x128xf32> -> vector<10000x128xf32>
    %get3A_24 = arith.constant 0 : index
    %get3A_25 = vector.load %arg2[%get3A_24] : memref<128xf32, #tpu.memory_space<vmem>>, vector<128xf32>
    %broadcast_in_dim3A_26 = vector.shape_cast %get3A_25 : vector<128xf32> to vector<1x128xf32>
    %add3A = vector.broadcast %broadcast_in_dim3A_26 : vector<1x128xf32> to vector<10000x128xf32>
    %add3A_27 = arith.addf %dot_general3A_23, %add3A : vector<10000x128xf32>
    %swap3A_28 = arith.constant 0 : index
    %swap3A_29 = arith.constant 0 : index
    %swap3A_30 = vector.load %arg5[%swap3A_28, %swap3A_29] : memref<10000x128xf32, #tpu.memory_space<vmem>>, vector<10000x128xf32>
    tpu.vector_store %arg5[%swap3A_28, %swap3A_29], %add3A_27 {strides = array<i32>} : memref<10000x128xf32, #tpu.memory_space<vmem>>, vector<10000x128xf32>,
    return
  }
}

module attributes {stable_mosaic.version = 14 : i64} {
  func.func @body(%arg0: memref<2x10000x80xf32, #tpu.memory_space<vmem>>, %arg1: memref<10000x128xf32, #tpu.memory_space<vmem>>, %arg2: memref<128x128xf32, #tpu.memory_space<vmem>>, %arg3: memref<128xf32, #tpu.memory_space<vmem>>, %arg4: memref<128x128xf32, #tpu.memory_space<vmem>>, %arg5: memref<20000x64xf32, #tpu.memory_space<vmem>>, %arg6: memref<10000x128xf32, #tpu.memory_space<vmem>>, %arg7: memref<10000x1xf32, #tpu.memory_space<vmem>>) attributes {dimension_semantics = [], scalar_prefetch = 0 : i64, scratch_operands = 0 : i64, tpu.core_type = #tpu.core_type<tc>} {
    %get3A = arith.constant 1 : index
    %get3A_0 = arith.constant 0 : index
    %get3A_1 = arith.constant 48 : index
    %get3A_2 = vector.load %arg0[%get3A, %get3A_0, %get3A_1] : memref<2x10000x80xf32, #tpu.memory_space<vmem>>, vector<1x10000x1xf32>
    %get3A_3 = vector.shape_cast %get3A_2 : vector<1x10000x1xf32> to vector<10000x1xf32>
    %max3A = arith.constant 1.000000e+00 : f32
    %max3A_4 = vector.broadcast %max3A : f32 to vector<10000x1xf32>
    %max3A_5 = arith.maximumf %get3A_3, %max3A_4 : vector<10000x1xf32>
    %div3A = arith.constant 1.000000e+00 : f32
    %div3A_6 = vector.broadcast %div3A : f32 to vector<10000x1xf32>
    %div3A_7 = arith.divf %div3A_6, %max3A_5 : vector<10000x1xf32>
    %get3A_8 = arith.constant 0 : index
    %get3A_9 = arith.constant 0 : index
    %get3A_10 = arith.constant 0 : index
    %get3A_11 = vector.load %arg0[%get3A_8, %get3A_9, %get3A_10] : memref<2x10000x80xf32, #tpu.memory_space<vmem>>, vector<1x10000x80xf32>
    %get3A_12 = vector.shape_cast %get3A_11 : vector<1x10000x80xf32> to vector<10000x80xf32>
    %get3A_13 = arith.constant 1 : index
    %get3A_14 = arith.constant 0 : index
    %get3A_15 = arith.constant 0 : index
    %get3A_16 = vector.load %arg0[%get3A_13, %get3A_14, %get3A_15] : memref<2x10000x80xf32, #tpu.memory_space<vmem>>, vector<1x10000x48xf32>
    %get3A_17 = vector.shape_cast %get3A_16 : vector<1x10000x48xf32> to vector<10000x48xf32>
    %concatenate3A = tpu.concatenate %get3A_12, %get3A_17 in 1 : vector<10000x80xf32>, vector<10000x48xf32> -> vector<10000x128xf32>
    %mul3A = vector.broadcast %div3A_7 : vector<10000x1xf32> to vector<10000x128xf32>
    %mul3A_18 = arith.mulf %concatenate3A, %mul3A : vector<10000x128xf32>
    %get3A_19 = arith.constant 0 : index
    %get3A_20 = arith.constant 0 : index
    %get3A_21 = vector.load %arg1[%get3A_19, %get3A_20] : memref<10000x128xf32, #tpu.memory_space<vmem>>, vector<10000x128xf32>
    %add3A = arith.addf %mul3A_18, %get3A_21 : vector<10000x128xf32>
    %max3A_22 = arith.constant 0.000000e+00 : f32
    %max3A_23 = vector.broadcast %max3A_22 : f32 to vector<10000x128xf32>
    %max3A_24 = arith.maximumf %add3A, %max3A_23 : vector<10000x128xf32>
    %get3A_25 = arith.constant 0 : index
    %get3A_26 = arith.constant 0 : index
    %get3A_27 = vector.load %arg2[%get3A_25, %get3A_26] : memref<128x128xf32, #tpu.memory_space<vmem>>, vector<128x128xf32>
    %dot_general3A = arith.constant dense<0.000000e+00> : vector<10000x128xf32>
    %dot_general3A_28 = tpu.matmul %max3A_24, %get3A_27, %dot_general3A {dimension_numbers = #tpu.dot_dimension_numbers<[1], [1], [0], [0], [0, 0, 1, 0], [], []>, transpose_lhs_hint = false} : vector<10000x128xf32>, vector<128x128xf32>, vector<10000x128xf32> -> vector<10000x128xf32>
    %slice3A = vector.extract_strided_slice %dot_general3A_28 {offsets = [0, 0], sizes = [10000, 64], strides = [1, 1]} : vector<10000x128xf32> to vector<10000x64xf32>
    %swap3A = arith.constant 0 : index
    %swap3A_29 = arith.constant 0 : index
    %swap3A_30 = vector.load %arg5[%swap3A, %swap3A_29] : memref<20000x64xf32, #tpu.memory_space<vmem>>, vector<10000x64xf32>
    tpu.vector_store %arg5[%swap3A, %swap3A_29], %slice3A {strides = array<i32>} : memref<20000x64xf32, #tpu.memory_space<vmem>>, vector<10000x64xf32>,
    %slice3A_31 = vector.extract_strided_slice %dot_general3A_28 {offsets = [0, 64], sizes = [10000, 64], strides = [1, 1]} : vector<10000x128xf32> to vector<10000x64xf32>
    %swap3A_32 = arith.constant 10000 : index
    %swap3A_33 = arith.constant 0 : index
    %swap3A_34 = vector.load %arg5[%swap3A_32, %swap3A_33] : memref<20000x64xf32, #tpu.memory_space<vmem>>, vector<10000x64xf32>
    tpu.vector_store %arg5[%swap3A_32, %swap3A_33], %slice3A_31 {strides = array<i32>} : memref<20000x64xf32, #tpu.memory_space<vmem>>, vector<10000x64xf32>,
    %get3A_35 = arith.constant 0 : index
    %get3A_36 = arith.constant 0 : index
    %get3A_37 = vector.load %arg4[%get3A_35, %get3A_36] : memref<128x128xf32, #tpu.memory_space<vmem>>, vector<128x128xf32>
    %dot_general3A_38 = arith.constant dense<0.000000e+00> : vector<10000x128xf32>
    %dot_general3A_39 = tpu.matmul %max3A_24, %get3A_37, %dot_general3A_38 {dimension_numbers = #tpu.dot_dimension_numbers<[1], [1], [0], [0], [0, 0, 1, 0], [], []>, transpose_lhs_hint = false} : vector<10000x128xf32>, vector<128x128xf32>, vector<10000x128xf32> -> vector<10000x128xf32>
    %get3A_40 = arith.constant 0 : index
    %get3A_41 = vector.load %arg3[%get3A_40] : memref<128xf32, #tpu.memory_space<vmem>>, vector<128xf32>
    %broadcast_in_dim3A = vector.shape_cast %get3A_41 : vector<128xf32> to vector<1x128xf32>
    %add3A_42 = vector.broadcast %broadcast_in_dim3A : vector<1x128xf32> to vector<10000x128xf32>
    %add3A_43 = arith.addf %dot_general3A_39, %add3A_42 : vector<10000x128xf32>
    %swap3A_44 = arith.constant 0 : index
    %swap3A_45 = arith.constant 0 : index
    %swap3A_46 = vector.load %arg6[%swap3A_44, %swap3A_45] : memref<10000x128xf32, #tpu.memory_space<vmem>>, vector<10000x128xf32>
    tpu.vector_store %arg6[%swap3A_44, %swap3A_45], %add3A_43 {strides = array<i32>} : memref<10000x128xf32, #tpu.memory_space<vmem>>, vector<10000x128xf32>,
    %swap3A_47 = arith.constant 0 : index
    %swap3A_48 = arith.constant 0 : index
    %swap3A_49 = vector.load %arg7[%swap3A_47, %swap3A_48] : memref<10000x1xf32, #tpu.memory_space<vmem>>, vector<10000x1xf32>
    tpu.vector_store %arg7[%swap3A_47, %swap3A_48], %div3A_7 {strides = array<i32>} : memref<10000x1xf32, #tpu.memory_space<vmem>>, vector<10000x1xf32>,
    return
  }
}

module attributes {stable_mosaic.version = 14 : i64} {
  func.func @body(%arg0: memref<2x10000x64xf32, #tpu.memory_space<vmem>>, %arg1: memref<10000x1xf32, #tpu.memory_space<vmem>>, %arg2: memref<10000x128xf32, #tpu.memory_space<vmem>>, %arg3: memref<40x128xf32, #tpu.memory_space<vmem>>, %arg4: memref<40xf32, #tpu.memory_space<vmem>>, %arg5: memref<40x128xf32, #tpu.memory_space<vmem>>, %arg6: memref<10000x48xf32, #tpu.memory_space<vmem>>, %arg7: memref<10000x40xf32, #tpu.memory_space<vmem>>) attributes {dimension_semantics = [], scalar_prefetch = 0 : i64, scratch_operands = 0 : i64, tpu.core_type = #tpu.core_type<tc>} {
    %get3A = arith.constant 0 : index
    %get3A_0 = arith.constant 0 : index
    %get3A_1 = arith.constant 0 : index
    %get3A_2 = vector.load %arg0[%get3A, %get3A_0, %get3A_1] : memref<2x10000x64xf32, #tpu.memory_space<vmem>>, vector<1x10000x64xf32>
    %get3A_3 = vector.shape_cast %get3A_2 : vector<1x10000x64xf32> to vector<10000x64xf32>
    %get3A_4 = arith.constant 1 : index
    %get3A_5 = arith.constant 0 : index
    %get3A_6 = arith.constant 0 : index
    %get3A_7 = vector.load %arg0[%get3A_4, %get3A_5, %get3A_6] : memref<2x10000x64xf32, #tpu.memory_space<vmem>>, vector<1x10000x64xf32>
    %get3A_8 = vector.shape_cast %get3A_7 : vector<1x10000x64xf32> to vector<10000x64xf32>
    %concatenate3A = tpu.concatenate %get3A_3, %get3A_8 in 1 : vector<10000x64xf32>, vector<10000x64xf32> -> vector<10000x128xf32>
    %get3A_9 = arith.constant 0 : index
    %get3A_10 = arith.constant 0 : index
    %get3A_11 = vector.load %arg1[%get3A_9, %get3A_10] : memref<10000x1xf32, #tpu.memory_space<vmem>>, vector<10000x1xf32>
    %mul3A = vector.broadcast %get3A_11 : vector<10000x1xf32> to vector<10000x128xf32>
    %mul3A_12 = arith.mulf %concatenate3A, %mul3A : vector<10000x128xf32>
    %get3A_13 = arith.constant 0 : index
    %get3A_14 = arith.constant 0 : index
    %get3A_15 = vector.load %arg2[%get3A_13, %get3A_14] : memref<10000x128xf32, #tpu.memory_space<vmem>>, vector<10000x128xf32>
    %add3A = arith.addf %mul3A_12, %get3A_15 : vector<10000x128xf32>
    %max3A = arith.constant 0.000000e+00 : f32
    %max3A_16 = vector.broadcast %max3A : f32 to vector<10000x128xf32>
    %max3A_17 = arith.maximumf %add3A, %max3A_16 : vector<10000x128xf32>
    %get3A_18 = arith.constant 0 : index
    %get3A_19 = arith.constant 0 : index
    %get3A_20 = vector.load %arg3[%get3A_18, %get3A_19] : memref<40x128xf32, #tpu.memory_space<vmem>>, vector<40x128xf32>
    %dot_general3A = arith.constant dense<0.000000e+00> : vector<10000x40xf32>
    %dot_general3A_21 = tpu.matmul %max3A_17, %get3A_20, %dot_general3A {dimension_numbers = #tpu.dot_dimension_numbers<[1], [1], [0], [0], [0, 0, 1, 0], [], []>, transpose_lhs_hint = false} : vector<10000x128xf32>, vector<40x128xf32>, vector<10000x40xf32> -> vector<10000x40xf32>
    %swap3A = arith.constant 0 : index
    %swap3A_22 = arith.constant 0 : index
    %swap3A_23 = vector.load %arg6[%swap3A, %swap3A_22] : memref<10000x48xf32, #tpu.memory_space<vmem>>, vector<10000x40xf32>
    tpu.vector_store %arg6[%swap3A, %swap3A_22], %dot_general3A_21 {strides = array<i32>} : memref<10000x48xf32, #tpu.memory_space<vmem>>, vector<10000x40xf32>,
    %broadcast_in_dim3A = arith.constant 0.000000e+00 : f32
    %broadcast_in_dim3A_24 = vector.broadcast %broadcast_in_dim3A : f32 to vector<10000x8xf32>
    %swap3A_25 = arith.constant 0 : index
    %swap3A_26 = arith.constant 40 : index
    %swap3A_27 = vector.load %arg6[%swap3A_25, %swap3A_26] : memref<10000x48xf32, #tpu.memory_space<vmem>>, vector<10000x8xf32>
    tpu.vector_store %arg6[%swap3A_25, %swap3A_26], %broadcast_in_dim3A_24 {strides = array<i32>} : memref<10000x48xf32, #tpu.memory_space<vmem>>, vector<10000x8xf32>,
    %get3A_28 = arith.constant 0 : index
    %get3A_29 = arith.constant 0 : index
    %get3A_30 = vector.load %arg5[%get3A_28, %get3A_29] : memref<40x128xf32, #tpu.memory_space<vmem>>, vector<40x128xf32>
    %dot_general3A_31 = arith.constant dense<0.000000e+00> : vector<10000x40xf32>
    %dot_general3A_32 = tpu.matmul %max3A_17, %get3A_30, %dot_general3A_31 {dimension_numbers = #tpu.dot_dimension_numbers<[1], [1], [0], [0], [0, 0, 1, 0], [], []>, transpose_lhs_hint = false} : vector<10000x128xf32>, vector<40x128xf32>, vector<10000x40xf32> -> vector<10000x40xf32>
    %get3A_33 = arith.constant 0 : index
    %get3A_34 = vector.load %arg4[%get3A_33] : memref<40xf32, #tpu.memory_space<vmem>>, vector<40xf32>
    %broadcast_in_dim3A_35 = vector.shape_cast %get3A_34 : vector<40xf32> to vector<1x40xf32>
    %add3A_36 = vector.broadcast %broadcast_in_dim3A_35 : vector<1x40xf32> to vector<10000x40xf32>
    %add3A_37 = arith.addf %dot_general3A_32, %add3A_36 : vector<10000x40xf32>
    %swap3A_38 = arith.constant 0 : index
    %swap3A_39 = arith.constant 0 : index
    %swap3A_40 = vector.load %arg7[%swap3A_38, %swap3A_39] : memref<10000x40xf32, #tpu.memory_space<vmem>>, vector<10000x40xf32>
    tpu.vector_store %arg7[%swap3A_38, %swap3A_39], %add3A_37 {strides = array<i32>} : memref<10000x40xf32, #tpu.memory_space<vmem>>, vector<10000x40xf32>,
    return
  }
}

module attributes {stable_mosaic.version = 14 : i64} {
  func.func @body(%arg0: memref<2x10000x48xf32, #tpu.memory_space<vmem>>, %arg1: memref<10000x1xf32, #tpu.memory_space<vmem>>, %arg2: memref<10000x40xf32, #tpu.memory_space<vmem>>, %arg3: memref<10000x40xf32, #tpu.memory_space<vmem>>) attributes {dimension_semantics = [], scalar_prefetch = 0 : i64, scratch_operands = 0 : i64, tpu.core_type = #tpu.core_type<tc>} {
    %get3A = arith.constant 0 : index
    %get3A_0 = arith.constant 0 : index
    %get3A_1 = arith.constant 0 : index
    %get3A_2 = vector.load %arg0[%get3A, %get3A_0, %get3A_1] : memref<2x10000x48xf32, #tpu.memory_space<vmem>>, vector<1x10000x48xf32>
    %get3A_3 = vector.shape_cast %get3A_2 : vector<1x10000x48xf32> to vector<10000x48xf32>
    %get3A_4 = arith.constant 1 : index
    %get3A_5 = arith.constant 0 : index
    %get3A_6 = arith.constant 0 : index
    %get3A_7 = vector.load %arg0[%get3A_4, %get3A_5, %get3A_6] : memref<2x10000x48xf32, #tpu.memory_space<vmem>>, vector<1x10000x48xf32>
    %get3A_8 = vector.shape_cast %get3A_7 : vector<1x10000x48xf32> to vector<10000x48xf32>
    %add3A = arith.addf %get3A_3, %get3A_8 : vector<10000x48xf32>
    %slice3A = vector.extract_strided_slice %add3A {offsets = [0, 0], sizes = [10000, 40], strides = [1, 1]} : vector<10000x48xf32> to vector<10000x40xf32>
    %get3A_9 = arith.constant 0 : index
    %get3A_10 = arith.constant 0 : index
    %get3A_11 = vector.load %arg1[%get3A_9, %get3A_10] : memref<10000x1xf32, #tpu.memory_space<vmem>>, vector<10000x1xf32>
    %mul3A = vector.broadcast %get3A_11 : vector<10000x1xf32> to vector<10000x40xf32>
    %mul3A_12 = arith.mulf %slice3A, %mul3A : vector<10000x40xf32>
    %get3A_13 = arith.constant 0 : index
    %get3A_14 = arith.constant 0 : index
    %get3A_15 = vector.load %arg2[%get3A_13, %get3A_14] : memref<10000x40xf32, #tpu.memory_space<vmem>>, vector<10000x40xf32>
    %add3A_16 = arith.addf %mul3A_12, %get3A_15 : vector<10000x40xf32>
    %swap3A = arith.constant 0 : index
    %swap3A_17 = arith.constant 0 : index
    %swap3A_18 = vector.load %arg3[%swap3A, %swap3A_17] : memref<10000x40xf32, #tpu.memory_space<vmem>>, vector<10000x40xf32>
    tpu.vector_store %arg3[%swap3A, %swap3A_17], %add3A_16 {strides = array<i32>} : memref<10000x40xf32, #tpu.memory_space<vmem>>, vector<10000x40xf32>,
    return
  }
}

</mosaic_0001>

<sc_bundles>
// kernel: kernel.12.cloned.1.call-start
scs
__scs_entry_jumppad:
0x0: {  	(pc) =	sbr.rel $0x88, $3  }
0x1: {  	(tag) =	ssettag $0x0;
	lr =	simm.s32 $0x1  }
0x2: {  	[smem:$0x3F96] =	sst lr;
	_ =	strace $0xD0000000  }
0x3: {  	_ = 	snop  }
0x4: {  	_ = 	snop  }
0x5: {  	_ = 	snop  }
0x6: {  	_ = 	snop  }
0x7: {  	_ = 	snop  }
__scs_overlays_trampoline_lowered:
0x8: {  	[smem:$0x3FA5] =	sst s0  }
0x9: {  	[smem:$0x3FA6] =	sst s1  }
0xa: {  	[smem:$0x3FA7] =	sst s2  }
0xb: {  	[smem:$0x3FA8] =	sst s3  }
0xc: {  	[smem:$0x3FA9] =	sst s4  }
0xd: {  	[smem:$0x3FAA] =	sst s5  }
0xe: {  	[smem:$0x3FAB] =	sst s6  }
0xf: {  	[smem:$0x3FAC] =	sst s7  }
0x10: {  	[smem:$0x3FAD] =	sst s8  }
0x11: {  	[smem:$0x3FAE] =	sst s9;
	s0 =	simm.s32 @!p0 $0x0  }
0x12: {  	s1 =	sld [smem:$0x3F94];
	s0 =	simm.s32 @p0 $0x1  }
0x13: {  	[smem:$0x3FAF] =	sst s0;
	s0 =	simm.s32 @!p1 $0x0  }
0x14: {  	s2 =	sld [smem:$0x3F93];
	s0 =	simm.s32 @p1 $0x1  }
0x15: {  	[smem:$0x3FB0] =	sst s0;
	s0 =	simm.s32 @!p2 $0x0  }
0x16: {  	s3 =	sld [smem:$0x3FDB];
	s0 =	simm.s32 @p2 $0x1  }
0x17: {  	s4 =	simm.s32 $0x1BF5;
	[smem:$0x3FB2] =	sst s0  }
0x18: {  	s0 =	sld [smem:$0x3F95];
	_ =	swait.ge [sflag:s4], $0x0  }
0x19: {  	s7 =	sld [smem:$0x3F96]  }
0x1a: {  	s8 =	sadd.s32 $0xFFFFE003, lr  }
0x1b: {  	s9 =	sadd.s32 $0xFFFFFEF7, lr;
	s5 =	simm.s32 $0xFFFFFFFF;
	p2 =	slt.u32 s8, $0xFFFFF086  }
0x1c: {  	p1 =	slt.u32 s9, $0xF7A;
	s5 =	simm.s32 @!p2 $0x0  }
0x1d: {  	s5 =	simm.s32 @p1 $0x1;
	p0 =	seq.s32 s7, s2  }
0x1e: {  	s7 =	smul.u32 @!p0 $0xF7A, s2;
	p2 =	seq.s32 @!p0 s5, $0x0  }
0x1f: {  	s9 =	smul.u32 $0xF7A, s1;
	s8 =	simm.s32 @!p0 $0x1BF5;
	p2 =	por !p2, p0  }
0x20: {  	[sflag:s8] =	ssyncset.s32 @!p0 $0xFFFFF086;
	s6 =	sadd.s32 @!p0 s3, s7;
	s7 =	simm.s32 @!p0 $0x108  }
0x21: {  	s3 =	sadd.s32 s3, s9;
	s6 =	sadd.s32 @!p0 $0x88, s6;
	s7 =	simm.s32 @p2 $0x1082  }
0x22: {  	[simem:s7], [sflag:s8] =	dma.local @!p0 [hbm:s6], $0xF7A  }
0x23: {  	s9 =	sor.u32 $0xD0000000, s2;
	s6 =	simm.s32 $0x108;
	_ =	swait.ge @!p0 [sflag:s8], $0x0  }
0x24: {  	s3 =	sadd.s32 $0x88, s3;
	s6 =	simm.s32 @!p1 $0x1082;
	[sflag:s4] =	ssyncset.s32 $0xFFFFF086  }
0x25: {  	[simem:s6], [sflag:s4] =	dma.local [hbm:s3], $0xF7A  }
0x26: {  	[smem:$0x3F96] =	sst s1;
	(tag) =	ssettag s2;
	_ =	strace s9  }
0x27: {  	s1 =	sld [smem:$0x3FA6]  }
0x28: {  	s2 =	sld [smem:$0x3FA7]  }
0x29: {  	s4 =	sld [smem:$0x3FA9]  }
0x2a: {  	p0 =	seq.s32 s5, $0x0;
	s5 =	sld [smem:$0x3FAA]  }
0x2b: {  	s6 =	sld [smem:$0x3FAB]  }
0x2c: {  	s7 =	sld [smem:$0x3FAC]  }
0x2d: {  	s3 =	simm.s32 $0x108;
	s8 =	sld [smem:$0x3FAD]  }
0x2e: {  	s3 =	simm.s32 @!p0 $0x1082;
	s9 =	sld [smem:$0x3FAE]  }
0x2f: {  	lr =	sadd.s32 s0, s3;
	s0 =	sld [smem:$0x3FA5]  }
0x30: {  	s3 =	sld [smem:$0x3FA8]  }
0x31: {  	[smem:$0x3FB1] =	sst s10  }
0x32: {  	s10 =	sld [smem:$0x3FAF];
	_ =	sdelay $0x3  }
0x33: {  	p0 =	seq.s32 s10, $0x1;
	s10 =	sld [smem:$0x3FB1];
	_ =	sdelay $0x3  }
0x34: {  	[smem:$0x3FB1] =	sst s10  }
0x35: {  	s10 =	sld [smem:$0x3FB0];
	_ =	sdelay $0x3  }
0x36: {  	p1 =	seq.s32 s10, $0x1;
	s10 =	sld [smem:$0x3FB1];
	_ =	sdelay $0x3  }
0x37: {  	[smem:$0x3FB1] =	sst s10  }
0x38: {  	s10 =	sld [smem:$0x3FB2]  }
0x39: {  	_ = 	snop;
	(pc) =	sbr.ind lr, $3  }
0x3a: {  	_ = 	snop  }
0x3b: {  	_ = 	snop  }
0x3c: {  	p2 =	seq.s32 s10, $0x1;
	s10 =	sld [smem:$0x3FB1]  }
0x3d: {  	_ =	shalt  }
0x3e: {  	_ =	shalt  }
0x3f: {  	_ =	shalt  }
0x40: {  	_ =	shalt  }
0x41: {  	_ =	shalt  }
0x42: {  	_ =	shalt  }
0x43: {  	_ =	shalt  }
0x44: {  	_ =	shalt  }
0x45: {  	_ =	shalt  }
0x46: {  	_ =	shalt  }
0x47: {  	_ =	shalt  }
0x48: {  	_ =	shalt  }
0x49: {  	_ =	shalt  }
0x4a: {  	_ =	shalt  }
0x4b: {  	_ =	shalt  }
0x4c: {  	_ =	shalt  }
0x4d: {  	_ =	shalt  }
0x4e: {  	_ =	shalt  }
0x4f: {  	_ =	shalt  }
0x50: {  	_ =	shalt  }
0x51: {  	_ =	shalt  }
0x52: {  	_ =	shalt  }
0x53: {  	_ =	shalt  }
0x54: {  	_ =	shalt  }
0x55: {  	_ =	shalt  }
0x56: {  	_ =	shalt  }
0x57: {  	_ =	shalt  }
0x58: {  	_ =	shalt  }
0x59: {  	_ =	shalt  }
0x5a: {  	_ =	shalt  }
0x5b: {  	_ =	shalt  }
0x5c: {  	_ =	shalt  }
0x5d: {  	_ =	shalt  }
0x5e: {  	_ =	shalt  }
0x5f: {  	_ =	shalt  }
0x60: {  	_ =	shalt  }
0x61: {  	_ =	shalt  }
0x62: {  	_ =	shalt  }
0x63: {  	_ =	shalt  }
0x64: {  	_ =	shalt  }
0x65: {  	_ =	shalt  }
0x66: {  	_ =	shalt  }
0x67: {  	_ =	shalt  }
0x68: {  	_ =	shalt  }
0x69: {  	_ =	shalt  }
0x6a: {  	_ =	shalt  }
0x6b: {  	_ =	shalt  }
0x6c: {  	_ =	shalt  }
0x6d: {  	_ =	shalt  }
0x6e: {  	_ =	shalt  }
0x6f: {  	_ =	shalt  }
0x70: {  	_ =	shalt  }
0x71: {  	_ =	shalt  }
0x72: {  	_ =	shalt  }
0x73: {  	_ =	shalt  }
0x74: {  	_ =	shalt  }
0x75: {  	_ =	shalt  }
0x76: {  	_ =	shalt  }
0x77: {  	_ =	shalt  }
0x78: {  	_ =	shalt  }
0x79: {  	_ =	shalt  }
0x7a: {  	_ =	shalt  }
0x7b: {  	_ =	shalt  }
0x7c: {  	_ =	shalt  }
0x7d: {  	_ =	shalt  }
0x7e: {  	_ =	shalt  }
0x7f: {  	_ =	shalt  }
0x80: {  	_ =	shalt  }
0x81: {  	_ =	shalt  }
0x82: {  	_ =	shalt  }
0x83: {  	_ =	shalt  }
0x84: {  	_ =	shalt  }
0x85: {  	_ =	shalt  }
0x86: {  	_ =	shalt  }
0x87: {  	_ =	shalt  }
.Lfunc_end0:
.L_simem_size_0:
called_computation.1_lowered:
.L_overlay_start_0:
0x88: {  	s2 =	sld [smem:$0x3FD9]  }
0x89: {  	s3 =	sld [smem:$0x3FFE];
	_ =	sdelay $0x1  }
0x8a: {  	s1 =	srdreg.scid  }
0x8b: {  	s0 =	sand.u32 $0x1, s1  }
0x8c: {  	s17 =	sshll.u32 s0, $0xA;
	s2 =	sadd.s32 s3, s2  }
0x8d: {  	s2 =	sadd.s32 s2, s17  }
0x8e: {  	[smem:$0x3FBD] =	sst s2  }
0x8f: {  	_ = 	snop  }
0x90: {  	s2 =	sld [smem:$0x3FD0];
	(tm) =	ssettm $0x1  }
0x91: {  	s18 =	sld [smem:$0x3FFB];
	_ =	sdelay $0x3  }
0x92: {  	_ =	strace s18  }
0x93: {  	s3 =	sld [smem:$0x3FFC];
	_ =	sdelay $0x3  }
0x94: {  	_ =	strace s3  }
0x95: {  	s3 =	sld [smem:$0x3FFD];
	_ =	sdelay $0x3  }
0x96: {  	_ =	strace s3  }
0x97: {  	_ =	strace $0x8FFFFFFF  }
0x98: {  	s19 =	sld [smem:$0x3FDB];
	_ =	sdelay $0x1  }
0x99: {  	s4 =	simm.s32 $_scs_section_size  }
0x9a: {  	s5 =	simm.s32 $_size__tile_overlayer_lowered;
	s6 =	simm.s32 $_tile_overlayer_lowered  }
0x9b: {  	s22 =	simm.s32 $0x1BFF;
	s21 =	sshll.u32 s6, $0x1;
	s3 =	sadd.s32 s4, s19  }
0x9c: {  	s7 =	simm.s32 $0x0;
	s20 =	sshll.u32 s5, $0x1;
	s5 =	sadd.s32 s21, s3  }
0x9d: {  	[timem:s7], [sflag:s22] =	dma.local [hbm:s5], s20  }
0x9e: {  	_ =	swait.ge [sflag:s22], s20  }
0x9f: {  	s4 =	ssub.s32 $0x0, s20;
	[sflag:s22] =	ssyncset.done $0x0  }
0xa0: {  	[sflag:s22] =	ssyncadd.s32 s4;
	_ =	sdelay $0x1  }
0xa1: {  	s23 =	simm.s32 $0x1B8B  }
0xa2: {  	_ =	swait.ge [sflag:s23], $0x1  }
0xa3: {  	[sflag:s23] =	ssyncset.done $0x0  }
0xa4: {  	s25 =	simm.s32 $0x1B8E;
	s24 =	sld [smem:$0x3FFE];
	[sflag:s23] =	ssyncadd.s32 $0xFFFFFFFF  }
0xa5: {  	s26 =	simm.s32 $execute0_lowered;
	[smem:$0x3FD2] =	sst s25  }
0xa6: {  	s5 =	sshll.u32 s26, $0x1;
	_ =	strace $0x80000049;
	[dreg:$0x1] =	wrdreg $0xFFFFFFFF  }
0xa7: {  	s28 =	simm.s32 $_size_execute0_lowered;
	s3 =	sadd.s32 s3, s5;
	[dreg:$0x0] =	wrdreg $0x0  }
0xa8: {  	s5 =	sshll.u32 s28, $0x1;
	[dreg:$0x2] =	wrdreg s3  }
0xa9: {  	[dreg:$0x3] =	wrdreg s5  }
0xaa: {  	[dreg:$0x4] =	wrdreg $0xC0  }
0xab: {  	_ =	task [dreg:s7], $0x5FFFF  }
0xac: {  	[dreg:$0x1] =	wrdreg $0xFFFFFFFF  }
0xad: {  	[dreg:$0x0] =	wrdreg $0x60  }
0xae: {  	[dreg:$0x2] =	wrdreg s24  }
0xaf: {  	[dreg:$0x3] =	wrdreg s2  }
0xb0: {  	[dreg:$0x4] =	wrdreg $0x100400  }
0xb1: {  	[dreg:$0x5] =	wrdreg $0x9  }
0xb2: {  	_ =	task.clear_ibuf [dreg:s7], $0x6FFFF;
	_ =	strace $0x90000049  }
0xb3: {  	s29 =	simm.s32 $0x9;
	_ =	strace $0x8000004B  }
0xb4: {  	_ =	swait.ge [sflag:s29], $0x1  }
0xb5: {  	[sflag:s29] =	ssyncadd.s32 $0xFFFFFFFF  }
0xb6: {  	_ =	strace $0x9000004B  }
0xb7: {  	_ =	sfence  }
0xb8: {  	s30 =	sld [smem:$0x0];
	_ =	sdelay $0x2  }
0xb9: {  	s31 =	sshll.u32 s1, $0xD;
	s1 =	sshrl.u32 s1, $0x2  }
0xba: {  	s3 =	sand.u32 $0x4000, s31;
	s1 =	sadd.s32 s1, s30  }
0xbb: {  	s0 =	sor.u32 s3, s0;
	s1 =	sshll.u32 s1, $0x11  }
0xbc: {  	s0 =	sor.u32 s1, s0  }
0xbd: {  	s0 =	sadd.s32 $0x8F2B, s0  }
0xbe: {  	[sflag:s0] =	ssyncadd.remote.s32 $0x1  }
0xbf: {  	_ =	sfence.sel $0xFFFF  }
0xc0: {  	[dreg:$0x0] =	wrdreg $0xFFFFFFFF;
	(pc) =	sbr.abs _section_cstart, $3  }
0xc1: {  	[dreg:$0x1] =	wrdreg $0xFFFFFFFF  }
0xc2: {  	_ =	task.clear_ibuf [dreg:s7], $0x2FFFF;
	_ =	strace $0x9FFFFFFF  }
0xc3: {  	(tm) =	ssettm $0x7FFFFFFF  }
tec
execute0_lowered:
.L_overlay_start_1:
0x0: {  	(tag) =	ssettag $0x1  }
0x1: {  	s0 =	rddreg [dreg:$0x0]  }
0x2: {  	s2 =	rddreg [dreg:$0x1]  }
0x3: {  	s1 =	rddreg [dreg:$0x2]  }
0x4: {  	s4 =	simm.s32 $0x0;
	s3 =	srdreg.scid;
	s11 =	stileid.u32  }
0x5: {  	s12 =	simm.s32 $0x9C40;
	s13 =	simm.s32 $0xB040;
	s15 =	simm.s32 $0xC440  }
0x6: {  	s16 =	simm.s32 $0xF0;
	s17 =	simm.s32 $0xD840;
	s18 =	simm.s32 $0x140  }
0x7: {  	s19 =	simm.s32 $0xEC40;
	s20 =	simm.s32 $0x1;
	s21 =	simm.s32 $0x2  }
0x8: {  	s22 =	simm.s32 $0x3;
	s24 =	simm.s32 $0x4;
	s28 =	simm.s32 $0x9B00  }
0x9: {  	s29 =	simm.s32 $0x9B50;
	s30 =	simm.s32 $0x9BA0;
	s31 =	simm.s32 $0x9BF0  }
0xa: {  	[smem:$0x7FF] =	sst s4;
	s3 =	sand.u32 $0x1, s3;
	s8 =	smul.u32 $0x9C4, s11  }
0xb: {  	s4 =	sadd.s32 $0x50400, s0;
	s5 =	sadd.s32 $0x2200, s0;
	s10 =	smul.u32 $0x9C40, s11  }
0xc: {  	s26 =	sshll.u32 s11, $0x6;
	s11 =	simm.s32 $0x50;
	s6 =	smul.u32 $0x13880, s3  }
0xd: {  	_ =	strace $0x8000004A;
	s7 =	ssub.s32 $0x2, s3;
	s3 =	smul.u32 $0x2710, s3  }
0xe: {  	s9 =	sshrl.u32 s7, $0x1;
	s25 =	sadd.s32 s10, s1;
	s14 =	sshrl.u32 s10, $0x3  }
0xf: {  	s0 =	sadd.s32 s6, s0;
	s7 =	ssub.s32 s7, s9;
	s6 =	sadd.s32 s2, s8  }
0x10: {  	s8 =	simm.s32 $0x6;
	s9 =	sor.u32 $0x1C06, s26;
	s10 =	sshrl.u32 s25, $0x3  }
0x11: {  	s25 =	simm.s32 $0x5;
	s26 =	simm.s32 $0x9AB0;
	s0 =	sadd.s32 $0x3600, s0  }
0x12: {  	v0 =	vmov s3;
	s7 =	smax.u32 s7, $0x1;
	s23 =	sadd.s32 s14, s0;
	s0 =	simm.s32 $0x0  }
.LBB2_1:
0x13: {  	s2 =	simm.s32 $0x0  }
0x14: {  	[tilespmem:s2], [sflag:$0x6] =	stream.linear.gather [hbm4b:s6+s2], $0x4E20, $0x38;
	[tilespmem:$0x19C80] =	vst v63  }
0x15: {  	_ =	swait.ge [sflag:s8], $0x4E20  }
0x16: {  	[sflag:s8] =	ssyncset.done $0x0  }
0x17: {  	[sflag:s8] =	ssyncadd.s32 $0xFFFFB1E0  }
0x18: {  	[spmem:s10], [sflag:s9] =	dma.local [hbm:s5], $0x1388  }
0x19: {  	_ =	swait.ge [sflag:s8], $0x1388  }
0x1a: {  	[sflag:s8] =	ssyncset.done $0x0  }
0x1b: {  	s3 =	simm.s32 $0x0;
	[sflag:s8] =	ssyncadd.s32 $0xFFFFEC78  }
0x1c: {  	v1 =	vld [tilespmem:s3+$0x0]  }
0x1d: {  	v2 =	vld [tilespmem:s3+$0x10]  }
0x1e: {  	v5 =	vld [tilespmem:s3+$0x20]  }
0x1f: {  	v6 =	vld [tilespmem:s3+$0x30]  }
0x20: {  	v7 =	vld [tilespmem:s3+$0x40]  }
0x21: {  	v3 =	vshrl.u32 v1, $0x10;
	v1 =	vand.u32 $0xFFFF, v1  }
0x22: {  	[tilespmem:s3+$0x4E20] =	vst v3;
	v1 =	vadd.s32 v0, v1;
	v3 =	vand.u32 $0xFFFF, v2  }
0x23: {  	[tilespmem:s3+$0x0] =	vst v1;
	v1 =	vadd.s32 v0, v3;
	v3 =	vand.u32 $0xFFFF, v5  }
0x24: {  	[tilespmem:s3+$0x10] =	vst v1;
	v1 =	vadd.s32 v0, v3;
	v3 =	vand.u32 $0xFFFF, v6  }
0x25: {  	s2 =	simm.s32 $0x50;
	[tilespmem:s3+$0x20] =	vst v1;
	v1 =	vadd.s32 v0, v3;
	v3 =	vand.u32 $0xFFFF, v7  }
0x26: {  	v4 =	vld [tilespmem:s2+$0x0];
	[tilespmem:s3+$0x30] =	vst v1;
	v1 =	vadd.s32 v0, v3  }
0x27: {  	v3 =	vld [tilespmem:s2+$0x10];
	[tilespmem:s3+$0x40] =	vst v1;
	v1 =	vshrl.u32 v2, $0x10  }
0x28: {  	v8 =	vshrl.u32 v5, $0x10;
	v2 =	vld [tilespmem:s2+$0x20];
	[tilespmem:s3+$0x4E30] =	vst v1  }
0x29: {  	s14 =	simm.s32 $0x280;
	v5 =	vshrl.u32 v6, $0x10;
	v6 =	vshrl.u32 v7, $0x10;
	v1 =	vld [tilespmem:s2+$0x30];
	[tilespmem:s3+$0x4E40] =	vst v8  }
.LBB2_2:
0x2a: {  	p0 =	sne.s32 s14, $0x13740;
	v7 =	vld [tilespmem:s2+$0x40];
	[tilespmem:s3+$0x4E50] =	vst v5  }
0x2b: {  	v5 =	vshrl.u32 v4, $0x10;
	v4 =	vand.u32 $0xFFFF, v4;
	[tilespmem:s3+$0x4E60] =	vst v6;
	s3 =	smov.u32 s2  }
0x2c: {  	[tilespmem:s3+$0x4E20] =	vst v5;
	v4 =	vadd.s32 v0, v4;
	v8 =	vshrl.u32 v3, $0x10;
	v3 =	vand.u32 $0xFFFF, v3  }
0x2d: {  	[tilespmem:s3+$0x0] =	vst v4;
	v3 =	vadd.s32 v0, v3;
	v9 =	vshrl.u32 v2, $0x10;
	v2 =	vand.u32 $0xFFFF, v2  }
0x2e: {  	[tilespmem:s3+$0x10] =	vst v3;
	v2 =	vadd.s32 v0, v2;
	v5 =	vshrl.u32 v1, $0x10;
	v1 =	vand.u32 $0xFFFF, v1  }
.Ltmp0:
0x2f: {  	s2 =	sshra.s32 s14, $0x2;
	[tilespmem:s3+$0x20] =	vst v2;
	v1 =	vadd.s32 v0, v1;
	v6 =	vshrl.u32 v7, $0x10;
	v2 =	vand.u32 $0xFFFF, v7;
	(pc) =	sbr.rel @p0 .LBB2_2-.Ltmp0, $4  }
0x30: {  	v4 =	vld [tilespmem:s2+$0x0];
	[tilespmem:s3+$0x30] =	vst v1;
	v1 =	vadd.s32 v0, v2  }
0x31: {  	v3 =	vld [tilespmem:s2+$0x10];
	[tilespmem:s3+$0x40] =	vst v1  }
0x32: {  	v2 =	vld [tilespmem:s2+$0x20];
	[tilespmem:s3+$0x4E30] =	vst v8  }
0x33: {  	s14 =	sadd.s32 $0x140, s14;
	v1 =	vld [tilespmem:s2+$0x30];
	[tilespmem:s3+$0x4E40] =	vst v9  }
0x34: {  	v7 =	vld [tilespmem:s2+$0x40];
	[tilespmem:s3+$0x4E50] =	vst v5  }
0x35: {  	[tilespmem:s3+$0x4E60] =	vst v6;
	v54 =	vshrl.u32 v4, $0x10;
	v55 =	vand.u32 $0xFFFF, v4  }
0x36: {  	[tilespmem:s2+$0x4E20] =	vst v54;
	v4 =	vadd.s32 v0, v55  }
0x37: {  	v56 =	vand.u32 $0xFFFF, v3;
	v3 =	vshrl.u32 v3, $0x10;
	[tilespmem:s2+$0x0] =	vst v4  }
0x38: {  	v57 =	vadd.s32 v0, v56;
	[tilespmem:s2+$0x4E30] =	vst v3  }
0x39: {  	v58 =	vand.u32 $0xFFFF, v2;
	v2 =	vshrl.u32 v2, $0x10;
	[tilespmem:s2+$0x10] =	vst v57  }
0x3a: {  	v59 =	vadd.s32 v0, v58;
	[tilespmem:s2+$0x4E40] =	vst v2  }
0x3b: {  	v60 =	vand.u32 $0xFFFF, v1;
	v1 =	vshrl.u32 v1, $0x10;
	[tilespmem:s2+$0x20] =	vst v59  }
0x3c: {  	v61 =	vadd.s32 v0, v60;
	[tilespmem:s2+$0x4E50] =	vst v1  }
0x3d: {  	v62 =	vand.u32 $0xFFFF, v7;
	v2 =	vshrl.u32 v7, $0x10;
	[tilespmem:s2+$0x30] =	vst v61  }
0x3e: {  	v63 =	vadd.s32 v0, v62;
	[tilespmem:s2+$0x4E60] =	vst v2  }
0x3f: {  	[tilespmem:s2+$0x40] =	vst v63  }
0x40: {  	s14 =	simm.s32 $0x0;
	[bflag:$0x0] =	sbarrier.arrive $0xFFFF  }
0x41: {  	[tilespmem:s12], [sflag:$0x1] =	stream.indirect.gather [hbm4b:s4+s11], $0x40, s14, s11, $0xb8;
	[tilespmem:$0x19C80] =	vst v63  }
0x42: {  	_ = 	snop  }
0x43: {  	[tilespmem:s13], [sflag:$0x2] =	stream.indirect.gather [hbm4b:s4+s11], $0x40, s11, s11, $0xb8;
	[tilespmem:$0x19C80] =	vst v63  }
0x44: {  	s3 =	simm.s32 $0xA0  }
0x45: {  	[tilespmem:s15], [sflag:$0x3] =	stream.indirect.gather [hbm4b:s4+s11], $0x40, s3, s11, $0xb8;
	[tilespmem:$0x19C80] =	vst v63  }
0x46: {  	_ = 	snop  }
0x47: {  	[tilespmem:s17], [sflag:$0x4] =	stream.indirect.gather [hbm4b:s4+s11], $0x40, s16, s11, $0xb8;
	[tilespmem:$0x19C80] =	vst v63  }
0x48: {  	_ = 	snop  }
0x49: {  	[tilespmem:s19], [sflag:$0x5] =	stream.indirect.gather [hbm4b:s4+s11], $0x40, s18, s11, $0xb8;
	[tilespmem:$0x19C80] =	vst v63  }
0x4a: {  	_ =	swait.ge [sflag:s20], $0x1400  }
0x4b: {  	[sflag:s20] =	ssyncset.done $0x0  }
0x4c: {  	s14 =	simm.s32 $0x4E20;
	[sflag:s20] =	ssyncadd.s32 $0xFFFFEC00  }
0x4d: {  	[spmem:s1] =	stream.indirect.scatter.add.f32 [tilespmem:s12], [sflag:$0x6], $0x40, s14, s11, $0xb8;
	[tilespmem:$0x19C80] =	vst v63  }
0x4e: {  	_ =	swait.ge [sflag:s8], $0x1400  }
0x4f: {  	[sflag:s8] =	ssyncset.done $0x0  }
0x50: {  	s3 =	simm.s32 $0x190;
	[sflag:s8] =	ssyncadd.s32 $0xFFFFEC00  }
0x51: {  	[tilespmem:s12], [sflag:$0x1] =	stream.indirect.gather [hbm4b:s4+s11], $0x40, s3, s11, $0xb8;
	[tilespmem:$0x19C80] =	vst v63  }
0x52: {  	_ =	swait.ge [sflag:s21], $0x1400  }
0x53: {  	[sflag:s21] =	ssyncset.done $0x0  }
0x54: {  	s14 =	simm.s32 $0x4E70;
	[sflag:s21] =	ssyncadd.s32 $0xFFFFEC00  }
0x55: {  	[spmem:s1] =	stream.indirect.scatter.add.f32 [tilespmem:s13], [sflag:$0x6], $0x40, s14, s11, $0xb8;
	[tilespmem:$0x19C80] =	vst v63  }
0x56: {  	_ =	swait.ge [sflag:s8], $0x1400  }
0x57: {  	[sflag:s8] =	ssyncset.done $0x0  }
0x58: {  	s3 =	simm.s32 $0x1E0;
	[sflag:s8] =	ssyncadd.s32 $0xFFFFEC00  }
0x59: {  	[tilespmem:s13], [sflag:$0x2] =	stream.indirect.gather [hbm4b:s4+s11], $0x40, s3, s11, $0xb8;
	[tilespmem:$0x19C80] =	vst v63  }
0x5a: {  	_ =	swait.ge [sflag:s22], $0x1400  }
0x5b: {  	[sflag:s22] =	ssyncset.done $0x0  }
0x5c: {  	s14 =	simm.s32 $0x4EC0;
	[sflag:s22] =	ssyncadd.s32 $0xFFFFEC00  }
0x5d: {  	[spmem:s1] =	stream.indirect.scatter.add.f32 [tilespmem:s15], [sflag:$0x6], $0x40, s14, s11, $0xb8;
	[tilespmem:$0x19C80] =	vst v63  }
0x5e: {  	_ =	swait.ge [sflag:s8], $0x1400  }
0x5f: {  	[sflag:s8] =	ssyncset.done $0x0  }
0x60: {  	s3 =	simm.s32 $0x230;
	[sflag:s8] =	ssyncadd.s32 $0xFFFFEC00  }
0x61: {  	[tilespmem:s15], [sflag:$0x3] =	stream.indirect.gather [hbm4b:s4+s11], $0x40, s3, s11, $0xb8;
	[tilespmem:$0x19C80] =	vst v63  }
0x62: {  	_ =	swait.ge [sflag:s24], $0x1400  }
0x63: {  	[sflag:s24] =	ssyncset.done $0x0  }
0x64: {  	s14 =	simm.s32 $0x4F10;
	[sflag:s24] =	ssyncadd.s32 $0xFFFFEC00  }
0x65: {  	[spmem:s1] =	stream.indirect.scatter.add.f32 [tilespmem:s17], [sflag:$0x6], $0x40, s14, s11, $0xb8;
	[tilespmem:$0x19C80] =	vst v63  }
0x66: {  	_ =	swait.ge [sflag:s8], $0x1400  }
0x67: {  	[sflag:s8] =	ssyncset.done $0x0  }
0x68: {  	s3 =	simm.s32 $0x280;
	[sflag:s8] =	ssyncadd.s32 $0xFFFFEC00  }
0x69: {  	[tilespmem:s17], [sflag:$0x4] =	stream.indirect.gather [hbm4b:s4+s11], $0x40, s3, s11, $0xb8;
	[tilespmem:$0x19C80] =	vst v63  }
0x6a: {  	_ =	swait.ge [sflag:s25], $0x1400  }
0x6b: {  	[sflag:s25] =	ssyncset.done $0x0  }
0x6c: {  	s14 =	simm.s32 $0x4F60;
	[sflag:s25] =	ssyncadd.s32 $0xFFFFEC00  }
0x6d: {  	[spmem:s1] =	stream.indirect.scatter.add.f32 [tilespmem:s19], [sflag:$0x6], $0x40, s14, s11, $0xb8;
	[tilespmem:$0x19C80] =	vst v63  }
0x6e: {  	_ =	swait.ge [sflag:s8], $0x1400  }
0x6f: {  	[sflag:s8] =	ssyncset.done $0x0  }
0x70: {  	s2 =	simm.s32 $0x2D0;
	s3 =	simm.s32 $0x640;
	[sflag:s8] =	ssyncadd.s32 $0xFFFFEC00  }
.LBB2_4:
0x71: {  	[tilespmem:s19], [sflag:$0x5] =	stream.indirect.gather [hbm4b:s4+s11], $0x40, s2, s11, $0xb8;
	[tilespmem:$0x19C80] =	vst v63  }
0x72: {  	s2 =	smov.u32 s3  }
0x73: {  	p0 =	sne.s32 s3, $0x12C00;
	s3 =	sadd.s32 $0x640, s3;
	_ =	swait.ge [sflag:s20], $0x1400  }
0x74: {  	s2 =	sshra.s32 s2, $0x2;
	[sflag:s20] =	ssyncset.done $0x0  }
0x75: {  	s14 =	sadd.s32 $0x4E20, s2;
	[sflag:s20] =	ssyncadd.s32 $0xFFFFEC00  }
0x76: {  	[spmem:s1] =	stream.indirect.scatter.add.f32 [tilespmem:s12], [sflag:$0x6], $0x40, s14, s11, $0xb8;
	[tilespmem:$0x19C80] =	vst v63  }
0x77: {  	_ =	swait.ge [sflag:s8], $0x1400  }
0x78: {  	[sflag:s8] =	ssyncset.done $0x0  }
0x79: {  	s14 =	sadd.s32 $0x190, s2;
	[sflag:s8] =	ssyncadd.s32 $0xFFFFEC00  }
0x7a: {  	[tilespmem:s12], [sflag:$0x1] =	stream.indirect.gather [hbm4b:s4+s11], $0x40, s14, s11, $0xb8;
	[tilespmem:$0x19C80] =	vst v63  }
0x7b: {  	_ =	swait.ge [sflag:s21], $0x1400  }
0x7c: {  	[sflag:s21] =	ssyncset.done $0x0  }
0x7d: {  	s14 =	sadd.s32 $0x4E70, s2;
	[sflag:s21] =	ssyncadd.s32 $0xFFFFEC00  }
0x7e: {  	[spmem:s1] =	stream.indirect.scatter.add.f32 [tilespmem:s13], [sflag:$0x6], $0x40, s14, s11, $0xb8;
	[tilespmem:$0x19C80] =	vst v63  }
0x7f: {  	_ =	swait.ge [sflag:s8], $0x1400  }
0x80: {  	[sflag:s8] =	ssyncset.done $0x0  }
0x81: {  	s14 =	sadd.s32 $0x1E0, s2;
	[sflag:s8] =	ssyncadd.s32 $0xFFFFEC00  }
0x82: {  	[tilespmem:s13], [sflag:$0x2] =	stream.indirect.gather [hbm4b:s4+s11], $0x40, s14, s11, $0xb8;
	[tilespmem:$0x19C80] =	vst v63  }
0x83: {  	_ =	swait.ge [sflag:s22], $0x1400  }
0x84: {  	[sflag:s22] =	ssyncset.done $0x0  }
0x85: {  	s14 =	sadd.s32 $0x4EC0, s2;
	[sflag:s22] =	ssyncadd.s32 $0xFFFFEC00  }
0x86: {  	[spmem:s1] =	stream.indirect.scatter.add.f32 [tilespmem:s15], [sflag:$0x6], $0x40, s14, s11, $0xb8;
	[tilespmem:$0x19C80] =	vst v63  }
0x87: {  	_ =	swait.ge [sflag:s8], $0x1400  }
0x88: {  	[sflag:s8] =	ssyncset.done $0x0  }
0x89: {  	s14 =	sadd.s32 $0x230, s2;
	[sflag:s8] =	ssyncadd.s32 $0xFFFFEC00  }
0x8a: {  	[tilespmem:s15], [sflag:$0x3] =	stream.indirect.gather [hbm4b:s4+s11], $0x40, s14, s11, $0xb8;
	[tilespmem:$0x19C80] =	vst v63  }
0x8b: {  	_ =	swait.ge [sflag:s24], $0x1400  }
0x8c: {  	[sflag:s24] =	ssyncset.done $0x0  }
0x8d: {  	s14 =	sadd.s32 $0x4F10, s2;
	[sflag:s24] =	ssyncadd.s32 $0xFFFFEC00  }
0x8e: {  	[spmem:s1] =	stream.indirect.scatter.add.f32 [tilespmem:s17], [sflag:$0x6], $0x40, s14, s11, $0xb8;
	[tilespmem:$0x19C80] =	vst v63  }
0x8f: {  	_ =	swait.ge [sflag:s8], $0x1400  }
0x90: {  	[sflag:s8] =	ssyncset.done $0x0  }
0x91: {  	s14 =	sadd.s32 $0x280, s2;
	[sflag:s8] =	ssyncadd.s32 $0xFFFFEC00  }
0x92: {  	[tilespmem:s17], [sflag:$0x4] =	stream.indirect.gather [hbm4b:s4+s11], $0x40, s14, s11, $0xb8;
	[tilespmem:$0x19C80] =	vst v63  }
0x93: {  	_ =	swait.ge [sflag:s25], $0x1400  }
0x94: {  	[sflag:s25] =	ssyncset.done $0x0  }
.Ltmp1:
0x95: {  	s14 =	sadd.s32 $0x4F60, s2;
	[sflag:s25] =	ssyncadd.s32 $0xFFFFEC00;
	(pc) =	sbr.rel @p0 .LBB2_4-.Ltmp1, $4  }
0x96: {  	[spmem:s1] =	stream.indirect.scatter.add.f32 [tilespmem:s19], [sflag:$0x6], $0x40, s14, s11, $0xb8;
	[tilespmem:$0x19C80] =	vst v63  }
0x97: {  	_ =	swait.ge [sflag:s8], $0x1400  }
0x98: {  	[sflag:s8] =	ssyncset.done $0x0  }
0x99: {  	s2 =	sadd.s32 $0x2D0, s2;
	[sflag:s8] =	ssyncadd.s32 $0xFFFFEC00  }
0x9a: {  	[tilespmem:s19], [sflag:$0x5] =	stream.indirect.gather [hbm4b:s4+s11], $0x40, s2, s11, $0xb8;
	[tilespmem:$0x19C80] =	vst v63  }
0x9b: {  	_ =	swait.ge [sflag:s20], $0x1400  }
0x9c: {  	[sflag:s20] =	ssyncset.done $0x0  }
0x9d: {  	[sflag:s20] =	ssyncadd.s32 $0xFFFFEC00  }
0x9e: {  	[spmem:s1] =	stream.indirect.scatter.add.f32 [tilespmem:s12], [sflag:$0x6], $0x40, s26, s11, $0xb8;
	[tilespmem:$0x19C80] =	vst v63  }
0x9f: {  	_ =	swait.ge [sflag:s8], $0x1400  }
0xa0: {  	[sflag:s8] =	ssyncset.done $0x0  }
0xa1: {  	[sflag:s8] =	ssyncadd.s32 $0xFFFFEC00  }
0xa2: {  	_ =	swait.ge [sflag:s21], $0x1400  }
0xa3: {  	[sflag:s21] =	ssyncset.done $0x0  }
0xa4: {  	[sflag:s21] =	ssyncadd.s32 $0xFFFFEC00  }
0xa5: {  	[spmem:s1] =	stream.indirect.scatter.add.f32 [tilespmem:s13], [sflag:$0x6], $0x40, s28, s11, $0xb8;
	[tilespmem:$0x19C80] =	vst v63  }
0xa6: {  	_ =	swait.ge [sflag:s8], $0x1400  }
0xa7: {  	[sflag:s8] =	ssyncset.done $0x0  }
0xa8: {  	[sflag:s8] =	ssyncadd.s32 $0xFFFFEC00  }
0xa9: {  	_ =	swait.ge [sflag:s22], $0x1400  }
0xaa: {  	[sflag:s22] =	ssyncset.done $0x0  }
0xab: {  	[sflag:s22] =	ssyncadd.s32 $0xFFFFEC00  }
0xac: {  	[spmem:s1] =	stream.indirect.scatter.add.f32 [tilespmem:s15], [sflag:$0x6], $0x40, s29, s11, $0xb8;
	[tilespmem:$0x19C80] =	vst v63  }
0xad: {  	_ =	swait.ge [sflag:s8], $0x1400  }
0xae: {  	[sflag:s8] =	ssyncset.done $0x0  }
0xaf: {  	[sflag:s8] =	ssyncadd.s32 $0xFFFFEC00  }
0xb0: {  	_ =	swait.ge [sflag:s24], $0x1400  }
0xb1: {  	[sflag:s24] =	ssyncset.done $0x0  }
0xb2: {  	[sflag:s24] =	ssyncadd.s32 $0xFFFFEC00  }
0xb3: {  	[spmem:s1] =	stream.indirect.scatter.add.f32 [tilespmem:s17], [sflag:$0x6], $0x40, s30, s11, $0xb8;
	[tilespmem:$0x19C80] =	vst v63  }
0xb4: {  	_ =	swait.ge [sflag:s8], $0x1400  }
0xb5: {  	[sflag:s8] =	ssyncset.done $0x0  }
0xb6: {  	[sflag:s8] =	ssyncadd.s32 $0xFFFFEC00  }
0xb7: {  	_ =	swait.ge [sflag:s25], $0x1400  }
0xb8: {  	[sflag:s25] =	ssyncset.done $0x0  }
0xb9: {  	[sflag:s25] =	ssyncadd.s32 $0xFFFFEC00  }
0xba: {  	[spmem:s1] =	stream.indirect.scatter.add.f32 [tilespmem:s19], [sflag:$0x6], $0x40, s31, s11, $0xb8;
	[tilespmem:$0x19C80] =	vst v63  }
0xbb: {  	_ =	swait.ge [sflag:s8], $0x1400  }
0xbc: {  	s0 =	sadd.s32 $0x1, s0;
	[sflag:s8] =	ssyncset.done $0x0  }
0xbd: {  	p0 =	sne.s32 s0, s7;
	[sflag:s8] =	ssyncadd.s32 $0xFFFFEC00  }
.Ltmp2:
0xbe: {  	[bflag:$0x0] =	sbarrier.arrive $0xFFFF;
	(pc) =	sbr.rel @p0 .LBB2_1-.Ltmp2, $4  }
0xbf: {  	[hbm:s23], [sflag:s9] =	dma.local [spmem:s10], $0x1388  }
0xc0: {  	_ =	swait.ge [sflag:s8], $0x1388  }
0xc1: {  	[sflag:s8] =	ssyncset.done $0x0  }
0xc2: {  	[sflag:s8] =	ssyncadd.s32 $0xFFFFEC78  }
0xc3: {  	_ =	sfence.sel $0x180000  }
0xc4: {  	[bflag:$0x0] =	sbarrier.arrive $0xFFFF  }
0xc5: {  	_ =	strace $0x9000004A  }
0xc6: {  	s0 =	stileid.u32;
	[bflag:$0x2] =	sbarrier.arrive $0xFFFF  }
0xc7: {  	p0 =	sne.s32 s0, $0x0;
	s0 =	rddreg [dreg:$0x3]  }
0xc8: {  	s0 =	sadd.s32 @!p0 $0x100000, s0  }
0xc9: {  	[sflag:s0] =	ssyncadd.tile.s32 @!p0 $0x1;
	_ =	shalt  }
.Lfunc_end2:
_tile_overlayer_lowered:
.L_overlay_start_2:
0xca: {  	(tag) =	ssettag $0x2  }
0xcb: {  	s0 =	rddreg [dreg:$0x0];
	s2 =	stileid.u32  }
0xcc: {  	s1 =	rddreg [dreg:$0x1];
	p0 =	sne.s32 s2, $0x0  }
0xcd: {  	s3 =	rddreg [dreg:$0x2];
	[bflag:$0x3] =	sbarrier.arrive $0xFFFF;
	s2 =	simm.s32 @!p0 $0x1C06  }
0xce: {  	[timem:s3], [sflag:s2] =	dma.local @!p0 [hbm:s0], s1  }
0xcf: {  	s0 =	simm.s32 @!p0 $0x6  }
0xd0: {  	_ =	swait.ge @!p0 [sflag:s0], s1  }
0xd1: {  	s1 =	ssub.s32 @!p0 $0x0, s1;
	[sflag:s0] =	ssyncset.done @!p0 $0x0  }
0xd2: {  	[sflag:s0] =	ssyncadd.s32 @!p0 s1  }
0xd3: {  	[bflag:$0x3] =	sbarrier.arrive $0xFFFF  }
0xd4: {  	_ =	shalt  }

// kernel: kernel.15.cloned.1.call-start
scs
__scs_entry_jumppad:
0x0: {  	(pc) =	sbr.rel $0x88, $3  }
0x1: {  	(tag) =	ssettag $0x0;
	lr =	simm.s32 $0x1  }
0x2: {  	[smem:$0x3F96] =	sst lr;
	_ =	strace $0xD0000000  }
0x3: {  	_ = 	snop  }
0x4: {  	_ = 	snop  }
0x5: {  	_ = 	snop  }
0x6: {  	_ = 	snop  }
0x7: {  	_ = 	snop  }
__scs_overlays_trampoline_lowered:
0x8: {  	[smem:$0x3FA5] =	sst s0  }
0x9: {  	[smem:$0x3FA6] =	sst s1  }
0xa: {  	[smem:$0x3FA7] =	sst s2  }
0xb: {  	[smem:$0x3FA8] =	sst s3  }
0xc: {  	[smem:$0x3FA9] =	sst s4  }
0xd: {  	[smem:$0x3FAA] =	sst s5  }
0xe: {  	[smem:$0x3FAB] =	sst s6  }
0xf: {  	[smem:$0x3FAC] =	sst s7  }
0x10: {  	[smem:$0x3FAD] =	sst s8  }
0x11: {  	[smem:$0x3FAE] =	sst s9;
	s0 =	simm.s32 @!p0 $0x0  }
0x12: {  	s1 =	sld [smem:$0x3F94];
	s0 =	simm.s32 @p0 $0x1  }
0x13: {  	[smem:$0x3FAF] =	sst s0;
	s0 =	simm.s32 @!p1 $0x0  }
0x14: {  	s2 =	sld [smem:$0x3F93];
	s0 =	simm.s32 @p1 $0x1  }
0x15: {  	[smem:$0x3FB0] =	sst s0;
	s0 =	simm.s32 @!p2 $0x0  }
0x16: {  	s3 =	sld [smem:$0x3FDB];
	s0 =	simm.s32 @p2 $0x1  }
0x17: {  	s4 =	simm.s32 $0x1BF5;
	[smem:$0x3FB2] =	sst s0  }
0x18: {  	s0 =	sld [smem:$0x3F95];
	_ =	swait.ge [sflag:s4], $0x0  }
0x19: {  	s7 =	sld [smem:$0x3F96]  }
0x1a: {  	s8 =	sadd.s32 $0xFFFFE003, lr  }
0x1b: {  	s9 =	sadd.s32 $0xFFFFFEF7, lr;
	s5 =	simm.s32 $0xFFFFFFFF;
	p2 =	slt.u32 s8, $0xFFFFF086  }
0x1c: {  	p1 =	slt.u32 s9, $0xF7A;
	s5 =	simm.s32 @!p2 $0x0  }
0x1d: {  	s5 =	simm.s32 @p1 $0x1;
	p0 =	seq.s32 s7, s2  }
0x1e: {  	s7 =	smul.u32 @!p0 $0xF7A, s2;
	p2 =	seq.s32 @!p0 s5, $0x0  }
0x1f: {  	s9 =	smul.u32 $0xF7A, s1;
	s8 =	simm.s32 @!p0 $0x1BF5;
	p2 =	por !p2, p0  }
0x20: {  	[sflag:s8] =	ssyncset.s32 @!p0 $0xFFFFF086;
	s6 =	sadd.s32 @!p0 s3, s7;
	s7 =	simm.s32 @!p0 $0x108  }
0x21: {  	s3 =	sadd.s32 s3, s9;
	s6 =	sadd.s32 @!p0 $0x88, s6;
	s7 =	simm.s32 @p2 $0x1082  }
0x22: {  	[simem:s7], [sflag:s8] =	dma.local @!p0 [hbm:s6], $0xF7A  }
0x23: {  	s9 =	sor.u32 $0xD0000000, s2;
	s6 =	simm.s32 $0x108;
	_ =	swait.ge @!p0 [sflag:s8], $0x0  }
0x24: {  	s3 =	sadd.s32 $0x88, s3;
	s6 =	simm.s32 @!p1 $0x1082;
	[sflag:s4] =	ssyncset.s32 $0xFFFFF086  }
0x25: {  	[simem:s6], [sflag:s4] =	dma.local [hbm:s3], $0xF7A  }
0x26: {  	[smem:$0x3F96] =	sst s1;
	(tag) =	ssettag s2;
	_ =	strace s9  }
0x27: {  	s1 =	sld [smem:$0x3FA6]  }
0x28: {  	s2 =	sld [smem:$0x3FA7]  }
0x29: {  	s4 =	sld [smem:$0x3FA9]  }
0x2a: {  	p0 =	seq.s32 s5, $0x0;
	s5 =	sld [smem:$0x3FAA]  }
0x2b: {  	s6 =	sld [smem:$0x3FAB]  }
0x2c: {  	s7 =	sld [smem:$0x3FAC]  }
0x2d: {  	s3 =	simm.s32 $0x108;
	s8 =	sld [smem:$0x3FAD]  }
0x2e: {  	s3 =	simm.s32 @!p0 $0x1082;
	s9 =	sld [smem:$0x3FAE]  }
0x2f: {  	lr =	sadd.s32 s0, s3;
	s0 =	sld [smem:$0x3FA5]  }
0x30: {  	s3 =	sld [smem:$0x3FA8]  }
0x31: {  	[smem:$0x3FB1] =	sst s10  }
0x32: {  	s10 =	sld [smem:$0x3FAF];
	_ =	sdelay $0x3  }
0x33: {  	p0 =	seq.s32 s10, $0x1;
	s10 =	sld [smem:$0x3FB1];
	_ =	sdelay $0x3  }
0x34: {  	[smem:$0x3FB1] =	sst s10  }
0x35: {  	s10 =	sld [smem:$0x3FB0];
	_ =	sdelay $0x3  }
0x36: {  	p1 =	seq.s32 s10, $0x1;
	s10 =	sld [smem:$0x3FB1];
	_ =	sdelay $0x3  }
0x37: {  	[smem:$0x3FB1] =	sst s10  }
0x38: {  	s10 =	sld [smem:$0x3FB2]  }
0x39: {  	_ = 	snop;
	(pc) =	sbr.ind lr, $3  }
0x3a: {  	_ = 	snop  }
0x3b: {  	_ = 	snop  }
0x3c: {  	p2 =	seq.s32 s10, $0x1;
	s10 =	sld [smem:$0x3FB1]  }
0x3d: {  	_ =	shalt  }
0x3e: {  	_ =	shalt  }
0x3f: {  	_ =	shalt  }
0x40: {  	_ =	shalt  }
0x41: {  	_ =	shalt  }
0x42: {  	_ =	shalt  }
0x43: {  	_ =	shalt  }
0x44: {  	_ =	shalt  }
0x45: {  	_ =	shalt  }
0x46: {  	_ =	shalt  }
0x47: {  	_ =	shalt  }
0x48: {  	_ =	shalt  }
0x49: {  	_ =	shalt  }
0x4a: {  	_ =	shalt  }
0x4b: {  	_ =	shalt  }
0x4c: {  	_ =	shalt  }
0x4d: {  	_ =	shalt  }
0x4e: {  	_ =	shalt  }
0x4f: {  	_ =	shalt  }
0x50: {  	_ =	shalt  }
0x51: {  	_ =	shalt  }
0x52: {  	_ =	shalt  }
0x53: {  	_ =	shalt  }
0x54: {  	_ =	shalt  }
0x55: {  	_ =	shalt  }
0x56: {  	_ =	shalt  }
0x57: {  	_ =	shalt  }
0x58: {  	_ =	shalt  }
0x59: {  	_ =	shalt  }
0x5a: {  	_ =	shalt  }
0x5b: {  	_ =	shalt  }
0x5c: {  	_ =	shalt  }
0x5d: {  	_ =	shalt  }
0x5e: {  	_ =	shalt  }
0x5f: {  	_ =	shalt  }
0x60: {  	_ =	shalt  }
0x61: {  	_ =	shalt  }
0x62: {  	_ =	shalt  }
0x63: {  	_ =	shalt  }
0x64: {  	_ =	shalt  }
0x65: {  	_ =	shalt  }
0x66: {  	_ =	shalt  }
0x67: {  	_ =	shalt  }
0x68: {  	_ =	shalt  }
0x69: {  	_ =	shalt  }
0x6a: {  	_ =	shalt  }
0x6b: {  	_ =	shalt  }
0x6c: {  	_ =	shalt  }
0x6d: {  	_ =	shalt  }
0x6e: {  	_ =	shalt  }
0x6f: {  	_ =	shalt  }
0x70: {  	_ =	shalt  }
0x71: {  	_ =	shalt  }
0x72: {  	_ =	shalt  }
0x73: {  	_ =	shalt  }
0x74: {  	_ =	shalt  }
0x75: {  	_ =	shalt  }
0x76: {  	_ =	shalt  }
0x77: {  	_ =	shalt  }
0x78: {  	_ =	shalt  }
0x79: {  	_ =	shalt  }
0x7a: {  	_ =	shalt  }
0x7b: {  	_ =	shalt  }
0x7c: {  	_ =	shalt  }
0x7d: {  	_ =	shalt  }
0x7e: {  	_ =	shalt  }
0x7f: {  	_ =	shalt  }
0x80: {  	_ =	shalt  }
0x81: {  	_ =	shalt  }
0x82: {  	_ =	shalt  }
0x83: {  	_ =	shalt  }
0x84: {  	_ =	shalt  }
0x85: {  	_ =	shalt  }
0x86: {  	_ =	shalt  }
0x87: {  	_ =	shalt  }
.Lfunc_end0:
.L_simem_size_0:
called_computation.2_lowered:
.L_overlay_start_0:
0x88: {  	s2 =	sld [smem:$0x3FD9]  }
0x89: {  	s3 =	sld [smem:$0x3FFE];
	_ =	sdelay $0x1  }
0x8a: {  	s1 =	srdreg.scid  }
0x8b: {  	s0 =	sand.u32 $0x1, s1  }
0x8c: {  	s17 =	sshll.u32 s0, $0xA;
	s2 =	sadd.s32 s3, s2  }
0x8d: {  	s2 =	sadd.s32 s2, s17  }
0x8e: {  	[smem:$0x3FBD] =	sst s2  }
0x8f: {  	_ = 	snop  }
0x90: {  	s2 =	sld [smem:$0x3FD0];
	(tm) =	ssettm $0x1  }
0x91: {  	s18 =	sld [smem:$0x3FFB];
	_ =	sdelay $0x3  }
0x92: {  	_ =	strace s18  }
0x93: {  	s3 =	sld [smem:$0x3FFC];
	_ =	sdelay $0x3  }
0x94: {  	_ =	strace s3  }
0x95: {  	s3 =	sld [smem:$0x3FFD];
	_ =	sdelay $0x3  }
0x96: {  	_ =	strace s3  }
0x97: {  	_ =	strace $0x8FFFFFFF  }
0x98: {  	s19 =	sld [smem:$0x3FDB];
	_ =	sdelay $0x1  }
0x99: {  	s4 =	simm.s32 $_scs_section_size  }
0x9a: {  	s5 =	simm.s32 $_size__tile_overlayer_lowered;
	s6 =	simm.s32 $_tile_overlayer_lowered  }
0x9b: {  	s22 =	simm.s32 $0x1BFF;
	s21 =	sshll.u32 s6, $0x1;
	s3 =	sadd.s32 s4, s19  }
0x9c: {  	s7 =	simm.s32 $0x0;
	s20 =	sshll.u32 s5, $0x1;
	s5 =	sadd.s32 s21, s3  }
0x9d: {  	[timem:s7], [sflag:s22] =	dma.local [hbm:s5], s20  }
0x9e: {  	_ =	swait.ge [sflag:s22], s20  }
0x9f: {  	s4 =	ssub.s32 $0x0, s20;
	[sflag:s22] =	ssyncset.done $0x0  }
0xa0: {  	[sflag:s22] =	ssyncadd.s32 s4;
	_ =	sdelay $0x1  }
0xa1: {  	s23 =	simm.s32 $0x1B8B  }
0xa2: {  	_ =	swait.ge [sflag:s23], $0x1  }
0xa3: {  	[sflag:s23] =	ssyncset.done $0x0  }
0xa4: {  	s25 =	simm.s32 $0x1B8E;
	s24 =	sld [smem:$0x3FFE];
	[sflag:s23] =	ssyncadd.s32 $0xFFFFFFFF  }
0xa5: {  	s26 =	simm.s32 $execute0_lowered;
	[smem:$0x3FD2] =	sst s25  }
0xa6: {  	s5 =	sshll.u32 s26, $0x1;
	_ =	strace $0x8000004C;
	[dreg:$0x1] =	wrdreg $0xFFFFFFFF  }
0xa7: {  	s28 =	simm.s32 $_size_execute0_lowered;
	s3 =	sadd.s32 s3, s5;
	[dreg:$0x0] =	wrdreg $0x0  }
0xa8: {  	s5 =	sshll.u32 s28, $0x1;
	[dreg:$0x2] =	wrdreg s3  }
0xa9: {  	[dreg:$0x3] =	wrdreg s5  }
0xaa: {  	[dreg:$0x4] =	wrdreg $0xC0  }
0xab: {  	_ =	task [dreg:s7], $0x5FFFF  }
0xac: {  	[dreg:$0x1] =	wrdreg $0xFFFFFFFF  }
0xad: {  	[dreg:$0x0] =	wrdreg $0x60  }
0xae: {  	[dreg:$0x2] =	wrdreg s24  }
0xaf: {  	[dreg:$0x3] =	wrdreg s2  }
0xb0: {  	[dreg:$0x4] =	wrdreg $0x99200  }
0xb1: {  	[dreg:$0x5] =	wrdreg $0x9  }
0xb2: {  	_ =	task.clear_ibuf [dreg:s7], $0x6FFFF;
	_ =	strace $0x9000004C  }
0xb3: {  	s29 =	simm.s32 $0x9;
	_ =	strace $0x8000004E  }
0xb4: {  	_ =	swait.ge [sflag:s29], $0x1  }
0xb5: {  	[sflag:s29] =	ssyncadd.s32 $0xFFFFFFFF  }
0xb6: {  	_ =	strace $0x9000004E  }
0xb7: {  	_ =	sfence  }
0xb8: {  	s30 =	sld [smem:$0x0];
	_ =	sdelay $0x2  }
0xb9: {  	s31 =	sshll.u32 s1, $0xD;
	s1 =	sshrl.u32 s1, $0x2  }
0xba: {  	s3 =	sand.u32 $0x4000, s31;
	s1 =	sadd.s32 s1, s30  }
0xbb: {  	s0 =	sor.u32 s3, s0;
	s1 =	sshll.u32 s1, $0x11  }
0xbc: {  	s0 =	sor.u32 s1, s0  }
0xbd: {  	s0 =	sadd.s32 $0x8F2B, s0  }
0xbe: {  	[sflag:s0] =	ssyncadd.remote.s32 $0x1  }
0xbf: {  	_ =	sfence.sel $0xFFFF  }
0xc0: {  	[dreg:$0x0] =	wrdreg $0xFFFFFFFF;
	(pc) =	sbr.abs _section_cstart, $3  }
0xc1: {  	[dreg:$0x1] =	wrdreg $0xFFFFFFFF  }
0xc2: {  	_ =	task.clear_ibuf [dreg:s7], $0x2FFFF;
	_ =	strace $0x9FFFFFFF  }
0xc3: {  	(tm) =	ssettm $0x7FFFFFFF  }
tec
execute0_lowered:
.L_overlay_start_1:
0x0: {  	(tag) =	ssettag $0x1  }
0x1: {  	s0 =	rddreg [dreg:$0x0]  }
0x2: {  	s1 =	rddreg [dreg:$0x1]  }
0x3: {  	s2 =	rddreg [dreg:$0x2];
	s3 =	srdreg.scid  }
0x4: {  	s10 =	stileid.u32;
	s5 =	simm.s32 $0x0;
	s11 =	simm.s32 $0x50  }
0x5: {  	s12 =	simm.s32 $0x4E20;
	s13 =	simm.s32 $0x5D20;
	s15 =	simm.s32 $0x6C20  }
0x6: {  	s16 =	simm.s32 $0xF0;
	s17 =	simm.s32 $0x7B20;
	s18 =	simm.s32 $0x140  }
0x7: {  	s19 =	simm.s32 $0x8A20;
	s20 =	simm.s32 $0x1;
	s21 =	simm.s32 $0x2  }
0x8: {  	s22 =	simm.s32 $0x3;
	s23 =	simm.s32 $0x4;
	s28 =	simm.s32 $0x4CE0  }
0x9: {  	s29 =	simm.s32 $0x4D30;
	s30 =	simm.s32 $0x4D80;
	s31 =	simm.s32 $0x4DD0  }
0xa: {  	s3 =	sand.u32 $0x1, s3;
	s4 =	sshll.u32 s10, $0x1;
	[smem:$0x7FF] =	sst s5  }
0xb: {  	s9 =	smul.u32 $0x7530, s10;
	s5 =	sadd.s32 $0x10E00, s0;
	s26 =	sshll.u32 s10, $0x6  }
0xc: {  	s6 =	smul.u32 $0xEA60, s3;
	s4 =	sor.u32 s3, s4;
	_ =	strace $0x8000004D  }
0xd: {  	s3 =	ssub.s32 $0x2, s3;
	s7 =	smul.u32 $0x4E2, s4;
	s4 =	sadd.s32 $0x2200, s0  }
0xe: {  	s8 =	sshrl.u32 s3, $0x1;
	s25 =	sadd.s32 s9, s2;
	s14 =	sshrl.u32 s9, $0x3  }
0xf: {  	s9 =	sor.u32 $0x1C06, s26;
	s26 =	simm.s32 $0x4C90;
	s0 =	sadd.s32 s6, s0  }
0x10: {  	s3 =	ssub.s32 s3, s8;
	s8 =	simm.s32 $0x6;
	s10 =	sshrl.u32 s25, $0x3  }
0x11: {  	s25 =	simm.s32 $0x5;
	s6 =	sadd.s32 s1, s7;
	s0 =	sadd.s32 $0x11E00, s0  }
0x12: {  	s7 =	smax.u32 s3, $0x1;
	s24 =	sadd.s32 s14, s0;
	s0 =	simm.s32 $0x0  }
.LBB2_1:
0x13: {  	s1 =	simm.s32 $0x0  }
0x14: {  	[tilespmem:s1], [sflag:$0x6] =	stream.linear.gather [hbm4b:s6+s1], $0x2710, $0x38;
	[tilespmem:$0x10E50] =	vst v63  }
0x15: {  	_ =	swait.ge [sflag:s8], $0x2710  }
0x16: {  	[sflag:s8] =	ssyncset.done $0x0  }
0x17: {  	[sflag:s8] =	ssyncadd.s32 $0xFFFFD8F0  }
0x18: {  	[spmem:s10], [sflag:s9] =	dma.local [hbm:s5], $0xEA6  }
0x19: {  	_ =	swait.ge [sflag:s8], $0xEA6  }
0x1a: {  	[sflag:s8] =	ssyncset.done $0x0  }
0x1b: {  	s1 =	simm.s32 $0x0;
	[sflag:s8] =	ssyncadd.s32 $0xFFFFF15A  }
0x1c: {  	v0 =	vld [tilespmem:s1+$0x0]  }
0x1d: {  	v1 =	vld [tilespmem:s1+$0x10]  }
0x1e: {  	v2 =	vld [tilespmem:s1+$0x20]  }
0x1f: {  	v4 =	vld [tilespmem:s1+$0x30]  }
0x20: {  	v5 =	vld [tilespmem:s1+$0x40]  }
0x21: {  	v3 =	vand.u32 $0xFFFF, v0  }
0x22: {  	[tilespmem:s1+$0x0] =	vst v3;
	v3 =	vand.u32 $0xFFFF, v1  }
0x23: {  	[tilespmem:s1+$0x10] =	vst v3;
	v3 =	vand.u32 $0xFFFF, v2  }
0x24: {  	[tilespmem:s1+$0x20] =	vst v3;
	v3 =	vand.u32 $0xFFFF, v4  }
0x25: {  	s3 =	simm.s32 $0x50;
	v6 =	vand.u32 $0xFFFF, v5;
	[tilespmem:s1+$0x30] =	vst v3  }
0x26: {  	v3 =	vld [tilespmem:s3+$0x0];
	[tilespmem:s1+$0x40] =	vst v6;
	v6 =	vshrl.u32 v0, $0x10  }
0x27: {  	v0 =	vld [tilespmem:s3+$0x10];
	[tilespmem:s1+$0x2710] =	vst v6;
	v6 =	vshrl.u32 v1, $0x10  }
0x28: {  	v1 =	vld [tilespmem:s3+$0x20];
	[tilespmem:s1+$0x2720] =	vst v6;
	v6 =	vshrl.u32 v2, $0x10  }
0x29: {  	s14 =	simm.s32 $0x280;
	v5 =	vshrl.u32 v5, $0x10;
	v4 =	vshrl.u32 v4, $0x10;
	v2 =	vld [tilespmem:s3+$0x30];
	[tilespmem:s1+$0x2730] =	vst v6  }
.LBB2_2:
0x2a: {  	p0 =	sne.s32 s14, $0x9B00;
	v6 =	vld [tilespmem:s3+$0x40];
	[tilespmem:s1+$0x2740] =	vst v4  }
0x2b: {  	v7 =	vshrl.u32 v3, $0x10;
	v3 =	vand.u32 $0xFFFF, v3;
	[tilespmem:s1+$0x2750] =	vst v5;
	s1 =	smov.u32 s3  }
0x2c: {  	[tilespmem:s1+$0x0] =	vst v3;
	v8 =	vshrl.u32 v0, $0x10;
	v0 =	vand.u32 $0xFFFF, v0  }
0x2d: {  	[tilespmem:s1+$0x10] =	vst v0;
	v9 =	vshrl.u32 v1, $0x10;
	v0 =	vand.u32 $0xFFFF, v1  }
0x2e: {  	[tilespmem:s1+$0x20] =	vst v0;
	v4 =	vshrl.u32 v2, $0x10;
	v0 =	vand.u32 $0xFFFF, v2  }
.Ltmp0:
0x2f: {  	s3 =	sshra.s32 s14, $0x2;
	[tilespmem:s1+$0x30] =	vst v0;
	v5 =	vshrl.u32 v6, $0x10;
	v0 =	vand.u32 $0xFFFF, v6;
	(pc) =	sbr.rel @p0 .LBB2_2-.Ltmp0, $4  }
0x30: {  	v3 =	vld [tilespmem:s3+$0x0];
	[tilespmem:s1+$0x40] =	vst v0  }
0x31: {  	v0 =	vld [tilespmem:s3+$0x10];
	[tilespmem:s1+$0x2710] =	vst v7  }
0x32: {  	v1 =	vld [tilespmem:s3+$0x20];
	[tilespmem:s1+$0x2720] =	vst v8  }
0x33: {  	s14 =	sadd.s32 $0x140, s14;
	v2 =	vld [tilespmem:s3+$0x30];
	[tilespmem:s1+$0x2730] =	vst v9  }
0x34: {  	v6 =	vld [tilespmem:s3+$0x40];
	[tilespmem:s1+$0x2740] =	vst v4  }
0x35: {  	[tilespmem:s1+$0x2750] =	vst v5;
	v54 =	vand.u32 $0xFFFF, v3  }
0x36: {  	v59 =	vshrl.u32 v3, $0x10;
	[tilespmem:s3+$0x0] =	vst v54  }
0x37: {  	v55 =	vand.u32 $0xFFFF, v0;
	[tilespmem:s3+$0x2710] =	vst v59  }
0x38: {  	v60 =	vshrl.u32 v0, $0x10;
	[tilespmem:s3+$0x10] =	vst v55  }
0x39: {  	v56 =	vand.u32 $0xFFFF, v1;
	[tilespmem:s3+$0x2720] =	vst v60  }
0x3a: {  	v61 =	vshrl.u32 v1, $0x10;
	[tilespmem:s3+$0x20] =	vst v56  }
0x3b: {  	v57 =	vand.u32 $0xFFFF, v2;
	[tilespmem:s3+$0x2730] =	vst v61  }
0x3c: {  	v62 =	vshrl.u32 v2, $0x10;
	[tilespmem:s3+$0x30] =	vst v57  }
0x3d: {  	v58 =	vand.u32 $0xFFFF, v6;
	[tilespmem:s3+$0x2740] =	vst v62  }
0x3e: {  	v63 =	vshrl.u32 v6, $0x10;
	[tilespmem:s3+$0x40] =	vst v58  }
0x3f: {  	[tilespmem:s3+$0x2750] =	vst v63  }
0x40: {  	s14 =	simm.s32 $0x0;
	[bflag:$0x0] =	sbarrier.arrive $0xFFFF  }
0x41: {  	[tilespmem:s12], [sflag:$0x1] =	stream.indirect.gather [hbm4b:s4+s11], $0x30, s14, s11, $0xb8;
	[tilespmem:$0x10E50] =	vst v63  }
0x42: {  	_ = 	snop  }
0x43: {  	[tilespmem:s13], [sflag:$0x2] =	stream.indirect.gather [hbm4b:s4+s11], $0x30, s11, s11, $0xb8;
	[tilespmem:$0x10E50] =	vst v63  }
0x44: {  	s3 =	simm.s32 $0xA0  }
0x45: {  	[tilespmem:s15], [sflag:$0x3] =	stream.indirect.gather [hbm4b:s4+s11], $0x30, s3, s11, $0xb8;
	[tilespmem:$0x10E50] =	vst v63  }
0x46: {  	_ = 	snop  }
0x47: {  	[tilespmem:s17], [sflag:$0x4] =	stream.indirect.gather [hbm4b:s4+s11], $0x30, s16, s11, $0xb8;
	[tilespmem:$0x10E50] =	vst v63  }
0x48: {  	_ = 	snop  }
0x49: {  	[tilespmem:s19], [sflag:$0x5] =	stream.indirect.gather [hbm4b:s4+s11], $0x30, s18, s11, $0xb8;
	[tilespmem:$0x10E50] =	vst v63  }
0x4a: {  	_ =	swait.ge [sflag:s20], $0xF00  }
0x4b: {  	[sflag:s20] =	ssyncset.done $0x0  }
0x4c: {  	s14 =	simm.s32 $0x2710;
	[sflag:s20] =	ssyncadd.s32 $0xFFFFF100  }
0x4d: {  	[spmem:s2] =	stream.indirect.scatter.add.f32 [tilespmem:s12], [sflag:$0x6], $0x30, s14, s11, $0xb8;
	[tilespmem:$0x10E50] =	vst v63  }
0x4e: {  	_ =	swait.ge [sflag:s8], $0xF00  }
0x4f: {  	[sflag:s8] =	ssyncset.done $0x0  }
0x50: {  	s3 =	simm.s32 $0x190;
	[sflag:s8] =	ssyncadd.s32 $0xFFFFF100  }
0x51: {  	[tilespmem:s12], [sflag:$0x1] =	stream.indirect.gather [hbm4b:s4+s11], $0x30, s3, s11, $0xb8;
	[tilespmem:$0x10E50] =	vst v63  }
0x52: {  	_ =	swait.ge [sflag:s21], $0xF00  }
0x53: {  	[sflag:s21] =	ssyncset.done $0x0  }
0x54: {  	s14 =	simm.s32 $0x2760;
	[sflag:s21] =	ssyncadd.s32 $0xFFFFF100  }
0x55: {  	[spmem:s2] =	stream.indirect.scatter.add.f32 [tilespmem:s13], [sflag:$0x6], $0x30, s14, s11, $0xb8;
	[tilespmem:$0x10E50] =	vst v63  }
0x56: {  	_ =	swait.ge [sflag:s8], $0xF00  }
0x57: {  	[sflag:s8] =	ssyncset.done $0x0  }
0x58: {  	s3 =	simm.s32 $0x1E0;
	[sflag:s8] =	ssyncadd.s32 $0xFFFFF100  }
0x59: {  	[tilespmem:s13], [sflag:$0x2] =	stream.indirect.gather [hbm4b:s4+s11], $0x30, s3, s11, $0xb8;
	[tilespmem:$0x10E50] =	vst v63  }
0x5a: {  	_ =	swait.ge [sflag:s22], $0xF00  }
0x5b: {  	[sflag:s22] =	ssyncset.done $0x0  }
0x5c: {  	s14 =	simm.s32 $0x27B0;
	[sflag:s22] =	ssyncadd.s32 $0xFFFFF100  }
0x5d: {  	[spmem:s2] =	stream.indirect.scatter.add.f32 [tilespmem:s15], [sflag:$0x6], $0x30, s14, s11, $0xb8;
	[tilespmem:$0x10E50] =	vst v63  }
0x5e: {  	_ =	swait.ge [sflag:s8], $0xF00  }
0x5f: {  	[sflag:s8] =	ssyncset.done $0x0  }
0x60: {  	s3 =	simm.s32 $0x230;
	[sflag:s8] =	ssyncadd.s32 $0xFFFFF100  }
0x61: {  	[tilespmem:s15], [sflag:$0x3] =	stream.indirect.gather [hbm4b:s4+s11], $0x30, s3, s11, $0xb8;
	[tilespmem:$0x10E50] =	vst v63  }
0x62: {  	_ =	swait.ge [sflag:s23], $0xF00  }
0x63: {  	[sflag:s23] =	ssyncset.done $0x0  }
0x64: {  	s14 =	simm.s32 $0x2800;
	[sflag:s23] =	ssyncadd.s32 $0xFFFFF100  }
0x65: {  	[spmem:s2] =	stream.indirect.scatter.add.f32 [tilespmem:s17], [sflag:$0x6], $0x30, s14, s11, $0xb8;
	[tilespmem:$0x10E50] =	vst v63  }
0x66: {  	_ =	swait.ge [sflag:s8], $0xF00  }
0x67: {  	[sflag:s8] =	ssyncset.done $0x0  }
0x68: {  	s3 =	simm.s32 $0x280;
	[sflag:s8] =	ssyncadd.s32 $0xFFFFF100  }
0x69: {  	[tilespmem:s17], [sflag:$0x4] =	stream.indirect.gather [hbm4b:s4+s11], $0x30, s3, s11, $0xb8;
	[tilespmem:$0x10E50] =	vst v63  }
0x6a: {  	_ =	swait.ge [sflag:s25], $0xF00  }
0x6b: {  	[sflag:s25] =	ssyncset.done $0x0  }
0x6c: {  	s14 =	simm.s32 $0x2850;
	[sflag:s25] =	ssyncadd.s32 $0xFFFFF100  }
0x6d: {  	[spmem:s2] =	stream.indirect.scatter.add.f32 [tilespmem:s19], [sflag:$0x6], $0x30, s14, s11, $0xb8;
	[tilespmem:$0x10E50] =	vst v63  }
0x6e: {  	_ =	swait.ge [sflag:s8], $0xF00  }
0x6f: {  	[sflag:s8] =	ssyncset.done $0x0  }
0x70: {  	s1 =	simm.s32 $0x640;
	s3 =	simm.s32 $0x2D0;
	[sflag:s8] =	ssyncadd.s32 $0xFFFFF100  }
.LBB2_4:
0x71: {  	[tilespmem:s19], [sflag:$0x5] =	stream.indirect.gather [hbm4b:s4+s11], $0x30, s3, s11, $0xb8;
	[tilespmem:$0x10E50] =	vst v63  }
0x72: {  	s3 =	smov.u32 s1  }
0x73: {  	p0 =	sne.s32 s1, $0x8FC0;
	s1 =	sadd.s32 $0x640, s1;
	_ =	swait.ge [sflag:s20], $0xF00  }
0x74: {  	s3 =	sshra.s32 s3, $0x2;
	[sflag:s20] =	ssyncset.done $0x0  }
0x75: {  	s14 =	sadd.s32 $0x2710, s3;
	[sflag:s20] =	ssyncadd.s32 $0xFFFFF100  }
0x76: {  	[spmem:s2] =	stream.indirect.scatter.add.f32 [tilespmem:s12], [sflag:$0x6], $0x30, s14, s11, $0xb8;
	[tilespmem:$0x10E50] =	vst v63  }
0x77: {  	_ =	swait.ge [sflag:s8], $0xF00  }
0x78: {  	[sflag:s8] =	ssyncset.done $0x0  }
0x79: {  	s14 =	sadd.s32 $0x190, s3;
	[sflag:s8] =	ssyncadd.s32 $0xFFFFF100  }
0x7a: {  	[tilespmem:s12], [sflag:$0x1] =	stream.indirect.gather [hbm4b:s4+s11], $0x30, s14, s11, $0xb8;
	[tilespmem:$0x10E50] =	vst v63  }
0x7b: {  	_ =	swait.ge [sflag:s21], $0xF00  }
0x7c: {  	[sflag:s21] =	ssyncset.done $0x0  }
0x7d: {  	s14 =	sadd.s32 $0x2760, s3;
	[sflag:s21] =	ssyncadd.s32 $0xFFFFF100  }
0x7e: {  	[spmem:s2] =	stream.indirect.scatter.add.f32 [tilespmem:s13], [sflag:$0x6], $0x30, s14, s11, $0xb8;
	[tilespmem:$0x10E50] =	vst v63  }
0x7f: {  	_ =	swait.ge [sflag:s8], $0xF00  }
0x80: {  	[sflag:s8] =	ssyncset.done $0x0  }
0x81: {  	s14 =	sadd.s32 $0x1E0, s3;
	[sflag:s8] =	ssyncadd.s32 $0xFFFFF100  }
0x82: {  	[tilespmem:s13], [sflag:$0x2] =	stream.indirect.gather [hbm4b:s4+s11], $0x30, s14, s11, $0xb8;
	[tilespmem:$0x10E50] =	vst v63  }
0x83: {  	_ =	swait.ge [sflag:s22], $0xF00  }
0x84: {  	[sflag:s22] =	ssyncset.done $0x0  }
0x85: {  	s14 =	sadd.s32 $0x27B0, s3;
	[sflag:s22] =	ssyncadd.s32 $0xFFFFF100  }
0x86: {  	[spmem:s2] =	stream.indirect.scatter.add.f32 [tilespmem:s15], [sflag:$0x6], $0x30, s14, s11, $0xb8;
	[tilespmem:$0x10E50] =	vst v63  }
0x87: {  	_ =	swait.ge [sflag:s8], $0xF00  }
0x88: {  	[sflag:s8] =	ssyncset.done $0x0  }
0x89: {  	s14 =	sadd.s32 $0x230, s3;
	[sflag:s8] =	ssyncadd.s32 $0xFFFFF100  }
0x8a: {  	[tilespmem:s15], [sflag:$0x3] =	stream.indirect.gather [hbm4b:s4+s11], $0x30, s14, s11, $0xb8;
	[tilespmem:$0x10E50] =	vst v63  }
0x8b: {  	_ =	swait.ge [sflag:s23], $0xF00  }
0x8c: {  	[sflag:s23] =	ssyncset.done $0x0  }
0x8d: {  	s14 =	sadd.s32 $0x2800, s3;
	[sflag:s23] =	ssyncadd.s32 $0xFFFFF100  }
0x8e: {  	[spmem:s2] =	stream.indirect.scatter.add.f32 [tilespmem:s17], [sflag:$0x6], $0x30, s14, s11, $0xb8;
	[tilespmem:$0x10E50] =	vst v63  }
0x8f: {  	_ =	swait.ge [sflag:s8], $0xF00  }
0x90: {  	[sflag:s8] =	ssyncset.done $0x0  }
0x91: {  	s14 =	sadd.s32 $0x280, s3;
	[sflag:s8] =	ssyncadd.s32 $0xFFFFF100  }
0x92: {  	[tilespmem:s17], [sflag:$0x4] =	stream.indirect.gather [hbm4b:s4+s11], $0x30, s14, s11, $0xb8;
	[tilespmem:$0x10E50] =	vst v63  }
0x93: {  	_ =	swait.ge [sflag:s25], $0xF00  }
0x94: {  	[sflag:s25] =	ssyncset.done $0x0  }
.Ltmp1:
0x95: {  	s14 =	sadd.s32 $0x2850, s3;
	[sflag:s25] =	ssyncadd.s32 $0xFFFFF100;
	(pc) =	sbr.rel @p0 .LBB2_4-.Ltmp1, $4  }
0x96: {  	[spmem:s2] =	stream.indirect.scatter.add.f32 [tilespmem:s19], [sflag:$0x6], $0x30, s14, s11, $0xb8;
	[tilespmem:$0x10E50] =	vst v63  }
0x97: {  	_ =	swait.ge [sflag:s8], $0xF00  }
0x98: {  	[sflag:s8] =	ssyncset.done $0x0  }
0x99: {  	s3 =	sadd.s32 $0x2D0, s3;
	[sflag:s8] =	ssyncadd.s32 $0xFFFFF100  }
0x9a: {  	[tilespmem:s19], [sflag:$0x5] =	stream.indirect.gather [hbm4b:s4+s11], $0x30, s3, s11, $0xb8;
	[tilespmem:$0x10E50] =	vst v63  }
0x9b: {  	_ =	swait.ge [sflag:s20], $0xF00  }
0x9c: {  	[sflag:s20] =	ssyncset.done $0x0  }
0x9d: {  	[sflag:s20] =	ssyncadd.s32 $0xFFFFF100  }
0x9e: {  	[spmem:s2] =	stream.indirect.scatter.add.f32 [tilespmem:s12], [sflag:$0x6], $0x30, s26, s11, $0xb8;
	[tilespmem:$0x10E50] =	vst v63  }
0x9f: {  	_ =	swait.ge [sflag:s8], $0xF00  }
0xa0: {  	[sflag:s8] =	ssyncset.done $0x0  }
0xa1: {  	[sflag:s8] =	ssyncadd.s32 $0xFFFFF100  }
0xa2: {  	_ =	swait.ge [sflag:s21], $0xF00  }
0xa3: {  	[sflag:s21] =	ssyncset.done $0x0  }
0xa4: {  	[sflag:s21] =	ssyncadd.s32 $0xFFFFF100  }
0xa5: {  	[spmem:s2] =	stream.indirect.scatter.add.f32 [tilespmem:s13], [sflag:$0x6], $0x30, s28, s11, $0xb8;
	[tilespmem:$0x10E50] =	vst v63  }
0xa6: {  	_ =	swait.ge [sflag:s8], $0xF00  }
0xa7: {  	[sflag:s8] =	ssyncset.done $0x0  }
0xa8: {  	[sflag:s8] =	ssyncadd.s32 $0xFFFFF100  }
0xa9: {  	_ =	swait.ge [sflag:s22], $0xF00  }
0xaa: {  	[sflag:s22] =	ssyncset.done $0x0  }
0xab: {  	[sflag:s22] =	ssyncadd.s32 $0xFFFFF100  }
0xac: {  	[spmem:s2] =	stream.indirect.scatter.add.f32 [tilespmem:s15], [sflag:$0x6], $0x30, s29, s11, $0xb8;
	[tilespmem:$0x10E50] =	vst v63  }
0xad: {  	_ =	swait.ge [sflag:s8], $0xF00  }
0xae: {  	[sflag:s8] =	ssyncset.done $0x0  }
0xaf: {  	[sflag:s8] =	ssyncadd.s32 $0xFFFFF100  }
0xb0: {  	_ =	swait.ge [sflag:s23], $0xF00  }
0xb1: {  	[sflag:s23] =	ssyncset.done $0x0  }
0xb2: {  	[sflag:s23] =	ssyncadd.s32 $0xFFFFF100  }
0xb3: {  	[spmem:s2] =	stream.indirect.scatter.add.f32 [tilespmem:s17], [sflag:$0x6], $0x30, s30, s11, $0xb8;
	[tilespmem:$0x10E50] =	vst v63  }
0xb4: {  	_ =	swait.ge [sflag:s8], $0xF00  }
0xb5: {  	[sflag:s8] =	ssyncset.done $0x0  }
0xb6: {  	[sflag:s8] =	ssyncadd.s32 $0xFFFFF100  }
0xb7: {  	_ =	swait.ge [sflag:s25], $0xF00  }
0xb8: {  	[sflag:s25] =	ssyncset.done $0x0  }
0xb9: {  	[sflag:s25] =	ssyncadd.s32 $0xFFFFF100  }
0xba: {  	[spmem:s2] =	stream.indirect.scatter.add.f32 [tilespmem:s19], [sflag:$0x6], $0x30, s31, s11, $0xb8;
	[tilespmem:$0x10E50] =	vst v63  }
0xbb: {  	_ =	swait.ge [sflag:s8], $0xF00  }
0xbc: {  	s0 =	sadd.s32 $0x1, s0;
	[sflag:s8] =	ssyncset.done $0x0  }
0xbd: {  	p0 =	sne.s32 s0, s7;
	[sflag:s8] =	ssyncadd.s32 $0xFFFFF100  }
.Ltmp2:
0xbe: {  	[bflag:$0x0] =	sbarrier.arrive $0xFFFF;
	(pc) =	sbr.rel @p0 .LBB2_1-.Ltmp2, $4  }
0xbf: {  	[hbm:s24], [sflag:s9] =	dma.local [spmem:s10], $0xEA6  }
0xc0: {  	_ =	swait.ge [sflag:s8], $0xEA6  }
0xc1: {  	[sflag:s8] =	ssyncset.done $0x0  }
0xc2: {  	[sflag:s8] =	ssyncadd.s32 $0xFFFFF15A  }
0xc3: {  	_ =	sfence.sel $0x180000  }
0xc4: {  	[bflag:$0x0] =	sbarrier.arrive $0xFFFF  }
0xc5: {  	_ =	strace $0x9000004D  }
0xc6: {  	s0 =	stileid.u32;
	[bflag:$0x2] =	sbarrier.arrive $0xFFFF  }
0xc7: {  	p0 =	sne.s32 s0, $0x0;
	s0 =	rddreg [dreg:$0x3]  }
0xc8: {  	s0 =	sadd.s32 @!p0 $0x100000, s0  }
0xc9: {  	[sflag:s0] =	ssyncadd.tile.s32 @!p0 $0x1;
	_ =	shalt  }
.Lfunc_end2:
_tile_overlayer_lowered:
.L_overlay_start_2:
0xca: {  	(tag) =	ssettag $0x2  }
0xcb: {  	s0 =	rddreg [dreg:$0x0];
	s2 =	stileid.u32  }
0xcc: {  	s1 =	rddreg [dreg:$0x1];
	p0 =	sne.s32 s2, $0x0  }
0xcd: {  	s3 =	rddreg [dreg:$0x2];
	[bflag:$0x3] =	sbarrier.arrive $0xFFFF;
	s2 =	simm.s32 @!p0 $0x1C06  }
0xce: {  	[timem:s3], [sflag:s2] =	dma.local @!p0 [hbm:s0], s1  }
0xcf: {  	s0 =	simm.s32 @!p0 $0x6  }
0xd0: {  	_ =	swait.ge @!p0 [sflag:s0], s1  }
0xd1: {  	s1 =	ssub.s32 @!p0 $0x0, s1;
	[sflag:s0] =	ssyncset.done @!p0 $0x0  }
0xd2: {  	[sflag:s0] =	ssyncadd.s32 @!p0 s1  }
0xd3: {  	[bflag:$0x3] =	sbarrier.arrive $0xFFFF  }
0xd4: {  	_ =	shalt  }

// kernel: kernel.9.cloned.1.call-start
scs
__scs_entry_jumppad:
0x0: {  	(pc) =	sbr.rel $0x88, $3  }
0x1: {  	(tag) =	ssettag $0x0;
	lr =	simm.s32 $0x1  }
0x2: {  	[smem:$0x3F96] =	sst lr;
	_ =	strace $0xD0000000  }
0x3: {  	_ = 	snop  }
0x4: {  	_ = 	snop  }
0x5: {  	_ = 	snop  }
0x6: {  	_ = 	snop  }
0x7: {  	_ = 	snop  }
__scs_overlays_trampoline_lowered:
0x8: {  	[smem:$0x3FA5] =	sst s0  }
0x9: {  	[smem:$0x3FA6] =	sst s1  }
0xa: {  	[smem:$0x3FA7] =	sst s2  }
0xb: {  	[smem:$0x3FA8] =	sst s3  }
0xc: {  	[smem:$0x3FA9] =	sst s4  }
0xd: {  	[smem:$0x3FAA] =	sst s5  }
0xe: {  	[smem:$0x3FAB] =	sst s6  }
0xf: {  	[smem:$0x3FAC] =	sst s7  }
0x10: {  	[smem:$0x3FAD] =	sst s8  }
0x11: {  	[smem:$0x3FAE] =	sst s9;
	s0 =	simm.s32 @!p0 $0x0  }
0x12: {  	s1 =	sld [smem:$0x3F94];
	s0 =	simm.s32 @p0 $0x1  }
0x13: {  	[smem:$0x3FAF] =	sst s0;
	s0 =	simm.s32 @!p1 $0x0  }
0x14: {  	s2 =	sld [smem:$0x3F93];
	s0 =	simm.s32 @p1 $0x1  }
0x15: {  	[smem:$0x3FB0] =	sst s0;
	s0 =	simm.s32 @!p2 $0x0  }
0x16: {  	s3 =	sld [smem:$0x3FDB];
	s0 =	simm.s32 @p2 $0x1  }
0x17: {  	s4 =	simm.s32 $0x1BF5;
	[smem:$0x3FB2] =	sst s0  }
0x18: {  	s0 =	sld [smem:$0x3F95];
	_ =	swait.ge [sflag:s4], $0x0  }
0x19: {  	s7 =	sld [smem:$0x3F96]  }
0x1a: {  	s8 =	sadd.s32 $0xFFFFE003, lr  }
0x1b: {  	s9 =	sadd.s32 $0xFFFFFEF7, lr;
	s5 =	simm.s32 $0xFFFFFFFF;
	p2 =	slt.u32 s8, $0xFFFFF086  }
0x1c: {  	p1 =	slt.u32 s9, $0xF7A;
	s5 =	simm.s32 @!p2 $0x0  }
0x1d: {  	s5 =	simm.s32 @p1 $0x1;
	p0 =	seq.s32 s7, s2  }
0x1e: {  	s7 =	smul.u32 @!p0 $0xF7A, s2;
	p2 =	seq.s32 @!p0 s5, $0x0  }
0x1f: {  	s9 =	smul.u32 $0xF7A, s1;
	s8 =	simm.s32 @!p0 $0x1BF5;
	p2 =	por !p2, p0  }
0x20: {  	[sflag:s8] =	ssyncset.s32 @!p0 $0xFFFFF086;
	s6 =	sadd.s32 @!p0 s3, s7;
	s7 =	simm.s32 @!p0 $0x108  }
0x21: {  	s3 =	sadd.s32 s3, s9;
	s6 =	sadd.s32 @!p0 $0x88, s6;
	s7 =	simm.s32 @p2 $0x1082  }
0x22: {  	[simem:s7], [sflag:s8] =	dma.local @!p0 [hbm:s6], $0xF7A  }
0x23: {  	s9 =	sor.u32 $0xD0000000, s2;
	s6 =	simm.s32 $0x108;
	_ =	swait.ge @!p0 [sflag:s8], $0x0  }
0x24: {  	s3 =	sadd.s32 $0x88, s3;
	s6 =	simm.s32 @!p1 $0x1082;
	[sflag:s4] =	ssyncset.s32 $0xFFFFF086  }
0x25: {  	[simem:s6], [sflag:s4] =	dma.local [hbm:s3], $0xF7A  }
0x26: {  	[smem:$0x3F96] =	sst s1;
	(tag) =	ssettag s2;
	_ =	strace s9  }
0x27: {  	s1 =	sld [smem:$0x3FA6]  }
0x28: {  	s2 =	sld [smem:$0x3FA7]  }
0x29: {  	s4 =	sld [smem:$0x3FA9]  }
0x2a: {  	p0 =	seq.s32 s5, $0x0;
	s5 =	sld [smem:$0x3FAA]  }
0x2b: {  	s6 =	sld [smem:$0x3FAB]  }
0x2c: {  	s7 =	sld [smem:$0x3FAC]  }
0x2d: {  	s3 =	simm.s32 $0x108;
	s8 =	sld [smem:$0x3FAD]  }
0x2e: {  	s3 =	simm.s32 @!p0 $0x1082;
	s9 =	sld [smem:$0x3FAE]  }
0x2f: {  	lr =	sadd.s32 s0, s3;
	s0 =	sld [smem:$0x3FA5]  }
0x30: {  	s3 =	sld [smem:$0x3FA8]  }
0x31: {  	[smem:$0x3FB1] =	sst s10  }
0x32: {  	s10 =	sld [smem:$0x3FAF];
	_ =	sdelay $0x3  }
0x33: {  	p0 =	seq.s32 s10, $0x1;
	s10 =	sld [smem:$0x3FB1];
	_ =	sdelay $0x3  }
0x34: {  	[smem:$0x3FB1] =	sst s10  }
0x35: {  	s10 =	sld [smem:$0x3FB0];
	_ =	sdelay $0x3  }
0x36: {  	p1 =	seq.s32 s10, $0x1;
	s10 =	sld [smem:$0x3FB1];
	_ =	sdelay $0x3  }
0x37: {  	[smem:$0x3FB1] =	sst s10  }
0x38: {  	s10 =	sld [smem:$0x3FB2]  }
0x39: {  	_ = 	snop;
	(pc) =	sbr.ind lr, $3  }
0x3a: {  	_ = 	snop  }
0x3b: {  	_ = 	snop  }
0x3c: {  	p2 =	seq.s32 s10, $0x1;
	s10 =	sld [smem:$0x3FB1]  }
0x3d: {  	_ =	shalt  }
0x3e: {  	_ =	shalt  }
0x3f: {  	_ =	shalt  }
0x40: {  	_ =	shalt  }
0x41: {  	_ =	shalt  }
0x42: {  	_ =	shalt  }
0x43: {  	_ =	shalt  }
0x44: {  	_ =	shalt  }
0x45: {  	_ =	shalt  }
0x46: {  	_ =	shalt  }
0x47: {  	_ =	shalt  }
0x48: {  	_ =	shalt  }
0x49: {  	_ =	shalt  }
0x4a: {  	_ =	shalt  }
0x4b: {  	_ =	shalt  }
0x4c: {  	_ =	shalt  }
0x4d: {  	_ =	shalt  }
0x4e: {  	_ =	shalt  }
0x4f: {  	_ =	shalt  }
0x50: {  	_ =	shalt  }
0x51: {  	_ =	shalt  }
0x52: {  	_ =	shalt  }
0x53: {  	_ =	shalt  }
0x54: {  	_ =	shalt  }
0x55: {  	_ =	shalt  }
0x56: {  	_ =	shalt  }
0x57: {  	_ =	shalt  }
0x58: {  	_ =	shalt  }
0x59: {  	_ =	shalt  }
0x5a: {  	_ =	shalt  }
0x5b: {  	_ =	shalt  }
0x5c: {  	_ =	shalt  }
0x5d: {  	_ =	shalt  }
0x5e: {  	_ =	shalt  }
0x5f: {  	_ =	shalt  }
0x60: {  	_ =	shalt  }
0x61: {  	_ =	shalt  }
0x62: {  	_ =	shalt  }
0x63: {  	_ =	shalt  }
0x64: {  	_ =	shalt  }
0x65: {  	_ =	shalt  }
0x66: {  	_ =	shalt  }
0x67: {  	_ =	shalt  }
0x68: {  	_ =	shalt  }
0x69: {  	_ =	shalt  }
0x6a: {  	_ =	shalt  }
0x6b: {  	_ =	shalt  }
0x6c: {  	_ =	shalt  }
0x6d: {  	_ =	shalt  }
0x6e: {  	_ =	shalt  }
0x6f: {  	_ =	shalt  }
0x70: {  	_ =	shalt  }
0x71: {  	_ =	shalt  }
0x72: {  	_ =	shalt  }
0x73: {  	_ =	shalt  }
0x74: {  	_ =	shalt  }
0x75: {  	_ =	shalt  }
0x76: {  	_ =	shalt  }
0x77: {  	_ =	shalt  }
0x78: {  	_ =	shalt  }
0x79: {  	_ =	shalt  }
0x7a: {  	_ =	shalt  }
0x7b: {  	_ =	shalt  }
0x7c: {  	_ =	shalt  }
0x7d: {  	_ =	shalt  }
0x7e: {  	_ =	shalt  }
0x7f: {  	_ =	shalt  }
0x80: {  	_ =	shalt  }
0x81: {  	_ =	shalt  }
0x82: {  	_ =	shalt  }
0x83: {  	_ =	shalt  }
0x84: {  	_ =	shalt  }
0x85: {  	_ =	shalt  }
0x86: {  	_ =	shalt  }
0x87: {  	_ =	shalt  }
.Lfunc_end0:
.L_simem_size_0:
called_computation_lowered:
.L_overlay_start_0:
0x88: {  	s2 =	sld [smem:$0x3FD9]  }
0x89: {  	s3 =	sld [smem:$0x3FFE];
	_ =	sdelay $0x1  }
0x8a: {  	s1 =	srdreg.scid  }
0x8b: {  	s0 =	sand.u32 $0x1, s1  }
0x8c: {  	s17 =	sshll.u32 s0, $0xA;
	s2 =	sadd.s32 s3, s2  }
0x8d: {  	s2 =	sadd.s32 s2, s17  }
0x8e: {  	[smem:$0x3FBD] =	sst s2  }
0x8f: {  	_ = 	snop  }
0x90: {  	s2 =	sld [smem:$0x3FD0];
	(tm) =	ssettm $0x1  }
0x91: {  	s18 =	sld [smem:$0x3FFB];
	_ =	sdelay $0x3  }
0x92: {  	_ =	strace s18  }
0x93: {  	s3 =	sld [smem:$0x3FFC];
	_ =	sdelay $0x3  }
0x94: {  	_ =	strace s3  }
0x95: {  	s3 =	sld [smem:$0x3FFD];
	_ =	sdelay $0x3  }
0x96: {  	_ =	strace s3  }
0x97: {  	_ =	strace $0x8FFFFFFF  }
0x98: {  	s19 =	sld [smem:$0x3FDB];
	_ =	sdelay $0x1  }
0x99: {  	s4 =	simm.s32 $_scs_section_size  }
0x9a: {  	s5 =	simm.s32 $_size__tile_overlayer_lowered;
	s6 =	simm.s32 $_tile_overlayer_lowered  }
0x9b: {  	s22 =	simm.s32 $0x1BFF;
	s21 =	sshll.u32 s6, $0x1;
	s3 =	sadd.s32 s4, s19  }
0x9c: {  	s7 =	simm.s32 $0x0;
	s20 =	sshll.u32 s5, $0x1;
	s5 =	sadd.s32 s21, s3  }
0x9d: {  	[timem:s7], [sflag:s22] =	dma.local [hbm:s5], s20  }
0x9e: {  	_ =	swait.ge [sflag:s22], s20  }
0x9f: {  	s4 =	ssub.s32 $0x0, s20;
	[sflag:s22] =	ssyncset.done $0x0  }
0xa0: {  	[sflag:s22] =	ssyncadd.s32 s4;
	_ =	sdelay $0x1  }
0xa1: {  	s23 =	simm.s32 $0x1B8B  }
0xa2: {  	_ =	swait.ge [sflag:s23], $0x1  }
0xa3: {  	[sflag:s23] =	ssyncset.done $0x0  }
0xa4: {  	s25 =	simm.s32 $0x1B8E;
	s24 =	sld [smem:$0x3FFE];
	[sflag:s23] =	ssyncadd.s32 $0xFFFFFFFF  }
0xa5: {  	s26 =	simm.s32 $execute0_lowered;
	[smem:$0x3FD2] =	sst s25  }
0xa6: {  	s5 =	sshll.u32 s26, $0x1;
	_ =	strace $0x80000046;
	[dreg:$0x1] =	wrdreg $0xFFFFFFFF  }
0xa7: {  	s28 =	simm.s32 $_size_execute0_lowered;
	s3 =	sadd.s32 s3, s5;
	[dreg:$0x0] =	wrdreg $0x0  }
0xa8: {  	s5 =	sshll.u32 s28, $0x1;
	[dreg:$0x2] =	wrdreg s3  }
0xa9: {  	[dreg:$0x3] =	wrdreg s5  }
0xaa: {  	[dreg:$0x4] =	wrdreg $0xC0  }
0xab: {  	_ =	task [dreg:s7], $0x5FFFF  }
0xac: {  	[dreg:$0x1] =	wrdreg $0xFFFFFFFF  }
0xad: {  	[dreg:$0x0] =	wrdreg $0x60  }
0xae: {  	[dreg:$0x2] =	wrdreg s24  }
0xaf: {  	[dreg:$0x3] =	wrdreg s2  }
0xb0: {  	[dreg:$0x4] =	wrdreg $0x119400  }
0xb1: {  	[dreg:$0x5] =	wrdreg $0x9  }
0xb2: {  	_ =	task.clear_ibuf [dreg:s7], $0x6FFFF;
	_ =	strace $0x90000046  }
0xb3: {  	s29 =	simm.s32 $0x9;
	_ =	strace $0x80000048  }
0xb4: {  	_ =	swait.ge [sflag:s29], $0x1  }
0xb5: {  	[sflag:s29] =	ssyncadd.s32 $0xFFFFFFFF  }
0xb6: {  	_ =	strace $0x90000048  }
0xb7: {  	_ =	sfence  }
0xb8: {  	s30 =	sld [smem:$0x0];
	_ =	sdelay $0x2  }
0xb9: {  	s31 =	sshll.u32 s1, $0xD;
	s1 =	sshrl.u32 s1, $0x2  }
0xba: {  	s3 =	sand.u32 $0x4000, s31;
	s1 =	sadd.s32 s1, s30  }
0xbb: {  	s0 =	sor.u32 s3, s0;
	s1 =	sshll.u32 s1, $0x11  }
0xbc: {  	s0 =	sor.u32 s1, s0  }
0xbd: {  	s0 =	sadd.s32 $0x8F2B, s0  }
0xbe: {  	[sflag:s0] =	ssyncadd.remote.s32 $0x1  }
0xbf: {  	_ =	sfence.sel $0xFFFF  }
0xc0: {  	[dreg:$0x0] =	wrdreg $0xFFFFFFFF;
	(pc) =	sbr.abs _section_cstart, $3  }
0xc1: {  	[dreg:$0x1] =	wrdreg $0xFFFFFFFF  }
0xc2: {  	_ =	task.clear_ibuf [dreg:s7], $0x2FFFF;
	_ =	strace $0x9FFFFFFF  }
0xc3: {  	(tm) =	ssettm $0x7FFFFFFF  }
tec
execute0_lowered:
.L_overlay_start_1:
0x0: {  	(tag) =	ssettag $0x1  }
0x1: {  	s0 =	rddreg [dreg:$0x0]  }
0x2: {  	s2 =	rddreg [dreg:$0x1]  }
0x3: {  	s1 =	rddreg [dreg:$0x2]  }
0x4: {  	s4 =	simm.s32 $0x0;
	s3 =	srdreg.scid;
	s11 =	stileid.u32  }
0x5: {  	s12 =	simm.s32 $0x9C40;
	s13 =	simm.s32 $0xB540;
	s15 =	simm.s32 $0xCE40  }
0x6: {  	s16 =	simm.s32 $0xF0;
	s17 =	simm.s32 $0xE740;
	s18 =	simm.s32 $0x140  }
0x7: {  	s19 =	simm.s32 $0x10040;
	s20 =	simm.s32 $0x1;
	s21 =	simm.s32 $0x2  }
0x8: {  	s22 =	simm.s32 $0x3;
	s24 =	simm.s32 $0x4;
	s28 =	simm.s32 $0x9B00  }
0x9: {  	s29 =	simm.s32 $0x9B50;
	s30 =	simm.s32 $0x9BA0;
	s31 =	simm.s32 $0x9BF0  }
0xa: {  	[smem:$0x7FF] =	sst s4;
	s3 =	sand.u32 $0x1, s3;
	s8 =	smul.u32 $0x9C4, s11  }
0xb: {  	s4 =	sadd.s32 $0x2200, s0;
	s5 =	sadd.s32 $0x33000, s0;
	s10 =	smul.u32 $0xC350, s11  }
0xc: {  	s26 =	sshll.u32 s11, $0x6;
	s11 =	simm.s32 $0x50;
	s6 =	smul.u32 $0x186A0, s3  }
0xd: {  	_ =	strace $0x80000047;
	s7 =	ssub.s32 $0x2, s3;
	s3 =	smul.u32 $0x2710, s3  }
0xe: {  	s9 =	sshrl.u32 s7, $0x1;
	s25 =	sadd.s32 s10, s1;
	s14 =	sshrl.u32 s10, $0x3  }
0xf: {  	s0 =	sadd.s32 s6, s0;
	s7 =	ssub.s32 s7, s9;
	s6 =	sadd.s32 s2, s8  }
0x10: {  	s8 =	simm.s32 $0x6;
	s9 =	sor.u32 $0x1C06, s26;
	s10 =	sshrl.u32 s25, $0x3  }
0x11: {  	s25 =	simm.s32 $0x5;
	s26 =	simm.s32 $0x9AB0;
	s0 =	sadd.s32 $0x34A00, s0  }
0x12: {  	v0 =	vmov s3;
	s7 =	smax.u32 s7, $0x1;
	s23 =	sadd.s32 s14, s0;
	s0 =	simm.s32 $0x0  }
.LBB2_1:
0x13: {  	s2 =	simm.s32 $0x0  }
0x14: {  	[tilespmem:s2], [sflag:$0x6] =	stream.linear.gather [hbm4b:s6+s2], $0x4E20, $0x38;
	[tilespmem:$0x1DC90] =	vst v63  }
0x15: {  	_ =	swait.ge [sflag:s8], $0x4E20  }
0x16: {  	[sflag:s8] =	ssyncset.done $0x0  }
0x17: {  	[sflag:s8] =	ssyncadd.s32 $0xFFFFB1E0  }
0x18: {  	[spmem:s10], [sflag:s9] =	dma.local [hbm:s5], $0x186A  }
0x19: {  	_ =	swait.ge [sflag:s8], $0x186A  }
0x1a: {  	[sflag:s8] =	ssyncset.done $0x0  }
0x1b: {  	s3 =	simm.s32 $0x0;
	[sflag:s8] =	ssyncadd.s32 $0xFFFFE796  }
0x1c: {  	v1 =	vld [tilespmem:s3+$0x0]  }
0x1d: {  	v2 =	vld [tilespmem:s3+$0x10]  }
0x1e: {  	v5 =	vld [tilespmem:s3+$0x20]  }
0x1f: {  	v6 =	vld [tilespmem:s3+$0x30]  }
0x20: {  	v7 =	vld [tilespmem:s3+$0x40]  }
0x21: {  	v3 =	vshrl.u32 v1, $0x10;
	v1 =	vand.u32 $0xFFFF, v1  }
0x22: {  	[tilespmem:s3+$0x4E20] =	vst v3;
	v1 =	vadd.s32 v0, v1;
	v3 =	vand.u32 $0xFFFF, v2  }
0x23: {  	[tilespmem:s3+$0x0] =	vst v1;
	v1 =	vadd.s32 v0, v3;
	v3 =	vand.u32 $0xFFFF, v5  }
0x24: {  	[tilespmem:s3+$0x10] =	vst v1;
	v1 =	vadd.s32 v0, v3;
	v3 =	vand.u32 $0xFFFF, v6  }
0x25: {  	s2 =	simm.s32 $0x50;
	[tilespmem:s3+$0x20] =	vst v1;
	v1 =	vadd.s32 v0, v3;
	v3 =	vand.u32 $0xFFFF, v7  }
0x26: {  	v4 =	vld [tilespmem:s2+$0x0];
	[tilespmem:s3+$0x30] =	vst v1;
	v1 =	vadd.s32 v0, v3  }
0x27: {  	v3 =	vld [tilespmem:s2+$0x10];
	[tilespmem:s3+$0x40] =	vst v1;
	v1 =	vshrl.u32 v2, $0x10  }
0x28: {  	v8 =	vshrl.u32 v5, $0x10;
	v2 =	vld [tilespmem:s2+$0x20];
	[tilespmem:s3+$0x4E30] =	vst v1  }
0x29: {  	s14 =	simm.s32 $0x280;
	v5 =	vshrl.u32 v6, $0x10;
	v6 =	vshrl.u32 v7, $0x10;
	v1 =	vld [tilespmem:s2+$0x30];
	[tilespmem:s3+$0x4E40] =	vst v8  }
.LBB2_2:
0x2a: {  	p0 =	sne.s32 s14, $0x13740;
	v7 =	vld [tilespmem:s2+$0x40];
	[tilespmem:s3+$0x4E50] =	vst v5  }
0x2b: {  	v5 =	vshrl.u32 v4, $0x10;
	v4 =	vand.u32 $0xFFFF, v4;
	[tilespmem:s3+$0x4E60] =	vst v6;
	s3 =	smov.u32 s2  }
0x2c: {  	[tilespmem:s3+$0x4E20] =	vst v5;
	v4 =	vadd.s32 v0, v4;
	v8 =	vshrl.u32 v3, $0x10;
	v3 =	vand.u32 $0xFFFF, v3  }
0x2d: {  	[tilespmem:s3+$0x0] =	vst v4;
	v3 =	vadd.s32 v0, v3;
	v9 =	vshrl.u32 v2, $0x10;
	v2 =	vand.u32 $0xFFFF, v2  }
0x2e: {  	[tilespmem:s3+$0x10] =	vst v3;
	v2 =	vadd.s32 v0, v2;
	v5 =	vshrl.u32 v1, $0x10;
	v1 =	vand.u32 $0xFFFF, v1  }
.Ltmp0:
0x2f: {  	s2 =	sshra.s32 s14, $0x2;
	[tilespmem:s3+$0x20] =	vst v2;
	v1 =	vadd.s32 v0, v1;
	v6 =	vshrl.u32 v7, $0x10;
	v2 =	vand.u32 $0xFFFF, v7;
	(pc) =	sbr.rel @p0 .LBB2_2-.Ltmp0, $4  }
0x30: {  	v4 =	vld [tilespmem:s2+$0x0];
	[tilespmem:s3+$0x30] =	vst v1;
	v1 =	vadd.s32 v0, v2  }
0x31: {  	v3 =	vld [tilespmem:s2+$0x10];
	[tilespmem:s3+$0x40] =	vst v1  }
0x32: {  	v2 =	vld [tilespmem:s2+$0x20];
	[tilespmem:s3+$0x4E30] =	vst v8  }
0x33: {  	s14 =	sadd.s32 $0x140, s14;
	v1 =	vld [tilespmem:s2+$0x30];
	[tilespmem:s3+$0x4E40] =	vst v9  }
0x34: {  	v7 =	vld [tilespmem:s2+$0x40];
	[tilespmem:s3+$0x4E50] =	vst v5  }
0x35: {  	[tilespmem:s3+$0x4E60] =	vst v6;
	v54 =	vshrl.u32 v4, $0x10;
	v55 =	vand.u32 $0xFFFF, v4  }
0x36: {  	[tilespmem:s2+$0x4E20] =	vst v54;
	v4 =	vadd.s32 v0, v55  }
0x37: {  	v56 =	vand.u32 $0xFFFF, v3;
	v3 =	vshrl.u32 v3, $0x10;
	[tilespmem:s2+$0x0] =	vst v4  }
0x38: {  	v57 =	vadd.s32 v0, v56;
	[tilespmem:s2+$0x4E30] =	vst v3  }
0x39: {  	v58 =	vand.u32 $0xFFFF, v2;
	v2 =	vshrl.u32 v2, $0x10;
	[tilespmem:s2+$0x10] =	vst v57  }
0x3a: {  	v59 =	vadd.s32 v0, v58;
	[tilespmem:s2+$0x4E40] =	vst v2  }
0x3b: {  	v60 =	vand.u32 $0xFFFF, v1;
	v1 =	vshrl.u32 v1, $0x10;
	[tilespmem:s2+$0x20] =	vst v59  }
0x3c: {  	v61 =	vadd.s32 v0, v60;
	[tilespmem:s2+$0x4E50] =	vst v1  }
0x3d: {  	v62 =	vand.u32 $0xFFFF, v7;
	v2 =	vshrl.u32 v7, $0x10;
	[tilespmem:s2+$0x30] =	vst v61  }
0x3e: {  	v63 =	vadd.s32 v0, v62;
	[tilespmem:s2+$0x4E60] =	vst v2  }
0x3f: {  	[tilespmem:s2+$0x40] =	vst v63  }
0x40: {  	s14 =	simm.s32 $0x0;
	[bflag:$0x0] =	sbarrier.arrive $0xFFFF  }
0x41: {  	[tilespmem:s12], [sflag:$0x1] =	stream.indirect.gather [hbm4b:s4+s11], $0x50, s14, s11, $0xb8;
	[tilespmem:$0x1DC90] =	vst v63  }
0x42: {  	_ = 	snop  }
0x43: {  	[tilespmem:s13], [sflag:$0x2] =	stream.indirect.gather [hbm4b:s4+s11], $0x50, s11, s11, $0xb8;
	[tilespmem:$0x1DC90] =	vst v63  }
0x44: {  	s3 =	simm.s32 $0xA0  }
0x45: {  	[tilespmem:s15], [sflag:$0x3] =	stream.indirect.gather [hbm4b:s4+s11], $0x50, s3, s11, $0xb8;
	[tilespmem:$0x1DC90] =	vst v63  }
0x46: {  	_ = 	snop  }
0x47: {  	[tilespmem:s17], [sflag:$0x4] =	stream.indirect.gather [hbm4b:s4+s11], $0x50, s16, s11, $0xb8;
	[tilespmem:$0x1DC90] =	vst v63  }
0x48: {  	_ = 	snop  }
0x49: {  	[tilespmem:s19], [sflag:$0x5] =	stream.indirect.gather [hbm4b:s4+s11], $0x50, s18, s11, $0xb8;
	[tilespmem:$0x1DC90] =	vst v63  }
0x4a: {  	_ =	swait.ge [sflag:s20], $0x1900  }
0x4b: {  	[sflag:s20] =	ssyncset.done $0x0  }
0x4c: {  	s14 =	simm.s32 $0x4E20;
	[sflag:s20] =	ssyncadd.s32 $0xFFFFE700  }
0x4d: {  	[spmem:s1] =	stream.indirect.scatter.add.f32 [tilespmem:s12], [sflag:$0x6], $0x50, s14, s11, $0xb8;
	[tilespmem:$0x1DC90] =	vst v63  }
0x4e: {  	_ =	swait.ge [sflag:s8], $0x1900  }
0x4f: {  	[sflag:s8] =	ssyncset.done $0x0  }
0x50: {  	s3 =	simm.s32 $0x190;
	[sflag:s8] =	ssyncadd.s32 $0xFFFFE700  }
0x51: {  	[tilespmem:s12], [sflag:$0x1] =	stream.indirect.gather [hbm4b:s4+s11], $0x50, s3, s11, $0xb8;
	[tilespmem:$0x1DC90] =	vst v63  }
0x52: {  	_ =	swait.ge [sflag:s21], $0x1900  }
0x53: {  	[sflag:s21] =	ssyncset.done $0x0  }
0x54: {  	s14 =	simm.s32 $0x4E70;
	[sflag:s21] =	ssyncadd.s32 $0xFFFFE700  }
0x55: {  	[spmem:s1] =	stream.indirect.scatter.add.f32 [tilespmem:s13], [sflag:$0x6], $0x50, s14, s11, $0xb8;
	[tilespmem:$0x1DC90] =	vst v63  }
0x56: {  	_ =	swait.ge [sflag:s8], $0x1900  }
0x57: {  	[sflag:s8] =	ssyncset.done $0x0  }
0x58: {  	s3 =	simm.s32 $0x1E0;
	[sflag:s8] =	ssyncadd.s32 $0xFFFFE700  }
0x59: {  	[tilespmem:s13], [sflag:$0x2] =	stream.indirect.gather [hbm4b:s4+s11], $0x50, s3, s11, $0xb8;
	[tilespmem:$0x1DC90] =	vst v63  }
0x5a: {  	_ =	swait.ge [sflag:s22], $0x1900  }
0x5b: {  	[sflag:s22] =	ssyncset.done $0x0  }
0x5c: {  	s14 =	simm.s32 $0x4EC0;
	[sflag:s22] =	ssyncadd.s32 $0xFFFFE700  }
0x5d: {  	[spmem:s1] =	stream.indirect.scatter.add.f32 [tilespmem:s15], [sflag:$0x6], $0x50, s14, s11, $0xb8;
	[tilespmem:$0x1DC90] =	vst v63  }
0x5e: {  	_ =	swait.ge [sflag:s8], $0x1900  }
0x5f: {  	[sflag:s8] =	ssyncset.done $0x0  }
0x60: {  	s3 =	simm.s32 $0x230;
	[sflag:s8] =	ssyncadd.s32 $0xFFFFE700  }
0x61: {  	[tilespmem:s15], [sflag:$0x3] =	stream.indirect.gather [hbm4b:s4+s11], $0x50, s3, s11, $0xb8;
	[tilespmem:$0x1DC90] =	vst v63  }
0x62: {  	_ =	swait.ge [sflag:s24], $0x1900  }
0x63: {  	[sflag:s24] =	ssyncset.done $0x0  }
0x64: {  	s14 =	simm.s32 $0x4F10;
	[sflag:s24] =	ssyncadd.s32 $0xFFFFE700  }
0x65: {  	[spmem:s1] =	stream.indirect.scatter.add.f32 [tilespmem:s17], [sflag:$0x6], $0x50, s14, s11, $0xb8;
	[tilespmem:$0x1DC90] =	vst v63  }
0x66: {  	_ =	swait.ge [sflag:s8], $0x1900  }
0x67: {  	[sflag:s8] =	ssyncset.done $0x0  }
0x68: {  	s3 =	simm.s32 $0x280;
	[sflag:s8] =	ssyncadd.s32 $0xFFFFE700  }
0x69: {  	[tilespmem:s17], [sflag:$0x4] =	stream.indirect.gather [hbm4b:s4+s11], $0x50, s3, s11, $0xb8;
	[tilespmem:$0x1DC90] =	vst v63  }
0x6a: {  	_ =	swait.ge [sflag:s25], $0x1900  }
0x6b: {  	[sflag:s25] =	ssyncset.done $0x0  }
0x6c: {  	s14 =	simm.s32 $0x4F60;
	[sflag:s25] =	ssyncadd.s32 $0xFFFFE700  }
0x6d: {  	[spmem:s1] =	stream.indirect.scatter.add.f32 [tilespmem:s19], [sflag:$0x6], $0x50, s14, s11, $0xb8;
	[tilespmem:$0x1DC90] =	vst v63  }
0x6e: {  	_ =	swait.ge [sflag:s8], $0x1900  }
0x6f: {  	[sflag:s8] =	ssyncset.done $0x0  }
0x70: {  	s2 =	simm.s32 $0x2D0;
	s3 =	simm.s32 $0x640;
	[sflag:s8] =	ssyncadd.s32 $0xFFFFE700  }
.LBB2_4:
0x71: {  	[tilespmem:s19], [sflag:$0x5] =	stream.indirect.gather [hbm4b:s4+s11], $0x50, s2, s11, $0xb8;
	[tilespmem:$0x1DC90] =	vst v63  }
0x72: {  	s2 =	smov.u32 s3  }
0x73: {  	p0 =	sne.s32 s3, $0x12C00;
	s3 =	sadd.s32 $0x640, s3;
	_ =	swait.ge [sflag:s20], $0x1900  }
0x74: {  	s2 =	sshra.s32 s2, $0x2;
	[sflag:s20] =	ssyncset.done $0x0  }
0x75: {  	s14 =	sadd.s32 $0x4E20, s2;
	[sflag:s20] =	ssyncadd.s32 $0xFFFFE700  }
0x76: {  	[spmem:s1] =	stream.indirect.scatter.add.f32 [tilespmem:s12], [sflag:$0x6], $0x50, s14, s11, $0xb8;
	[tilespmem:$0x1DC90] =	vst v63  }
0x77: {  	_ =	swait.ge [sflag:s8], $0x1900  }
0x78: {  	[sflag:s8] =	ssyncset.done $0x0  }
0x79: {  	s14 =	sadd.s32 $0x190, s2;
	[sflag:s8] =	ssyncadd.s32 $0xFFFFE700  }
0x7a: {  	[tilespmem:s12], [sflag:$0x1] =	stream.indirect.gather [hbm4b:s4+s11], $0x50, s14, s11, $0xb8;
	[tilespmem:$0x1DC90] =	vst v63  }
0x7b: {  	_ =	swait.ge [sflag:s21], $0x1900  }
0x7c: {  	[sflag:s21] =	ssyncset.done $0x0  }
0x7d: {  	s14 =	sadd.s32 $0x4E70, s2;
	[sflag:s21] =	ssyncadd.s32 $0xFFFFE700  }
0x7e: {  	[spmem:s1] =	stream.indirect.scatter.add.f32 [tilespmem:s13], [sflag:$0x6], $0x50, s14, s11, $0xb8;
	[tilespmem:$0x1DC90] =	vst v63  }
0x7f: {  	_ =	swait.ge [sflag:s8], $0x1900  }
0x80: {  	[sflag:s8] =	ssyncset.done $0x0  }
0x81: {  	s14 =	sadd.s32 $0x1E0, s2;
	[sflag:s8] =	ssyncadd.s32 $0xFFFFE700  }
0x82: {  	[tilespmem:s13], [sflag:$0x2] =	stream.indirect.gather [hbm4b:s4+s11], $0x50, s14, s11, $0xb8;
	[tilespmem:$0x1DC90] =	vst v63  }
0x83: {  	_ =	swait.ge [sflag:s22], $0x1900  }
0x84: {  	[sflag:s22] =	ssyncset.done $0x0  }
0x85: {  	s14 =	sadd.s32 $0x4EC0, s2;
	[sflag:s22] =	ssyncadd.s32 $0xFFFFE700  }
0x86: {  	[spmem:s1] =	stream.indirect.scatter.add.f32 [tilespmem:s15], [sflag:$0x6], $0x50, s14, s11, $0xb8;
	[tilespmem:$0x1DC90] =	vst v63  }
0x87: {  	_ =	swait.ge [sflag:s8], $0x1900  }
0x88: {  	[sflag:s8] =	ssyncset.done $0x0  }
0x89: {  	s14 =	sadd.s32 $0x230, s2;
	[sflag:s8] =	ssyncadd.s32 $0xFFFFE700  }
0x8a: {  	[tilespmem:s15], [sflag:$0x3] =	stream.indirect.gather [hbm4b:s4+s11], $0x50, s14, s11, $0xb8;
	[tilespmem:$0x1DC90] =	vst v63  }
0x8b: {  	_ =	swait.ge [sflag:s24], $0x1900  }
0x8c: {  	[sflag:s24] =	ssyncset.done $0x0  }
0x8d: {  	s14 =	sadd.s32 $0x4F10, s2;
	[sflag:s24] =	ssyncadd.s32 $0xFFFFE700  }
0x8e: {  	[spmem:s1] =	stream.indirect.scatter.add.f32 [tilespmem:s17], [sflag:$0x6], $0x50, s14, s11, $0xb8;
	[tilespmem:$0x1DC90] =	vst v63  }
0x8f: {  	_ =	swait.ge [sflag:s8], $0x1900  }
0x90: {  	[sflag:s8] =	ssyncset.done $0x0  }
0x91: {  	s14 =	sadd.s32 $0x280, s2;
	[sflag:s8] =	ssyncadd.s32 $0xFFFFE700  }
0x92: {  	[tilespmem:s17], [sflag:$0x4] =	stream.indirect.gather [hbm4b:s4+s11], $0x50, s14, s11, $0xb8;
	[tilespmem:$0x1DC90] =	vst v63  }
0x93: {  	_ =	swait.ge [sflag:s25], $0x1900  }
0x94: {  	[sflag:s25] =	ssyncset.done $0x0  }
.Ltmp1:
0x95: {  	s14 =	sadd.s32 $0x4F60, s2;
	[sflag:s25] =	ssyncadd.s32 $0xFFFFE700;
	(pc) =	sbr.rel @p0 .LBB2_4-.Ltmp1, $4  }
0x96: {  	[spmem:s1] =	stream.indirect.scatter.add.f32 [tilespmem:s19], [sflag:$0x6], $0x50, s14, s11, $0xb8;
	[tilespmem:$0x1DC90] =	vst v63  }
0x97: {  	_ =	swait.ge [sflag:s8], $0x1900  }
0x98: {  	[sflag:s8] =	ssyncset.done $0x0  }
0x99: {  	s2 =	sadd.s32 $0x2D0, s2;
	[sflag:s8] =	ssyncadd.s32 $0xFFFFE700  }
0x9a: {  	[tilespmem:s19], [sflag:$0x5] =	stream.indirect.gather [hbm4b:s4+s11], $0x50, s2, s11, $0xb8;
	[tilespmem:$0x1DC90] =	vst v63  }
0x9b: {  	_ =	swait.ge [sflag:s20], $0x1900  }
0x9c: {  	[sflag:s20] =	ssyncset.done $0x0  }
0x9d: {  	[sflag:s20] =	ssyncadd.s32 $0xFFFFE700  }
0x9e: {  	[spmem:s1] =	stream.indirect.scatter.add.f32 [tilespmem:s12], [sflag:$0x6], $0x50, s26, s11, $0xb8;
	[tilespmem:$0x1DC90] =	vst v63  }
0x9f: {  	_ =	swait.ge [sflag:s8], $0x1900  }
0xa0: {  	[sflag:s8] =	ssyncset.done $0x0  }
0xa1: {  	[sflag:s8] =	ssyncadd.s32 $0xFFFFE700  }
0xa2: {  	_ =	swait.ge [sflag:s21], $0x1900  }
0xa3: {  	[sflag:s21] =	ssyncset.done $0x0  }
0xa4: {  	[sflag:s21] =	ssyncadd.s32 $0xFFFFE700  }
0xa5: {  	[spmem:s1] =	stream.indirect.scatter.add.f32 [tilespmem:s13], [sflag:$0x6], $0x50, s28, s11, $0xb8;
	[tilespmem:$0x1DC90] =	vst v63  }
0xa6: {  	_ =	swait.ge [sflag:s8], $0x1900  }
0xa7: {  	[sflag:s8] =	ssyncset.done $0x0  }
0xa8: {  	[sflag:s8] =	ssyncadd.s32 $0xFFFFE700  }
0xa9: {  	_ =	swait.ge [sflag:s22], $0x1900  }
0xaa: {  	[sflag:s22] =	ssyncset.done $0x0  }
0xab: {  	[sflag:s22] =	ssyncadd.s32 $0xFFFFE700  }
0xac: {  	[spmem:s1] =	stream.indirect.scatter.add.f32 [tilespmem:s15], [sflag:$0x6], $0x50, s29, s11, $0xb8;
	[tilespmem:$0x1DC90] =	vst v63  }
0xad: {  	_ =	swait.ge [sflag:s8], $0x1900  }
0xae: {  	[sflag:s8] =	ssyncset.done $0x0  }
0xaf: {  	[sflag:s8] =	ssyncadd.s32 $0xFFFFE700  }
0xb0: {  	_ =	swait.ge [sflag:s24], $0x1900  }
0xb1: {  	[sflag:s24] =	ssyncset.done $0x0  }
0xb2: {  	[sflag:s24] =	ssyncadd.s32 $0xFFFFE700  }
0xb3: {  	[spmem:s1] =	stream.indirect.scatter.add.f32 [tilespmem:s17], [sflag:$0x6], $0x50, s30, s11, $0xb8;
	[tilespmem:$0x1DC90] =	vst v63  }
0xb4: {  	_ =	swait.ge [sflag:s8], $0x1900  }
0xb5: {  	[sflag:s8] =	ssyncset.done $0x0  }
0xb6: {  	[sflag:s8] =	ssyncadd.s32 $0xFFFFE700  }
0xb7: {  	_ =	swait.ge [sflag:s25], $0x1900  }
0xb8: {  	[sflag:s25] =	ssyncset.done $0x0  }
0xb9: {  	[sflag:s25] =	ssyncadd.s32 $0xFFFFE700  }
0xba: {  	[spmem:s1] =	stream.indirect.scatter.add.f32 [tilespmem:s19], [sflag:$0x6], $0x50, s31, s11, $0xb8;
	[tilespmem:$0x1DC90] =	vst v63  }
0xbb: {  	_ =	swait.ge [sflag:s8], $0x1900  }
0xbc: {  	s0 =	sadd.s32 $0x1, s0;
	[sflag:s8] =	ssyncset.done $0x0  }
0xbd: {  	p0 =	sne.s32 s0, s7;
	[sflag:s8] =	ssyncadd.s32 $0xFFFFE700  }
.Ltmp2:
0xbe: {  	[bflag:$0x0] =	sbarrier.arrive $0xFFFF;
	(pc) =	sbr.rel @p0 .LBB2_1-.Ltmp2, $4  }
0xbf: {  	[hbm:s23], [sflag:s9] =	dma.local [spmem:s10], $0x186A  }
0xc0: {  	_ =	swait.ge [sflag:s8], $0x186A  }
0xc1: {  	[sflag:s8] =	ssyncset.done $0x0  }
0xc2: {  	[sflag:s8] =	ssyncadd.s32 $0xFFFFE796  }
0xc3: {  	_ =	sfence.sel $0x180000  }
0xc4: {  	[bflag:$0x0] =	sbarrier.arrive $0xFFFF  }
0xc5: {  	_ =	strace $0x90000047  }
0xc6: {  	s0 =	stileid.u32;
	[bflag:$0x2] =	sbarrier.arrive $0xFFFF  }
0xc7: {  	p0 =	sne.s32 s0, $0x0;
	s0 =	rddreg [dreg:$0x3]  }
0xc8: {  	s0 =	sadd.s32 @!p0 $0x100000, s0  }
0xc9: {  	[sflag:s0] =	ssyncadd.tile.s32 @!p0 $0x1;
	_ =	shalt  }
.Lfunc_end2:
_tile_overlayer_lowered:
.L_overlay_start_2:
0xca: {  	(tag) =	ssettag $0x2  }
0xcb: {  	s0 =	rddreg [dreg:$0x0];
	s2 =	stileid.u32  }
0xcc: {  	s1 =	rddreg [dreg:$0x1];
	p0 =	sne.s32 s2, $0x0  }
0xcd: {  	s3 =	rddreg [dreg:$0x2];
	[bflag:$0x3] =	sbarrier.arrive $0xFFFF;
	s2 =	simm.s32 @!p0 $0x1C06  }
0xce: {  	[timem:s3], [sflag:s2] =	dma.local @!p0 [hbm:s0], s1  }
0xcf: {  	s0 =	simm.s32 @!p0 $0x6  }
0xd0: {  	_ =	swait.ge @!p0 [sflag:s0], s1  }
0xd1: {  	s1 =	ssub.s32 @!p0 $0x0, s1;
	[sflag:s0] =	ssyncset.done @!p0 $0x0  }
0xd2: {  	[sflag:s0] =	ssyncadd.s32 @!p0 s1  }
0xd3: {  	[bflag:$0x3] =	sbarrier.arrive $0xFFFF  }
0xd4: {  	_ =	shalt  }

</sc_bundles>
